<compile_context>
chip_gen: v7x
topology: tpu7x:2x2x1
jax: 0.10.2.dev20260603
libtpu: 0.0.44.dev20260713+nightly
codegen_flags: <defaults>
</compile_context>

<pallas_src>
import jax
import jax.numpy as jnp
from jax import lax
from jax.experimental import pallas as pl
from jax.experimental.pallas import tpu as pltpu
from jax.experimental.pallas import tpu_sc as plsc

N_TOKENS = 256
HIDDEN = 64
B, C, H, W = 8, 3, 224, 224
RB = 8
HBLK = H // RB
ITEMS = B * C * HBLK
NW = 32
ITEMS_PER_W = ITEMS // NW
DB = 16
NDB = HIDDEN // DB
CGRP = W // 16


def _sc_body(x_hbm, tblt_hbm, out_hbm, tbl_v, idx_v, out_v,
             sem0, sem1, sem_idx):
    w = lax.axis_index("s") * 2 + lax.axis_index("c")
    sems = (sem0, sem1)

    pltpu.sync_copy(tblt_hbm, tbl_v)

    def item_coords(item):
        bc = item // HBLK
        hb = lax.rem(item, HBLK)
        return bc // C, lax.rem(bc, C), hb * RB

    def prefetch_idx(i, islot):
        bi, ci, h0 = item_coords(w * ITEMS_PER_W + i)
        pltpu.async_copy(x_hbm.at[bi, ci, pl.ds(h0, RB), :],
                         idx_v.at[islot], sem_idx)

    def compute_chunk(buf, db, islot):
        @plsc.parallel_loop(0, RB)
        def hr_body(hr):
            @plsc.parallel_loop(0, CGRP, unroll=2)
            def cg_body(cg):
                iv = idx_v[islot, hr, pl.ds(cg * 16, 16)]
                iv = iv + db * (DB // 2 * N_TOKENS)
                for dp in range(DB // 2):
                    word = plsc.load_gather(tbl_v, [iv])
                    lo = lax.bitcast_convert_type(
                        lax.shift_left(word, 16), jnp.float32)
                    hi = lax.bitcast_convert_type(
                        lax.bitwise_and(word, jnp.int32(-65536)), jnp.float32)
                    out_v[buf, 2 * dp, hr, pl.ds(cg * 16, 16)] = lo
                    out_v[buf, 2 * dp + 1, hr, pl.ds(cg * 16, 16)] = hi
                    iv = iv + N_TOKENS

    prefetch_idx(0, 0)

    def item_body(i, _):
        islot = lax.rem(i, 2)
        bi, ci, h0 = item_coords(w * ITEMS_PER_W + i)

        pltpu.make_async_copy(x_hbm.at[bi, ci, pl.ds(h0, RB), :],
                              idx_v.at[islot], sem_idx).wait()

        @pl.when(i + 1 < ITEMS_PER_W)
        def _():
            prefetch_idx(i + 1, 1 - islot)

        for db in range(NDB):
            buf = db % 2
            dst = out_hbm.at[bi, pl.ds(ci * HIDDEN + db * DB, DB),
                             pl.ds(h0, RB), :]

            if db >= 2:
                pltpu.make_async_copy(out_v.at[buf], dst, sems[buf]).wait()
            else:
                @pl.when(i > 0)
                def _():
                    pltpu.make_async_copy(out_v.at[buf], dst, sems[buf]).wait()

            compute_chunk(buf, db, islot)
            pltpu.async_copy(out_v.at[buf], dst, sems[buf])
        return 0

    lax.fori_loop(0, ITEMS_PER_W, item_body, 0)

    for buf in range(2):
        dst = out_hbm.at[0, pl.ds(0, DB), pl.ds(0, RB), :]
        pltpu.make_async_copy(out_v.at[buf], dst, sems[buf]).wait()


@jax.jit
def _run(x, tblt_flat):
    mesh = plsc.VectorSubcoreMesh(core_axis_name="c", subcore_axis_name="s")
    f = pl.kernel(
        _sc_body,
        out_type=jax.ShapeDtypeStruct((B, C * HIDDEN, H, W), jnp.float32),
        mesh=mesh,
        compiler_params=pltpu.CompilerParams(needs_layout_passes=False),
        scratch_types=[
            pltpu.VMEM((HIDDEN // 2 * N_TOKENS,), jnp.int32),
            pltpu.VMEM((2, RB, W), jnp.int32),
            pltpu.VMEM((2, DB, RB, W), jnp.float32),
            pltpu.SemaphoreType.DMA,
            pltpu.SemaphoreType.DMA,
            pltpu.SemaphoreType.DMA,
        ],
    )
    return f(x, tblt_flat)


def kernel(x, table):
    x = x.astype(jnp.int32)
    bits = lax.bitcast_convert_type(
        table.T.astype(jnp.bfloat16), jnp.uint16)
    words = bits[0::2].astype(jnp.uint32) | (
        bits[1::2].astype(jnp.uint32) << 16)
    tblt_packed = lax.bitcast_convert_type(words, jnp.int32).reshape(-1)
    return _run(x, tblt_packed)

# --- scband reference (transcript-rebuilt; emitter-appended) ---
"""Pipeline reference for scband-pixel-embedding-9242769622096 (READ-ONLY COPY).

The authoritative reference and input builder live on the scoring server;
editing this copy changes nothing except your own understanding.
"""

import jax, jax.numpy as jnp
import numpy as np

N_TOKENS = 256
HIDDEN = 64

def setup_inputs(seed: int = 0) -> dict:
    key = jax.random.key(seed)
    k1, k2 = jax.random.split(key)
    x = jax.random.randint(k1, (8, 3, 224, 224), 0, N_TOKENS, dtype=jnp.int64 if jax.config.jax_enable_x64 else jnp.int32)
    table = jax.random.normal(k2, (N_TOKENS, HIDDEN), dtype=jnp.float32)
    return {"x": x, "table": table}

def reference(x, table):
    B, C, H, W = x.shape
    emb = jnp.take(table, x, axis=0)           # [B, C, H, W, hidden]
    result = jnp.transpose(emb, (0, 1, 4, 2, 3))  # [B, C, hidden, H, W]
    result = result.reshape(B, -1, H, W)          # [B, C*hidden, H, W]
    return result

if __name__ == "__main__":
    import jax
    _d = setup_inputs()
    print(jax.jit(kernel)(*tuple(_d.values())))

</pallas_src>

<mosaic_0001>
#map = affine_map<(d0, d1) -> (0, 0, 0, 0)>
#map1 = affine_map<(d0, d1) -> (0)>
module attributes {stable_mosaic.version = 14 : i64} {
  func.func @_sc_body(%arg0: i32, %arg1: i32, %arg2: memref<8x3x224x224xi32, #tpu.memory_space<hbm>>, %arg3: memref<8192xi32, #tpu.memory_space<hbm>>, %arg4: memref<8x192x224x224xf32, #tpu.memory_space<hbm>>, %arg5: memref<8192xi32, #tpu.memory_space<vmem>>, %arg6: memref<2x8x224xi32, #tpu.memory_space<vmem>>, %arg7: memref<2x16x8x224xf32, #tpu.memory_space<vmem>>, %arg8: memref<!tpu.dma_semaphore, #tpu.memory_space<semaphore_mem>>, %arg9: memref<!tpu.dma_semaphore, #tpu.memory_space<semaphore_mem>>, %arg10: memref<!tpu.dma_semaphore, #tpu.memory_space<semaphore_mem>>) attributes {dimension_semantics = [#tpu.dimension_semantics<core_parallel>, #tpu.dimension_semantics<subcore_parallel>], iteration_bounds = array<i64: 2, 16>, scalar_prefetch = 0 : i64, scratch_operands = 6 : i64, tpu.core_type = #tpu.core_type<sc_vector_subcore>, window_params = [{transform_indices = #map}, {transform_indices = #map1}, {transform_indices = #map}]} {
    %mul3A = arith.constant 2 : i32
    %mul3A_0 = arith.muli %arg1, %mul3A : i32
    %add3A = arith.addi %mul3A_0, %arg0 : i32
    "tpu.region"() ({
      %run_scoped3A = tpu.sem_alloc : memref<!tpu.dma_semaphore, #tpu.memory_space<semaphore_mem>>
      tpu.enqueue_dma source(%arg3 : memref<8192xi32, #tpu.memory_space<hbm>>) target(%arg5 : memref<8192xi32, #tpu.memory_space<vmem>>) target_semaphore(%run_scoped3A : memref<!tpu.dma_semaphore, #tpu.memory_space<semaphore_mem>>)
      tpu.wait_dma2 semaphore(%run_scoped3A : memref<!tpu.dma_semaphore, #tpu.memory_space<semaphore_mem>>) src(%arg3 : memref<8192xi32, #tpu.memory_space<hbm>>) dst(%arg5 : memref<8192xi32, #tpu.memory_space<vmem>>)
      tpu.yield
    }) : () -> ()
    %mul3A_1 = arith.constant 21 : i32
    %mul3A_2 = arith.muli %add3A, %mul3A_1 : i32
    %add3A_3 = arith.constant 0 : i32
    %add3A_4 = arith.addi %mul3A_2, %add3A_3 : i32
    %jit3A = arith.constant 28 : i32
    %div3A = arith.divsi %add3A_4, %jit3A : i32
    %sign3A = arith.constant 0 : i32
    %sign3A_5 = arith.cmpi sgt, %add3A_4, %sign3A : i32
    %sign3A_6 = arith.extui %sign3A_5 : i1 to i32
    %sign3A_7 = arith.constant 0 : i32
    %sign3A_8 = arith.cmpi slt, %add3A_4, %sign3A_7 : i32
    %sign3A_9 = arith.extui %sign3A_8 : i1 to i32
    %sign3A_10 = arith.subi %sign3A_6, %sign3A_9 : i32
    %sign3A_11 = arith.constant 0 : i32
    %sign3A_12 = arith.cmpi sgt, %jit3A, %sign3A_11 : i32
    %sign3A_13 = arith.extui %sign3A_12 : i1 to i32
    %sign3A_14 = arith.constant 0 : i32
    %sign3A_15 = arith.cmpi slt, %jit3A, %sign3A_14 : i32
    %sign3A_16 = arith.extui %sign3A_15 : i1 to i32
    %sign3A_17 = arith.subi %sign3A_13, %sign3A_16 : i32
    %ne3A = arith.cmpi ne, %sign3A_10, %sign3A_17 : i32
    %rem3A = arith.remsi %add3A_4, %jit3A : i32
    %ne3A_18 = arith.constant 0 : i32
    %ne3A_19 = arith.cmpi ne, %rem3A, %ne3A_18 : i32
    %and3A = arith.andi %ne3A, %ne3A_19 : i1
    %sub3A = arith.constant 1 : i32
    %sub3A_20 = arith.subi %div3A, %sub3A : i32
    %select_n3A = arith.select %and3A, %sub3A_20, %div3A : i32
    %rem3A_21 = arith.constant 28 : i32
    %rem3A_22 = arith.remsi %add3A_4, %rem3A_21 : i32
    %jit3A_23 = arith.constant 3 : i32
    %div3A_24 = arith.divsi %select_n3A, %jit3A_23 : i32
    %sign3A_25 = arith.constant 0 : i32
    %sign3A_26 = arith.cmpi sgt, %select_n3A, %sign3A_25 : i32
    %sign3A_27 = arith.extui %sign3A_26 : i1 to i32
    %sign3A_28 = arith.constant 0 : i32
    %sign3A_29 = arith.cmpi slt, %select_n3A, %sign3A_28 : i32
    %sign3A_30 = arith.extui %sign3A_29 : i1 to i32
    %sign3A_31 = arith.subi %sign3A_27, %sign3A_30 : i32
    %sign3A_32 = arith.constant 0 : i32
    %sign3A_33 = arith.cmpi sgt, %jit3A_23, %sign3A_32 : i32
    %sign3A_34 = arith.extui %sign3A_33 : i1 to i32
    %sign3A_35 = arith.constant 0 : i32
    %sign3A_36 = arith.cmpi slt, %jit3A_23, %sign3A_35 : i32
    %sign3A_37 = arith.extui %sign3A_36 : i1 to i32
    %sign3A_38 = arith.subi %sign3A_34, %sign3A_37 : i32
    %ne3A_39 = arith.cmpi ne, %sign3A_31, %sign3A_38 : i32
    %rem3A_40 = arith.remsi %select_n3A, %jit3A_23 : i32
    %ne3A_41 = arith.constant 0 : i32
    %ne3A_42 = arith.cmpi ne, %rem3A_40, %ne3A_41 : i32
    %and3A_43 = arith.andi %ne3A_39, %ne3A_42 : i1
    %sub3A_44 = arith.constant 1 : i32
    %sub3A_45 = arith.subi %div3A_24, %sub3A_44 : i32
    %select_n3A_46 = arith.select %and3A_43, %sub3A_45, %div3A_24 : i32
    %rem3A_47 = arith.constant 3 : i32
    %rem3A_48 = arith.remsi %select_n3A, %rem3A_47 : i32
    %mul3A_49 = arith.constant 8 : i32
    %mul3A_50 = arith.muli %rem3A_22, %mul3A_49 : i32
    %dma_start3A = arith.constant 0 : i32
    %dma_start3A_51 = arith.constant 0 : i32
    %dma_start3A_52 = arith.constant 0 : i32
    %dma_start3A_53 = tpu.memref_slice %arg6[%dma_start3A, %dma_start3A_51, %dma_start3A_52] : memref<2x8x224xi32, #tpu.memory_space<vmem>> -> memref<1x8x224xi32, #tpu.memory_space<vmem>>
    %dma_start3A_54 = tpu.memref_squeeze %dma_start3A_53 : memref<1x8x224xi32, #tpu.memory_space<vmem>> -> memref<8x224xi32, #tpu.memory_space<vmem>>
    %dma_start3A_55 = arith.constant 0 : i32
    %dma_start3A_56 = tpu.memref_slice %arg2[%select_n3A_46, %rem3A_48, %mul3A_50, %dma_start3A_55] : memref<8x3x224x224xi32, #tpu.memory_space<hbm>> -> memref<1x1x8x224xi32, #tpu.memory_space<hbm>>
    %dma_start3A_57 = tpu.memref_squeeze %dma_start3A_56 : memref<1x1x8x224xi32, #tpu.memory_space<hbm>> -> memref<8x224xi32, #tpu.memory_space<hbm>>
    %dma_start3A_58 = arith.constant 0 : i32
    %dma_start3A_59 = arith.constant 0 : i32
    %dma_start3A_60 = tpu.memref_slice %arg6[%dma_start3A, %dma_start3A_58, %dma_start3A_59] : memref<2x8x224xi32, #tpu.memory_space<vmem>> -> memref<1x8x224xi32, #tpu.memory_space<vmem>>
    %dma_start3A_61 = tpu.memref_squeeze %dma_start3A_60 : memref<1x8x224xi32, #tpu.memory_space<vmem>> -> memref<8x224xi32, #tpu.memory_space<vmem>>
    %dma_start3A_62 = arith.constant 0 : i32
    %dma_start3A_63 = tpu.memref_slice %arg2[%select_n3A_46, %rem3A_48, %mul3A_50, %dma_start3A_62] : memref<8x3x224x224xi32, #tpu.memory_space<hbm>> -> memref<1x1x8x224xi32, #tpu.memory_space<hbm>>
    %dma_start3A_64 = tpu.memref_squeeze %dma_start3A_63 : memref<1x1x8x224xi32, #tpu.memory_space<hbm>> -> memref<8x224xi32, #tpu.memory_space<hbm>>
    tpu.enqueue_dma source(%dma_start3A_64 : memref<8x224xi32, #tpu.memory_space<hbm>>) target(%dma_start3A_61 : memref<8x224xi32, #tpu.memory_space<vmem>>) target_semaphore(%arg10 : memref<!tpu.dma_semaphore, #tpu.memory_space<semaphore_mem>>)
    %scan3A = arith.constant 0 : i32
    %scan3A_65 = arith.constant 0 : i32
    %scan3A_66 = arith.constant 21 : i32
    %scan3A_67 = arith.addi %scan3A_65, %scan3A_66 : i32
    %scan3A_68 = arith.constant 1 : i32
    %scan3A_69 = scf.for %scan3A_114 = %scan3A_65 to %scan3A_67 step %scan3A_68 iter_args(%scan3A_115 = %scan3A) -> (i32)  : i32 {
      %rem3A_116 = arith.constant 2 : i32
      %rem3A_117 = arith.remsi %scan3A_114, %rem3A_116 : i32
      %mul3A_118 = arith.constant 21 : i32
      %mul3A_119 = arith.muli %add3A, %mul3A_118 : i32
      %add3A_120 = arith.addi %mul3A_119, %scan3A_114 : i32
      %jit3A_121 = arith.constant 28 : i32
      %div3A_122 = arith.divsi %add3A_120, %jit3A_121 : i32
      %sign3A_123 = arith.constant 0 : i32
      %sign3A_124 = arith.cmpi sgt, %add3A_120, %sign3A_123 : i32
      %sign3A_125 = arith.extui %sign3A_124 : i1 to i32
      %sign3A_126 = arith.constant 0 : i32
      %sign3A_127 = arith.cmpi slt, %add3A_120, %sign3A_126 : i32
      %sign3A_128 = arith.extui %sign3A_127 : i1 to i32
      %sign3A_129 = arith.subi %sign3A_125, %sign3A_128 : i32
      %sign3A_130 = arith.constant 0 : i32
      %sign3A_131 = arith.cmpi sgt, %jit3A_121, %sign3A_130 : i32
      %sign3A_132 = arith.extui %sign3A_131 : i1 to i32
      %sign3A_133 = arith.constant 0 : i32
      %sign3A_134 = arith.cmpi slt, %jit3A_121, %sign3A_133 : i32
      %sign3A_135 = arith.extui %sign3A_134 : i1 to i32
      %sign3A_136 = arith.subi %sign3A_132, %sign3A_135 : i32
      %ne3A_137 = arith.cmpi ne, %sign3A_129, %sign3A_136 : i32
      %rem3A_138 = arith.remsi %add3A_120, %jit3A_121 : i32
      %ne3A_139 = arith.constant 0 : i32
      %ne3A_140 = arith.cmpi ne, %rem3A_138, %ne3A_139 : i32
      %and3A_141 = arith.andi %ne3A_137, %ne3A_140 : i1
      %sub3A_142 = arith.constant 1 : i32
      %sub3A_143 = arith.subi %div3A_122, %sub3A_142 : i32
      %select_n3A_144 = arith.select %and3A_141, %sub3A_143, %div3A_122 : i32
      %rem3A_145 = arith.constant 28 : i32
      %rem3A_146 = arith.remsi %add3A_120, %rem3A_145 : i32
      %jit3A_147 = arith.constant 3 : i32
      %div3A_148 = arith.divsi %select_n3A_144, %jit3A_147 : i32
      %sign3A_149 = arith.constant 0 : i32
      %sign3A_150 = arith.cmpi sgt, %select_n3A_144, %sign3A_149 : i32
      %sign3A_151 = arith.extui %sign3A_150 : i1 to i32
      %sign3A_152 = arith.constant 0 : i32
      %sign3A_153 = arith.cmpi slt, %select_n3A_144, %sign3A_152 : i32
      %sign3A_154 = arith.extui %sign3A_153 : i1 to i32
      %sign3A_155 = arith.subi %sign3A_151, %sign3A_154 : i32
      %sign3A_156 = arith.constant 0 : i32
      %sign3A_157 = arith.cmpi sgt, %jit3A_147, %sign3A_156 : i32
      %sign3A_158 = arith.extui %sign3A_157 : i1 to i32
      %sign3A_159 = arith.constant 0 : i32
      %sign3A_160 = arith.cmpi slt, %jit3A_147, %sign3A_159 : i32
      %sign3A_161 = arith.extui %sign3A_160 : i1 to i32
      %sign3A_162 = arith.subi %sign3A_158, %sign3A_161 : i32
      %ne3A_163 = arith.cmpi ne, %sign3A_155, %sign3A_162 : i32
      %rem3A_164 = arith.remsi %select_n3A_144, %jit3A_147 : i32
      %ne3A_165 = arith.constant 0 : i32
      %ne3A_166 = arith.cmpi ne, %rem3A_164, %ne3A_165 : i32
      %and3A_167 = arith.andi %ne3A_163, %ne3A_166 : i1
      %sub3A_168 = arith.constant 1 : i32
      %sub3A_169 = arith.subi %div3A_148, %sub3A_168 : i32
      %select_n3A_170 = arith.select %and3A_167, %sub3A_169, %div3A_148 : i32
      %rem3A_171 = arith.constant 3 : i32
      %rem3A_172 = arith.remsi %select_n3A_144, %rem3A_171 : i32
      %mul3A_173 = arith.constant 8 : i32
      %mul3A_174 = arith.muli %rem3A_146, %mul3A_173 : i32
      %dma_wait3A_175 = arith.constant 0 : i32
      %dma_wait3A_176 = arith.constant 0 : i32
      %dma_wait3A_177 = tpu.memref_slice %arg6[%rem3A_117, %dma_wait3A_175, %dma_wait3A_176] : memref<2x8x224xi32, #tpu.memory_space<vmem>> -> memref<1x8x224xi32, #tpu.memory_space<vmem>>
      %dma_wait3A_178 = tpu.memref_squeeze %dma_wait3A_177 : memref<1x8x224xi32, #tpu.memory_space<vmem>> -> memref<8x224xi32, #tpu.memory_space<vmem>>
      %dma_wait3A_179 = arith.constant 0 : i32
      %dma_wait3A_180 = tpu.memref_slice %arg2[%select_n3A_170, %rem3A_172, %mul3A_174, %dma_wait3A_179] : memref<8x3x224x224xi32, #tpu.memory_space<hbm>> -> memref<1x1x8x224xi32, #tpu.memory_space<hbm>>
      %dma_wait3A_181 = tpu.memref_squeeze %dma_wait3A_180 : memref<1x1x8x224xi32, #tpu.memory_space<hbm>> -> memref<8x224xi32, #tpu.memory_space<hbm>>
      %dma_wait3A_182 = arith.constant 0 : i32
      %dma_wait3A_183 = arith.constant 0 : i32
      %dma_wait3A_184 = tpu.memref_slice %arg6[%rem3A_117, %dma_wait3A_182, %dma_wait3A_183] : memref<2x8x224xi32, #tpu.memory_space<vmem>> -> memref<1x8x224xi32, #tpu.memory_space<vmem>>
      %dma_wait3A_185 = tpu.memref_squeeze %dma_wait3A_184 : memref<1x8x224xi32, #tpu.memory_space<vmem>> -> memref<8x224xi32, #tpu.memory_space<vmem>>
      %dma_wait3A_186 = arith.constant 0 : i32
      %dma_wait3A_187 = tpu.memref_slice %arg2[%select_n3A_170, %rem3A_172, %mul3A_174, %dma_wait3A_186] : memref<8x3x224x224xi32, #tpu.memory_space<hbm>> -> memref<1x1x8x224xi32, #tpu.memory_space<hbm>>
      %dma_wait3A_188 = tpu.memref_squeeze %dma_wait3A_187 : memref<1x1x8x224xi32, #tpu.memory_space<hbm>> -> memref<8x224xi32, #tpu.memory_space<hbm>>
      tpu.wait_dma2 semaphore(%arg10 : memref<!tpu.dma_semaphore, #tpu.memory_space<semaphore_mem>>) src(%dma_wait3A_188 : memref<8x224xi32, #tpu.memory_space<hbm>>) dst(%dma_wait3A_185 : memref<8x224xi32, #tpu.memory_space<vmem>>)
      %add3A_189 = arith.constant 1 : i32
      %add3A_190 = arith.addi %scan3A_114, %add3A_189 : i32
      %lt3A = arith.constant 21 : i32
      %lt3A_191 = arith.cmpi slt, %add3A_190, %lt3A : i32
      %convert_element_type3A = arith.extui %lt3A_191 : i1 to i32
      %cond3A = arith.constant 0 : i32
      %cond3A_192 = arith.cmpi ne, %convert_element_type3A, %cond3A : i32
      scf.if %cond3A_192 {
        %add3A_332 = arith.constant 1 : i32
        %add3A_333 = arith.addi %scan3A_114, %add3A_332 : i32
        %sub3A_334 = arith.constant 1 : i32
        %sub3A_335 = arith.subi %sub3A_334, %rem3A_117 : i32
        %mul3A_336 = arith.constant 21 : i32
        %mul3A_337 = arith.muli %add3A, %mul3A_336 : i32
        %add3A_338 = arith.addi %mul3A_337, %add3A_333 : i32
        %jit3A_339 = arith.constant 28 : i32
        %div3A_340 = arith.divsi %add3A_338, %jit3A_339 : i32
        %sign3A_341 = arith.constant 0 : i32
        %sign3A_342 = arith.cmpi sgt, %add3A_338, %sign3A_341 : i32
        %sign3A_343 = arith.extui %sign3A_342 : i1 to i32
        %sign3A_344 = arith.constant 0 : i32
        %sign3A_345 = arith.cmpi slt, %add3A_338, %sign3A_344 : i32
        %sign3A_346 = arith.extui %sign3A_345 : i1 to i32
        %sign3A_347 = arith.subi %sign3A_343, %sign3A_346 : i32
        %sign3A_348 = arith.constant 0 : i32
        %sign3A_349 = arith.cmpi sgt, %jit3A_339, %sign3A_348 : i32
        %sign3A_350 = arith.extui %sign3A_349 : i1 to i32
        %sign3A_351 = arith.constant 0 : i32
        %sign3A_352 = arith.cmpi slt, %jit3A_339, %sign3A_351 : i32
        %sign3A_353 = arith.extui %sign3A_352 : i1 to i32
        %sign3A_354 = arith.subi %sign3A_350, %sign3A_353 : i32
        %ne3A_355 = arith.cmpi ne, %sign3A_347, %sign3A_354 : i32
        %rem3A_356 = arith.remsi %add3A_338, %jit3A_339 : i32
        %ne3A_357 = arith.constant 0 : i32
        %ne3A_358 = arith.cmpi ne, %rem3A_356, %ne3A_357 : i32
        %and3A_359 = arith.andi %ne3A_355, %ne3A_358 : i1
        %sub3A_360 = arith.constant 1 : i32
        %sub3A_361 = arith.subi %div3A_340, %sub3A_360 : i32
        %select_n3A_362 = arith.select %and3A_359, %sub3A_361, %div3A_340 : i32
        %rem3A_363 = arith.constant 28 : i32
        %rem3A_364 = arith.remsi %add3A_338, %rem3A_363 : i32
        %jit3A_365 = arith.constant 3 : i32
        %div3A_366 = arith.divsi %select_n3A_362, %jit3A_365 : i32
        %sign3A_367 = arith.constant 0 : i32
        %sign3A_368 = arith.cmpi sgt, %select_n3A_362, %sign3A_367 : i32
        %sign3A_369 = arith.extui %sign3A_368 : i1 to i32
        %sign3A_370 = arith.constant 0 : i32
        %sign3A_371 = arith.cmpi slt, %select_n3A_362, %sign3A_370 : i32
        %sign3A_372 = arith.extui %sign3A_371 : i1 to i32
        %sign3A_373 = arith.subi %sign3A_369, %sign3A_372 : i32
        %sign3A_374 = arith.constant 0 : i32
        %sign3A_375 = arith.cmpi sgt, %jit3A_365, %sign3A_374 : i32
        %sign3A_376 = arith.extui %sign3A_375 : i1 to i32
        %sign3A_377 = arith.constant 0 : i32
        %sign3A_378 = arith.cmpi slt, %jit3A_365, %sign3A_377 : i32
        %sign3A_379 = arith.extui %sign3A_378 : i1 to i32
        %sign3A_380 = arith.subi %sign3A_376, %sign3A_379 : i32
        %ne3A_381 = arith.cmpi ne, %sign3A_373, %sign3A_380 : i32
        %rem3A_382 = arith.remsi %select_n3A_362, %jit3A_365 : i32
        %ne3A_383 = arith.constant 0 : i32
        %ne3A_384 = arith.cmpi ne, %rem3A_382, %ne3A_383 : i32
        %and3A_385 = arith.andi %ne3A_381, %ne3A_384 : i1
        %sub3A_386 = arith.constant 1 : i32
        %sub3A_387 = arith.subi %div3A_366, %sub3A_386 : i32
        %select_n3A_388 = arith.select %and3A_385, %sub3A_387, %div3A_366 : i32
        %rem3A_389 = arith.constant 3 : i32
        %rem3A_390 = arith.remsi %select_n3A_362, %rem3A_389 : i32
        %mul3A_391 = arith.constant 8 : i32
        %mul3A_392 = arith.muli %rem3A_364, %mul3A_391 : i32
        %dma_start3A_393 = arith.constant 0 : i32
        %dma_start3A_394 = arith.constant 0 : i32
        %dma_start3A_395 = tpu.memref_slice %arg6[%sub3A_335, %dma_start3A_393, %dma_start3A_394] : memref<2x8x224xi32, #tpu.memory_space<vmem>> -> memref<1x8x224xi32, #tpu.memory_space<vmem>>
        %dma_start3A_396 = tpu.memref_squeeze %dma_start3A_395 : memref<1x8x224xi32, #tpu.memory_space<vmem>> -> memref<8x224xi32, #tpu.memory_space<vmem>>
        %dma_start3A_397 = arith.constant 0 : i32
        %dma_start3A_398 = tpu.memref_slice %arg2[%select_n3A_388, %rem3A_390, %mul3A_392, %dma_start3A_397] : memref<8x3x224x224xi32, #tpu.memory_space<hbm>> -> memref<1x1x8x224xi32, #tpu.memory_space<hbm>>
        %dma_start3A_399 = tpu.memref_squeeze %dma_start3A_398 : memref<1x1x8x224xi32, #tpu.memory_space<hbm>> -> memref<8x224xi32, #tpu.memory_space<hbm>>
        %dma_start3A_400 = arith.constant 0 : i32
        %dma_start3A_401 = arith.constant 0 : i32
        %dma_start3A_402 = tpu.memref_slice %arg6[%sub3A_335, %dma_start3A_400, %dma_start3A_401] : memref<2x8x224xi32, #tpu.memory_space<vmem>> -> memref<1x8x224xi32, #tpu.memory_space<vmem>>
        %dma_start3A_403 = tpu.memref_squeeze %dma_start3A_402 : memref<1x8x224xi32, #tpu.memory_space<vmem>> -> memref<8x224xi32, #tpu.memory_space<vmem>>
        %dma_start3A_404 = arith.constant 0 : i32
        %dma_start3A_405 = tpu.memref_slice %arg2[%select_n3A_388, %rem3A_390, %mul3A_392, %dma_start3A_404] : memref<8x3x224x224xi32, #tpu.memory_space<hbm>> -> memref<1x1x8x224xi32, #tpu.memory_space<hbm>>
        %dma_start3A_406 = tpu.memref_squeeze %dma_start3A_405 : memref<1x1x8x224xi32, #tpu.memory_space<hbm>> -> memref<8x224xi32, #tpu.memory_space<hbm>>
        tpu.enqueue_dma source(%dma_start3A_406 : memref<8x224xi32, #tpu.memory_space<hbm>>) target(%dma_start3A_403 : memref<8x224xi32, #tpu.memory_space<vmem>>) target_semaphore(%arg10 : memref<!tpu.dma_semaphore, #tpu.memory_space<semaphore_mem>>)
      } else {
      }
      %mul3A_193 = arith.constant 64 : i32
      %mul3A_194 = arith.muli %rem3A_172, %mul3A_193 : i32
      %add3A_195 = arith.constant 0 : i32
      %add3A_196 = arith.addi %mul3A_194, %add3A_195 : i32
      %gt3A = arith.constant 0 : i32
      %gt3A_197 = arith.cmpi sgt, %scan3A_114, %gt3A : i32
      %convert_element_type3A_198 = arith.extui %gt3A_197 : i1 to i32
      %cond3A_199 = arith.constant 0 : i32
      %cond3A_200 = arith.cmpi ne, %convert_element_type3A_198, %cond3A_199 : i32
      scf.if %cond3A_200 {
        %dma_wait3A_332 = arith.constant 0 : i32
        %dma_wait3A_333 = arith.constant 0 : i32
        %dma_wait3A_334 = arith.constant 0 : i32
        %dma_wait3A_335 = arith.constant 0 : i32
        %dma_wait3A_336 = tpu.memref_slice %arg7[%dma_wait3A_332, %dma_wait3A_333, %dma_wait3A_334, %dma_wait3A_335] : memref<2x16x8x224xf32, #tpu.memory_space<vmem>> -> memref<1x16x8x224xf32, #tpu.memory_space<vmem>>
        %dma_wait3A_337 = tpu.memref_squeeze %dma_wait3A_336 : memref<1x16x8x224xf32, #tpu.memory_space<vmem>> -> memref<16x8x224xf32, #tpu.memory_space<vmem>>
        %dma_wait3A_338 = arith.constant 0 : i32
        %dma_wait3A_339 = tpu.memref_slice %arg4[%select_n3A_170, %add3A_196, %mul3A_174, %dma_wait3A_338] : memref<8x192x224x224xf32, #tpu.memory_space<hbm>> -> memref<1x16x8x224xf32, #tpu.memory_space<hbm>>
        %dma_wait3A_340 = tpu.memref_squeeze %dma_wait3A_339 : memref<1x16x8x224xf32, #tpu.memory_space<hbm>> -> memref<16x8x224xf32, #tpu.memory_space<hbm>>
        %dma_wait3A_341 = arith.constant 0 : i32
        %dma_wait3A_342 = tpu.memref_slice %arg4[%select_n3A_170, %add3A_196, %mul3A_174, %dma_wait3A_341] : memref<8x192x224x224xf32, #tpu.memory_space<hbm>> -> memref<1x16x8x224xf32, #tpu.memory_space<hbm>>
        %dma_wait3A_343 = tpu.memref_squeeze %dma_wait3A_342 : memref<1x16x8x224xf32, #tpu.memory_space<hbm>> -> memref<16x8x224xf32, #tpu.memory_space<hbm>>
        %dma_wait3A_344 = arith.constant 0 : i32
        %dma_wait3A_345 = arith.constant 0 : i32
        %dma_wait3A_346 = arith.constant 0 : i32
        %dma_wait3A_347 = tpu.memref_slice %arg7[%dma_wait3A_332, %dma_wait3A_344, %dma_wait3A_345, %dma_wait3A_346] : memref<2x16x8x224xf32, #tpu.memory_space<vmem>> -> memref<1x16x8x224xf32, #tpu.memory_space<vmem>>
        %dma_wait3A_348 = tpu.memref_squeeze %dma_wait3A_347 : memref<1x16x8x224xf32, #tpu.memory_space<vmem>> -> memref<16x8x224xf32, #tpu.memory_space<vmem>>
        tpu.wait_dma2 semaphore(%arg8 : memref<!tpu.dma_semaphore, #tpu.memory_space<semaphore_mem>>) src(%dma_wait3A_348 : memref<16x8x224xf32, #tpu.memory_space<vmem>>) dst(%dma_wait3A_343 : memref<16x8x224xf32, #tpu.memory_space<hbm>>)
      } else {
      }
      %parallel_loop3A = arith.constant 0 : i32
      %parallel_loop3A_201 = arith.constant 8 : i32
      %parallel_loop3A_202 = arith.constant 1 : i32
      scf.for %parallel_loop3A_332 = %parallel_loop3A to %parallel_loop3A_201 step %parallel_loop3A_202  : i32 {
        %parallel_loop3A_333 = arith.constant 0 : i32
        %parallel_loop3A_334 = arith.constant 14 : i32
        %parallel_loop3A_335 = arith.constant 1 : i32
        scf.for %parallel_loop3A_336 = %parallel_loop3A_333 to %parallel_loop3A_334 step %parallel_loop3A_335  : i32 {
          %parallel_loop3A_337 = arith.constant 16 : i32
          %parallel_loop3A_338 = arith.muli %parallel_loop3A_336, %parallel_loop3A_337 : i32
          %parallel_loop3A_339 = arith.index_cast %rem3A_117 : i32 to index
          %parallel_loop3A_340 = arith.index_cast %parallel_loop3A_332 : i32 to index
          %parallel_loop3A_341 = arith.index_cast %parallel_loop3A_338 : i32 to index
          %parallel_loop3A_342 = tpu.vector_load %arg6[%parallel_loop3A_339, %parallel_loop3A_340, %parallel_loop3A_341] {strides = array<i32>} : memref<2x8x224xi32, #tpu.memory_space<vmem>>, vector<16xi32>,
          %parallel_loop3A_343 = arith.constant 0 : i32
          %parallel_loop3A_344 = vector.broadcast %parallel_loop3A_343 : i32 to vector<16xi32>
          %parallel_loop3A_345 = arith.addi %parallel_loop3A_342, %parallel_loop3A_344 : vector<16xi32>
          %parallel_loop3A_346 = tpu.vector_load_idx %arg5[%parallel_loop3A_345] : memref<8192xi32, #tpu.memory_space<vmem>>[vector<16xi32>], vector<16xi32>,
          %parallel_loop3A_347 = arith.constant 16 : i32
          %parallel_loop3A_348 = vector.broadcast %parallel_loop3A_347 : i32 to vector<16xi32>
          %parallel_loop3A_349 = arith.shli %parallel_loop3A_346, %parallel_loop3A_348 : vector<16xi32>
          %parallel_loop3A_350 = tpu.bitcast %parallel_loop3A_349 : vector<16xi32> -> vector<16xf32>
          %parallel_loop3A_351 = arith.constant -65536 : i32
          %parallel_loop3A_352 = vector.broadcast %parallel_loop3A_351 : i32 to vector<16xi32>
          %parallel_loop3A_353 = arith.andi %parallel_loop3A_346, %parallel_loop3A_352 : vector<16xi32>
          %parallel_loop3A_354 = tpu.bitcast %parallel_loop3A_353 : vector<16xi32> -> vector<16xf32>
          %parallel_loop3A_355 = arith.constant 16 : i32
          %parallel_loop3A_356 = arith.muli %parallel_loop3A_336, %parallel_loop3A_355 : i32
          %parallel_loop3A_357 = arith.constant 0 : i32
          %parallel_loop3A_358 = arith.constant 0 : i32
          %parallel_loop3A_359 = arith.index_cast %parallel_loop3A_357 : i32 to index
          %parallel_loop3A_360 = arith.index_cast %parallel_loop3A_358 : i32 to index
          %parallel_loop3A_361 = arith.index_cast %parallel_loop3A_332 : i32 to index
          %parallel_loop3A_362 = arith.index_cast %parallel_loop3A_356 : i32 to index
          %parallel_loop3A_363 = tpu.vector_load %arg7[%parallel_loop3A_359, %parallel_loop3A_360, %parallel_loop3A_361, %parallel_loop3A_362] {strides = array<i32>} : memref<2x16x8x224xf32, #tpu.memory_space<vmem>>, vector<16xf32>,
          tpu.vector_store %arg7[%parallel_loop3A_359, %parallel_loop3A_360, %parallel_loop3A_361, %parallel_loop3A_362], %parallel_loop3A_350 {strides = array<i32>} : memref<2x16x8x224xf32, #tpu.memory_space<vmem>>, vector<16xf32>,
          %parallel_loop3A_364 = arith.constant 16 : i32
          %parallel_loop3A_365 = arith.muli %parallel_loop3A_336, %parallel_loop3A_364 : i32
          %parallel_loop3A_366 = arith.constant 0 : i32
          %parallel_loop3A_367 = arith.constant 1 : i32
          %parallel_loop3A_368 = arith.index_cast %parallel_loop3A_366 : i32 to index
          %parallel_loop3A_369 = arith.index_cast %parallel_loop3A_367 : i32 to index
          %parallel_loop3A_370 = arith.index_cast %parallel_loop3A_332 : i32 to index
          %parallel_loop3A_371 = arith.index_cast %parallel_loop3A_365 : i32 to index
          %parallel_loop3A_372 = tpu.vector_load %arg7[%parallel_loop3A_368, %parallel_loop3A_369, %parallel_loop3A_370, %parallel_loop3A_371] {strides = array<i32>} : memref<2x16x8x224xf32, #tpu.memory_space<vmem>>, vector<16xf32>,
          tpu.vector_store %arg7[%parallel_loop3A_368, %parallel_loop3A_369, %parallel_loop3A_370, %parallel_loop3A_371], %parallel_loop3A_354 {strides = array<i32>} : memref<2x16x8x224xf32, #tpu.memory_space<vmem>>, vector<16xf32>,
          %parallel_loop3A_373 = arith.constant 256 : i32
          %parallel_loop3A_374 = vector.broadcast %parallel_loop3A_373 : i32 to vector<16xi32>
          %parallel_loop3A_375 = arith.addi %parallel_loop3A_345, %parallel_loop3A_374 : vector<16xi32>
          %parallel_loop3A_376 = tpu.vector_load_idx %arg5[%parallel_loop3A_375] : memref<8192xi32, #tpu.memory_space<vmem>>[vector<16xi32>], vector<16xi32>,
          %parallel_loop3A_377 = arith.constant 16 : i32
          %parallel_loop3A_378 = vector.broadcast %parallel_loop3A_377 : i32 to vector<16xi32>
          %parallel_loop3A_379 = arith.shli %parallel_loop3A_376, %parallel_loop3A_378 : vector<16xi32>
          %parallel_loop3A_380 = tpu.bitcast %parallel_loop3A_379 : vector<16xi32> -> vector<16xf32>
          %parallel_loop3A_381 = arith.constant -65536 : i32
          %parallel_loop3A_382 = vector.broadcast %parallel_loop3A_381 : i32 to vector<16xi32>
          %parallel_loop3A_383 = arith.andi %parallel_loop3A_376, %parallel_loop3A_382 : vector<16xi32>
          %parallel_loop3A_384 = tpu.bitcast %parallel_loop3A_383 : vector<16xi32> -> vector<16xf32>
          %parallel_loop3A_385 = arith.constant 16 : i32
          %parallel_loop3A_386 = arith.muli %parallel_loop3A_336, %parallel_loop3A_385 : i32
          %parallel_loop3A_387 = arith.constant 0 : i32
          %parallel_loop3A_388 = arith.constant 2 : i32
          %parallel_loop3A_389 = arith.index_cast %parallel_loop3A_387 : i32 to index
          %parallel_loop3A_390 = arith.index_cast %parallel_loop3A_388 : i32 to index
          %parallel_loop3A_391 = arith.index_cast %parallel_loop3A_332 : i32 to index
          %parallel_loop3A_392 = arith.index_cast %parallel_loop3A_386 : i32 to index
          %parallel_loop3A_393 = tpu.vector_load %arg7[%parallel_loop3A_389, %parallel_loop3A_390, %parallel_loop3A_391, %parallel_loop3A_392] {strides = array<i32>} : memref<2x16x8x224xf32, #tpu.memory_space<vmem>>, vector<16xf32>,
          tpu.vector_store %arg7[%parallel_loop3A_389, %parallel_loop3A_390, %parallel_loop3A_391, %parallel_loop3A_392], %parallel_loop3A_380 {strides = array<i32>} : memref<2x16x8x224xf32, #tpu.memory_space<vmem>>, vector<16xf32>,
          %parallel_loop3A_394 = arith.constant 16 : i32
          %parallel_loop3A_395 = arith.muli %parallel_loop3A_336, %parallel_loop3A_394 : i32
          %parallel_loop3A_396 = arith.constant 0 : i32
          %parallel_loop3A_397 = arith.constant 3 : i32
          %parallel_loop3A_398 = arith.index_cast %parallel_loop3A_396 : i32 to index
          %parallel_loop3A_399 = arith.index_cast %parallel_loop3A_397 : i32 to index
          %parallel_loop3A_400 = arith.index_cast %parallel_loop3A_332 : i32 to index
          %parallel_loop3A_401 = arith.index_cast %parallel_loop3A_395 : i32 to index
          %parallel_loop3A_402 = tpu.vector_load %arg7[%parallel_loop3A_398, %parallel_loop3A_399, %parallel_loop3A_400, %parallel_loop3A_401] {strides = array<i32>} : memref<2x16x8x224xf32, #tpu.memory_space<vmem>>, vector<16xf32>,
          tpu.vector_store %arg7[%parallel_loop3A_398, %parallel_loop3A_399, %parallel_loop3A_400, %parallel_loop3A_401], %parallel_loop3A_384 {strides = array<i32>} : memref<2x16x8x224xf32, #tpu.memory_space<vmem>>, vector<16xf32>,
          %parallel_loop3A_403 = arith.constant 256 : i32
          %parallel_loop3A_404 = vector.broadcast %parallel_loop3A_403 : i32 to vector<16xi32>
          %parallel_loop3A_405 = arith.addi %parallel_loop3A_375, %parallel_loop3A_404 : vector<16xi32>
          %parallel_loop3A_406 = tpu.vector_load_idx %arg5[%parallel_loop3A_405] : memref<8192xi32, #tpu.memory_space<vmem>>[vector<16xi32>], vector<16xi32>,
          %parallel_loop3A_407 = arith.constant 16 : i32
          %parallel_loop3A_408 = vector.broadcast %parallel_loop3A_407 : i32 to vector<16xi32>
          %parallel_loop3A_409 = arith.shli %parallel_loop3A_406, %parallel_loop3A_408 : vector<16xi32>
          %parallel_loop3A_410 = tpu.bitcast %parallel_loop3A_409 : vector<16xi32> -> vector<16xf32>
          %parallel_loop3A_411 = arith.constant -65536 : i32
          %parallel_loop3A_412 = vector.broadcast %parallel_loop3A_411 : i32 to vector<16xi32>
          %parallel_loop3A_413 = arith.andi %parallel_loop3A_406, %parallel_loop3A_412 : vector<16xi32>
          %parallel_loop3A_414 = tpu.bitcast %parallel_loop3A_413 : vector<16xi32> -> vector<16xf32>
          %parallel_loop3A_415 = arith.constant 16 : i32
          %parallel_loop3A_416 = arith.muli %parallel_loop3A_336, %parallel_loop3A_415 : i32
          %parallel_loop3A_417 = arith.constant 0 : i32
          %parallel_loop3A_418 = arith.constant 4 : i32
          %parallel_loop3A_419 = arith.index_cast %parallel_loop3A_417 : i32 to index
          %parallel_loop3A_420 = arith.index_cast %parallel_loop3A_418 : i32 to index
          %parallel_loop3A_421 = arith.index_cast %parallel_loop3A_332 : i32 to index
          %parallel_loop3A_422 = arith.index_cast %parallel_loop3A_416 : i32 to index
          %parallel_loop3A_423 = tpu.vector_load %arg7[%parallel_loop3A_419, %parallel_loop3A_420, %parallel_loop3A_421, %parallel_loop3A_422] {strides = array<i32>} : memref<2x16x8x224xf32, #tpu.memory_space<vmem>>, vector<16xf32>,
          tpu.vector_store %arg7[%parallel_loop3A_419, %parallel_loop3A_420, %parallel_loop3A_421, %parallel_loop3A_422], %parallel_loop3A_410 {strides = array<i32>} : memref<2x16x8x224xf32, #tpu.memory_space<vmem>>, vector<16xf32>,
          %parallel_loop3A_424 = arith.constant 16 : i32
          %parallel_loop3A_425 = arith.muli %parallel_loop3A_336, %parallel_loop3A_424 : i32
          %parallel_loop3A_426 = arith.constant 0 : i32
          %parallel_loop3A_427 = arith.constant 5 : i32
          %parallel_loop3A_428 = arith.index_cast %parallel_loop3A_426 : i32 to index
          %parallel_loop3A_429 = arith.index_cast %parallel_loop3A_427 : i32 to index
          %parallel_loop3A_430 = arith.index_cast %parallel_loop3A_332 : i32 to index
          %parallel_loop3A_431 = arith.index_cast %parallel_loop3A_425 : i32 to index
          %parallel_loop3A_432 = tpu.vector_load %arg7[%parallel_loop3A_428, %parallel_loop3A_429, %parallel_loop3A_430, %parallel_loop3A_431] {strides = array<i32>} : memref<2x16x8x224xf32, #tpu.memory_space<vmem>>, vector<16xf32>,
          tpu.vector_store %arg7[%parallel_loop3A_428, %parallel_loop3A_429, %parallel_loop3A_430, %parallel_loop3A_431], %parallel_loop3A_414 {strides = array<i32>} : memref<2x16x8x224xf32, #tpu.memory_space<vmem>>, vector<16xf32>,
          %parallel_loop3A_433 = arith.constant 256 : i32
          %parallel_loop3A_434 = vector.broadcast %parallel_loop3A_433 : i32 to vector<16xi32>
          %parallel_loop3A_435 = arith.addi %parallel_loop3A_405, %parallel_loop3A_434 : vector<16xi32>
          %parallel_loop3A_436 = tpu.vector_load_idx %arg5[%parallel_loop3A_435] : memref<8192xi32, #tpu.memory_space<vmem>>[vector<16xi32>], vector<16xi32>,
          %parallel_loop3A_437 = arith.constant 16 : i32
          %parallel_loop3A_438 = vector.broadcast %parallel_loop3A_437 : i32 to vector<16xi32>
          %parallel_loop3A_439 = arith.shli %parallel_loop3A_436, %parallel_loop3A_438 : vector<16xi32>
          %parallel_loop3A_440 = tpu.bitcast %parallel_loop3A_439 : vector<16xi32> -> vector<16xf32>
          %parallel_loop3A_441 = arith.constant -65536 : i32
          %parallel_loop3A_442 = vector.broadcast %parallel_loop3A_441 : i32 to vector<16xi32>
          %parallel_loop3A_443 = arith.andi %parallel_loop3A_436, %parallel_loop3A_442 : vector<16xi32>
          %parallel_loop3A_444 = tpu.bitcast %parallel_loop3A_443 : vector<16xi32> -> vector<16xf32>
          %parallel_loop3A_445 = arith.constant 16 : i32
          %parallel_loop3A_446 = arith.muli %parallel_loop3A_336, %parallel_loop3A_445 : i32
          %parallel_loop3A_447 = arith.constant 0 : i32
          %parallel_loop3A_448 = arith.constant 6 : i32
          %parallel_loop3A_449 = arith.index_cast %parallel_loop3A_447 : i32 to index
          %parallel_loop3A_450 = arith.index_cast %parallel_loop3A_448 : i32 to index
          %parallel_loop3A_451 = arith.index_cast %parallel_loop3A_332 : i32 to index
          %parallel_loop3A_452 = arith.index_cast %parallel_loop3A_446 : i32 to index
          %parallel_loop3A_453 = tpu.vector_load %arg7[%parallel_loop3A_449, %parallel_loop3A_450, %parallel_loop3A_451, %parallel_loop3A_452] {strides = array<i32>} : memref<2x16x8x224xf32, #tpu.memory_space<vmem>>, vector<16xf32>,
          tpu.vector_store %arg7[%parallel_loop3A_449, %parallel_loop3A_450, %parallel_loop3A_451, %parallel_loop3A_452], %parallel_loop3A_440 {strides = array<i32>} : memref<2x16x8x224xf32, #tpu.memory_space<vmem>>, vector<16xf32>,
          %parallel_loop3A_454 = arith.constant 16 : i32
          %parallel_loop3A_455 = arith.muli %parallel_loop3A_336, %parallel_loop3A_454 : i32
          %parallel_loop3A_456 = arith.constant 0 : i32
          %parallel_loop3A_457 = arith.constant 7 : i32
          %parallel_loop3A_458 = arith.index_cast %parallel_loop3A_456 : i32 to index
          %parallel_loop3A_459 = arith.index_cast %parallel_loop3A_457 : i32 to index
          %parallel_loop3A_460 = arith.index_cast %parallel_loop3A_332 : i32 to index
          %parallel_loop3A_461 = arith.index_cast %parallel_loop3A_455 : i32 to index
          %parallel_loop3A_462 = tpu.vector_load %arg7[%parallel_loop3A_458, %parallel_loop3A_459, %parallel_loop3A_460, %parallel_loop3A_461] {strides = array<i32>} : memref<2x16x8x224xf32, #tpu.memory_space<vmem>>, vector<16xf32>,
          tpu.vector_store %arg7[%parallel_loop3A_458, %parallel_loop3A_459, %parallel_loop3A_460, %parallel_loop3A_461], %parallel_loop3A_444 {strides = array<i32>} : memref<2x16x8x224xf32, #tpu.memory_space<vmem>>, vector<16xf32>,
          %parallel_loop3A_463 = arith.constant 256 : i32
          %parallel_loop3A_464 = vector.broadcast %parallel_loop3A_463 : i32 to vector<16xi32>
          %parallel_loop3A_465 = arith.addi %parallel_loop3A_435, %parallel_loop3A_464 : vector<16xi32>
          %parallel_loop3A_466 = tpu.vector_load_idx %arg5[%parallel_loop3A_465] : memref<8192xi32, #tpu.memory_space<vmem>>[vector<16xi32>], vector<16xi32>,
          %parallel_loop3A_467 = arith.constant 16 : i32
          %parallel_loop3A_468 = vector.broadcast %parallel_loop3A_467 : i32 to vector<16xi32>
          %parallel_loop3A_469 = arith.shli %parallel_loop3A_466, %parallel_loop3A_468 : vector<16xi32>
          %parallel_loop3A_470 = tpu.bitcast %parallel_loop3A_469 : vector<16xi32> -> vector<16xf32>
          %parallel_loop3A_471 = arith.constant -65536 : i32
          %parallel_loop3A_472 = vector.broadcast %parallel_loop3A_471 : i32 to vector<16xi32>
          %parallel_loop3A_473 = arith.andi %parallel_loop3A_466, %parallel_loop3A_472 : vector<16xi32>
          %parallel_loop3A_474 = tpu.bitcast %parallel_loop3A_473 : vector<16xi32> -> vector<16xf32>
          %parallel_loop3A_475 = arith.constant 16 : i32
          %parallel_loop3A_476 = arith.muli %parallel_loop3A_336, %parallel_loop3A_475 : i32
          %parallel_loop3A_477 = arith.constant 0 : i32
          %parallel_loop3A_478 = arith.constant 8 : i32
          %parallel_loop3A_479 = arith.index_cast %parallel_loop3A_477 : i32 to index
          %parallel_loop3A_480 = arith.index_cast %parallel_loop3A_478 : i32 to index
          %parallel_loop3A_481 = arith.index_cast %parallel_loop3A_332 : i32 to index
          %parallel_loop3A_482 = arith.index_cast %parallel_loop3A_476 : i32 to index
          %parallel_loop3A_483 = tpu.vector_load %arg7[%parallel_loop3A_479, %parallel_loop3A_480, %parallel_loop3A_481, %parallel_loop3A_482] {strides = array<i32>} : memref<2x16x8x224xf32, #tpu.memory_space<vmem>>, vector<16xf32>,
          tpu.vector_store %arg7[%parallel_loop3A_479, %parallel_loop3A_480, %parallel_loop3A_481, %parallel_loop3A_482], %parallel_loop3A_470 {strides = array<i32>} : memref<2x16x8x224xf32, #tpu.memory_space<vmem>>, vector<16xf32>,
          %parallel_loop3A_484 = arith.constant 16 : i32
          %parallel_loop3A_485 = arith.muli %parallel_loop3A_336, %parallel_loop3A_484 : i32
          %parallel_loop3A_486 = arith.constant 0 : i32
          %parallel_loop3A_487 = arith.constant 9 : i32
          %parallel_loop3A_488 = arith.index_cast %parallel_loop3A_486 : i32 to index
          %parallel_loop3A_489 = arith.index_cast %parallel_loop3A_487 : i32 to index
          %parallel_loop3A_490 = arith.index_cast %parallel_loop3A_332 : i32 to index
          %parallel_loop3A_491 = arith.index_cast %parallel_loop3A_485 : i32 to index
          %parallel_loop3A_492 = tpu.vector_load %arg7[%parallel_loop3A_488, %parallel_loop3A_489, %parallel_loop3A_490, %parallel_loop3A_491] {strides = array<i32>} : memref<2x16x8x224xf32, #tpu.memory_space<vmem>>, vector<16xf32>,
          tpu.vector_store %arg7[%parallel_loop3A_488, %parallel_loop3A_489, %parallel_loop3A_490, %parallel_loop3A_491], %parallel_loop3A_474 {strides = array<i32>} : memref<2x16x8x224xf32, #tpu.memory_space<vmem>>, vector<16xf32>,
          %parallel_loop3A_493 = arith.constant 256 : i32
          %parallel_loop3A_494 = vector.broadcast %parallel_loop3A_493 : i32 to vector<16xi32>
          %parallel_loop3A_495 = arith.addi %parallel_loop3A_465, %parallel_loop3A_494 : vector<16xi32>
          %parallel_loop3A_496 = tpu.vector_load_idx %arg5[%parallel_loop3A_495] : memref<8192xi32, #tpu.memory_space<vmem>>[vector<16xi32>], vector<16xi32>,
          %parallel_loop3A_497 = arith.constant 16 : i32
          %parallel_loop3A_498 = vector.broadcast %parallel_loop3A_497 : i32 to vector<16xi32>
          %parallel_loop3A_499 = arith.shli %parallel_loop3A_496, %parallel_loop3A_498 : vector<16xi32>
          %parallel_loop3A_500 = tpu.bitcast %parallel_loop3A_499 : vector<16xi32> -> vector<16xf32>
          %parallel_loop3A_501 = arith.constant -65536 : i32
          %parallel_loop3A_502 = vector.broadcast %parallel_loop3A_501 : i32 to vector<16xi32>
          %parallel_loop3A_503 = arith.andi %parallel_loop3A_496, %parallel_loop3A_502 : vector<16xi32>
          %parallel_loop3A_504 = tpu.bitcast %parallel_loop3A_503 : vector<16xi32> -> vector<16xf32>
          %parallel_loop3A_505 = arith.constant 16 : i32
          %parallel_loop3A_506 = arith.muli %parallel_loop3A_336, %parallel_loop3A_505 : i32
          %parallel_loop3A_507 = arith.constant 0 : i32
          %parallel_loop3A_508 = arith.constant 10 : i32
          %parallel_loop3A_509 = arith.index_cast %parallel_loop3A_507 : i32 to index
          %parallel_loop3A_510 = arith.index_cast %parallel_loop3A_508 : i32 to index
          %parallel_loop3A_511 = arith.index_cast %parallel_loop3A_332 : i32 to index
          %parallel_loop3A_512 = arith.index_cast %parallel_loop3A_506 : i32 to index
          %parallel_loop3A_513 = tpu.vector_load %arg7[%parallel_loop3A_509, %parallel_loop3A_510, %parallel_loop3A_511, %parallel_loop3A_512] {strides = array<i32>} : memref<2x16x8x224xf32, #tpu.memory_space<vmem>>, vector<16xf32>,
          tpu.vector_store %arg7[%parallel_loop3A_509, %parallel_loop3A_510, %parallel_loop3A_511, %parallel_loop3A_512], %parallel_loop3A_500 {strides = array<i32>} : memref<2x16x8x224xf32, #tpu.memory_space<vmem>>, vector<16xf32>,
          %parallel_loop3A_514 = arith.constant 16 : i32
          %parallel_loop3A_515 = arith.muli %parallel_loop3A_336, %parallel_loop3A_514 : i32
          %parallel_loop3A_516 = arith.constant 0 : i32
          %parallel_loop3A_517 = arith.constant 11 : i32
          %parallel_loop3A_518 = arith.index_cast %parallel_loop3A_516 : i32 to index
          %parallel_loop3A_519 = arith.index_cast %parallel_loop3A_517 : i32 to index
          %parallel_loop3A_520 = arith.index_cast %parallel_loop3A_332 : i32 to index
          %parallel_loop3A_521 = arith.index_cast %parallel_loop3A_515 : i32 to index
          %parallel_loop3A_522 = tpu.vector_load %arg7[%parallel_loop3A_518, %parallel_loop3A_519, %parallel_loop3A_520, %parallel_loop3A_521] {strides = array<i32>} : memref<2x16x8x224xf32, #tpu.memory_space<vmem>>, vector<16xf32>,
          tpu.vector_store %arg7[%parallel_loop3A_518, %parallel_loop3A_519, %parallel_loop3A_520, %parallel_loop3A_521], %parallel_loop3A_504 {strides = array<i32>} : memref<2x16x8x224xf32, #tpu.memory_space<vmem>>, vector<16xf32>,
          %parallel_loop3A_523 = arith.constant 256 : i32
          %parallel_loop3A_524 = vector.broadcast %parallel_loop3A_523 : i32 to vector<16xi32>
          %parallel_loop3A_525 = arith.addi %parallel_loop3A_495, %parallel_loop3A_524 : vector<16xi32>
          %parallel_loop3A_526 = tpu.vector_load_idx %arg5[%parallel_loop3A_525] : memref<8192xi32, #tpu.memory_space<vmem>>[vector<16xi32>], vector<16xi32>,
          %parallel_loop3A_527 = arith.constant 16 : i32
          %parallel_loop3A_528 = vector.broadcast %parallel_loop3A_527 : i32 to vector<16xi32>
          %parallel_loop3A_529 = arith.shli %parallel_loop3A_526, %parallel_loop3A_528 : vector<16xi32>
          %parallel_loop3A_530 = tpu.bitcast %parallel_loop3A_529 : vector<16xi32> -> vector<16xf32>
          %parallel_loop3A_531 = arith.constant -65536 : i32
          %parallel_loop3A_532 = vector.broadcast %parallel_loop3A_531 : i32 to vector<16xi32>
          %parallel_loop3A_533 = arith.andi %parallel_loop3A_526, %parallel_loop3A_532 : vector<16xi32>
          %parallel_loop3A_534 = tpu.bitcast %parallel_loop3A_533 : vector<16xi32> -> vector<16xf32>
          %parallel_loop3A_535 = arith.constant 16 : i32
          %parallel_loop3A_536 = arith.muli %parallel_loop3A_336, %parallel_loop3A_535 : i32
          %parallel_loop3A_537 = arith.constant 0 : i32
          %parallel_loop3A_538 = arith.constant 12 : i32
          %parallel_loop3A_539 = arith.index_cast %parallel_loop3A_537 : i32 to index
          %parallel_loop3A_540 = arith.index_cast %parallel_loop3A_538 : i32 to index
          %parallel_loop3A_541 = arith.index_cast %parallel_loop3A_332 : i32 to index
          %parallel_loop3A_542 = arith.index_cast %parallel_loop3A_536 : i32 to index
          %parallel_loop3A_543 = tpu.vector_load %arg7[%parallel_loop3A_539, %parallel_loop3A_540, %parallel_loop3A_541, %parallel_loop3A_542] {strides = array<i32>} : memref<2x16x8x224xf32, #tpu.memory_space<vmem>>, vector<16xf32>,
          tpu.vector_store %arg7[%parallel_loop3A_539, %parallel_loop3A_540, %parallel_loop3A_541, %parallel_loop3A_542], %parallel_loop3A_530 {strides = array<i32>} : memref<2x16x8x224xf32, #tpu.memory_space<vmem>>, vector<16xf32>,
          %parallel_loop3A_544 = arith.constant 16 : i32
          %parallel_loop3A_545 = arith.muli %parallel_loop3A_336, %parallel_loop3A_544 : i32
          %parallel_loop3A_546 = arith.constant 0 : i32
          %parallel_loop3A_547 = arith.constant 13 : i32
          %parallel_loop3A_548 = arith.index_cast %parallel_loop3A_546 : i32 to index
          %parallel_loop3A_549 = arith.index_cast %parallel_loop3A_547 : i32 to index
          %parallel_loop3A_550 = arith.index_cast %parallel_loop3A_332 : i32 to index
          %parallel_loop3A_551 = arith.index_cast %parallel_loop3A_545 : i32 to index
          %parallel_loop3A_552 = tpu.vector_load %arg7[%parallel_loop3A_548, %parallel_loop3A_549, %parallel_loop3A_550, %parallel_loop3A_551] {strides = array<i32>} : memref<2x16x8x224xf32, #tpu.memory_space<vmem>>, vector<16xf32>,
          tpu.vector_store %arg7[%parallel_loop3A_548, %parallel_loop3A_549, %parallel_loop3A_550, %parallel_loop3A_551], %parallel_loop3A_534 {strides = array<i32>} : memref<2x16x8x224xf32, #tpu.memory_space<vmem>>, vector<16xf32>,
          %parallel_loop3A_553 = arith.constant 256 : i32
          %parallel_loop3A_554 = vector.broadcast %parallel_loop3A_553 : i32 to vector<16xi32>
          %parallel_loop3A_555 = arith.addi %parallel_loop3A_525, %parallel_loop3A_554 : vector<16xi32>
          %parallel_loop3A_556 = tpu.vector_load_idx %arg5[%parallel_loop3A_555] : memref<8192xi32, #tpu.memory_space<vmem>>[vector<16xi32>], vector<16xi32>,
          %parallel_loop3A_557 = arith.constant 16 : i32
          %parallel_loop3A_558 = vector.broadcast %parallel_loop3A_557 : i32 to vector<16xi32>
          %parallel_loop3A_559 = arith.shli %parallel_loop3A_556, %parallel_loop3A_558 : vector<16xi32>
          %parallel_loop3A_560 = tpu.bitcast %parallel_loop3A_559 : vector<16xi32> -> vector<16xf32>
          %parallel_loop3A_561 = arith.constant -65536 : i32
          %parallel_loop3A_562 = vector.broadcast %parallel_loop3A_561 : i32 to vector<16xi32>
          %parallel_loop3A_563 = arith.andi %parallel_loop3A_556, %parallel_loop3A_562 : vector<16xi32>
          %parallel_loop3A_564 = tpu.bitcast %parallel_loop3A_563 : vector<16xi32> -> vector<16xf32>
          %parallel_loop3A_565 = arith.constant 16 : i32
          %parallel_loop3A_566 = arith.muli %parallel_loop3A_336, %parallel_loop3A_565 : i32
          %parallel_loop3A_567 = arith.constant 0 : i32
          %parallel_loop3A_568 = arith.constant 14 : i32
          %parallel_loop3A_569 = arith.index_cast %parallel_loop3A_567 : i32 to index
          %parallel_loop3A_570 = arith.index_cast %parallel_loop3A_568 : i32 to index
          %parallel_loop3A_571 = arith.index_cast %parallel_loop3A_332 : i32 to index
          %parallel_loop3A_572 = arith.index_cast %parallel_loop3A_566 : i32 to index
          %parallel_loop3A_573 = tpu.vector_load %arg7[%parallel_loop3A_569, %parallel_loop3A_570, %parallel_loop3A_571, %parallel_loop3A_572] {strides = array<i32>} : memref<2x16x8x224xf32, #tpu.memory_space<vmem>>, vector<16xf32>,
          tpu.vector_store %arg7[%parallel_loop3A_569, %parallel_loop3A_570, %parallel_loop3A_571, %parallel_loop3A_572], %parallel_loop3A_560 {strides = array<i32>} : memref<2x16x8x224xf32, #tpu.memory_space<vmem>>, vector<16xf32>,
          %parallel_loop3A_574 = arith.constant 16 : i32
          %parallel_loop3A_575 = arith.muli %parallel_loop3A_336, %parallel_loop3A_574 : i32
          %parallel_loop3A_576 = arith.constant 0 : i32
          %parallel_loop3A_577 = arith.constant 15 : i32
          %parallel_loop3A_578 = arith.index_cast %parallel_loop3A_576 : i32 to index
          %parallel_loop3A_579 = arith.index_cast %parallel_loop3A_577 : i32 to index
          %parallel_loop3A_580 = arith.index_cast %parallel_loop3A_332 : i32 to index
          %parallel_loop3A_581 = arith.index_cast %parallel_loop3A_575 : i32 to index
          %parallel_loop3A_582 = tpu.vector_load %arg7[%parallel_loop3A_578, %parallel_loop3A_579, %parallel_loop3A_580, %parallel_loop3A_581] {strides = array<i32>} : memref<2x16x8x224xf32, #tpu.memory_space<vmem>>, vector<16xf32>,
          tpu.vector_store %arg7[%parallel_loop3A_578, %parallel_loop3A_579, %parallel_loop3A_580, %parallel_loop3A_581], %parallel_loop3A_564 {strides = array<i32>} : memref<2x16x8x224xf32, #tpu.memory_space<vmem>>, vector<16xf32>,
          %parallel_loop3A_583 = arith.constant 256 : i32
          %parallel_loop3A_584 = vector.broadcast %parallel_loop3A_583 : i32 to vector<16xi32>
          %parallel_loop3A_585 = arith.addi %parallel_loop3A_555, %parallel_loop3A_584 : vector<16xi32>
        } {sc.loop_unroll_factor = 2 : i64, sc.parallel_access}
      } {sc.loop_unroll_factor = 1 : i64, sc.parallel_access}
      %dma_start3A_203 = arith.constant 0 : i32
      %dma_start3A_204 = arith.constant 0 : i32
      %dma_start3A_205 = arith.constant 0 : i32
      %dma_start3A_206 = arith.constant 0 : i32
      %dma_start3A_207 = tpu.memref_slice %arg7[%dma_start3A_203, %dma_start3A_204, %dma_start3A_205, %dma_start3A_206] : memref<2x16x8x224xf32, #tpu.memory_space<vmem>> -> memref<1x16x8x224xf32, #tpu.memory_space<vmem>>
      %dma_start3A_208 = tpu.memref_squeeze %dma_start3A_207 : memref<1x16x8x224xf32, #tpu.memory_space<vmem>> -> memref<16x8x224xf32, #tpu.memory_space<vmem>>
      %dma_start3A_209 = arith.constant 0 : i32
      %dma_start3A_210 = tpu.memref_slice %arg4[%select_n3A_170, %add3A_196, %mul3A_174, %dma_start3A_209] : memref<8x192x224x224xf32, #tpu.memory_space<hbm>> -> memref<1x16x8x224xf32, #tpu.memory_space<hbm>>
      %dma_start3A_211 = tpu.memref_squeeze %dma_start3A_210 : memref<1x16x8x224xf32, #tpu.memory_space<hbm>> -> memref<16x8x224xf32, #tpu.memory_space<hbm>>
      %dma_start3A_212 = arith.constant 0 : i32
      %dma_start3A_213 = tpu.memref_slice %arg4[%select_n3A_170, %add3A_196, %mul3A_174, %dma_start3A_212] : memref<8x192x224x224xf32, #tpu.memory_space<hbm>> -> memref<1x16x8x224xf32, #tpu.memory_space<hbm>>
      %dma_start3A_214 = tpu.memref_squeeze %dma_start3A_213 : memref<1x16x8x224xf32, #tpu.memory_space<hbm>> -> memref<16x8x224xf32, #tpu.memory_space<hbm>>
      %dma_start3A_215 = arith.constant 0 : i32
      %dma_start3A_216 = arith.constant 0 : i32
      %dma_start3A_217 = arith.constant 0 : i32
      %dma_start3A_218 = tpu.memref_slice %arg7[%dma_start3A_203, %dma_start3A_215, %dma_start3A_216, %dma_start3A_217] : memref<2x16x8x224xf32, #tpu.memory_space<vmem>> -> memref<1x16x8x224xf32, #tpu.memory_space<vmem>>
      %dma_start3A_219 = tpu.memref_squeeze %dma_start3A_218 : memref<1x16x8x224xf32, #tpu.memory_space<vmem>> -> memref<16x8x224xf32, #tpu.memory_space<vmem>>
      tpu.enqueue_dma source(%dma_start3A_219 : memref<16x8x224xf32, #tpu.memory_space<vmem>>) target(%dma_start3A_214 : memref<16x8x224xf32, #tpu.memory_space<hbm>>) target_semaphore(%arg8 : memref<!tpu.dma_semaphore, #tpu.memory_space<semaphore_mem>>)
      %mul3A_220 = arith.constant 64 : i32
      %mul3A_221 = arith.muli %rem3A_172, %mul3A_220 : i32
      %add3A_222 = arith.constant 16 : i32
      %add3A_223 = arith.addi %mul3A_221, %add3A_222 : i32
      %gt3A_224 = arith.constant 0 : i32
      %gt3A_225 = arith.cmpi sgt, %scan3A_114, %gt3A_224 : i32
      %convert_element_type3A_226 = arith.extui %gt3A_225 : i1 to i32
      %cond3A_227 = arith.constant 0 : i32
      %cond3A_228 = arith.cmpi ne, %convert_element_type3A_226, %cond3A_227 : i32
      scf.if %cond3A_228 {
        %dma_wait3A_332 = arith.constant 1 : i32
        %dma_wait3A_333 = arith.constant 0 : i32
        %dma_wait3A_334 = arith.constant 0 : i32
        %dma_wait3A_335 = arith.constant 0 : i32
        %dma_wait3A_336 = tpu.memref_slice %arg7[%dma_wait3A_332, %dma_wait3A_333, %dma_wait3A_334, %dma_wait3A_335] : memref<2x16x8x224xf32, #tpu.memory_space<vmem>> -> memref<1x16x8x224xf32, #tpu.memory_space<vmem>>
        %dma_wait3A_337 = tpu.memref_squeeze %dma_wait3A_336 : memref<1x16x8x224xf32, #tpu.memory_space<vmem>> -> memref<16x8x224xf32, #tpu.memory_space<vmem>>
        %dma_wait3A_338 = arith.constant 0 : i32
        %dma_wait3A_339 = tpu.memref_slice %arg4[%select_n3A_170, %add3A_223, %mul3A_174, %dma_wait3A_338] : memref<8x192x224x224xf32, #tpu.memory_space<hbm>> -> memref<1x16x8x224xf32, #tpu.memory_space<hbm>>
        %dma_wait3A_340 = tpu.memref_squeeze %dma_wait3A_339 : memref<1x16x8x224xf32, #tpu.memory_space<hbm>> -> memref<16x8x224xf32, #tpu.memory_space<hbm>>
        %dma_wait3A_341 = arith.constant 0 : i32
        %dma_wait3A_342 = tpu.memref_slice %arg4[%select_n3A_170, %add3A_223, %mul3A_174, %dma_wait3A_341] : memref<8x192x224x224xf32, #tpu.memory_space<hbm>> -> memref<1x16x8x224xf32, #tpu.memory_space<hbm>>
        %dma_wait3A_343 = tpu.memref_squeeze %dma_wait3A_342 : memref<1x16x8x224xf32, #tpu.memory_space<hbm>> -> memref<16x8x224xf32, #tpu.memory_space<hbm>>
        %dma_wait3A_344 = arith.constant 0 : i32
        %dma_wait3A_345 = arith.constant 0 : i32
        %dma_wait3A_346 = arith.constant 0 : i32
        %dma_wait3A_347 = tpu.memref_slice %arg7[%dma_wait3A_332, %dma_wait3A_344, %dma_wait3A_345, %dma_wait3A_346] : memref<2x16x8x224xf32, #tpu.memory_space<vmem>> -> memref<1x16x8x224xf32, #tpu.memory_space<vmem>>
        %dma_wait3A_348 = tpu.memref_squeeze %dma_wait3A_347 : memref<1x16x8x224xf32, #tpu.memory_space<vmem>> -> memref<16x8x224xf32, #tpu.memory_space<vmem>>
        tpu.wait_dma2 semaphore(%arg9 : memref<!tpu.dma_semaphore, #tpu.memory_space<semaphore_mem>>) src(%dma_wait3A_348 : memref<16x8x224xf32, #tpu.memory_space<vmem>>) dst(%dma_wait3A_343 : memref<16x8x224xf32, #tpu.memory_space<hbm>>)
      } else {
      }
      %parallel_loop3A_229 = arith.constant 0 : i32
      %parallel_loop3A_230 = arith.constant 8 : i32
      %parallel_loop3A_231 = arith.constant 1 : i32
      scf.for %parallel_loop3A_332 = %parallel_loop3A_229 to %parallel_loop3A_230 step %parallel_loop3A_231  : i32 {
        %parallel_loop3A_333 = arith.constant 0 : i32
        %parallel_loop3A_334 = arith.constant 14 : i32
        %parallel_loop3A_335 = arith.constant 1 : i32
        scf.for %parallel_loop3A_336 = %parallel_loop3A_333 to %parallel_loop3A_334 step %parallel_loop3A_335  : i32 {
          %parallel_loop3A_337 = arith.constant 16 : i32
          %parallel_loop3A_338 = arith.muli %parallel_loop3A_336, %parallel_loop3A_337 : i32
          %parallel_loop3A_339 = arith.index_cast %rem3A_117 : i32 to index
          %parallel_loop3A_340 = arith.index_cast %parallel_loop3A_332 : i32 to index
          %parallel_loop3A_341 = arith.index_cast %parallel_loop3A_338 : i32 to index
          %parallel_loop3A_342 = tpu.vector_load %arg6[%parallel_loop3A_339, %parallel_loop3A_340, %parallel_loop3A_341] {strides = array<i32>} : memref<2x8x224xi32, #tpu.memory_space<vmem>>, vector<16xi32>,
          %parallel_loop3A_343 = arith.constant 2048 : i32
          %parallel_loop3A_344 = vector.broadcast %parallel_loop3A_343 : i32 to vector<16xi32>
          %parallel_loop3A_345 = arith.addi %parallel_loop3A_342, %parallel_loop3A_344 : vector<16xi32>
          %parallel_loop3A_346 = tpu.vector_load_idx %arg5[%parallel_loop3A_345] : memref<8192xi32, #tpu.memory_space<vmem>>[vector<16xi32>], vector<16xi32>,
          %parallel_loop3A_347 = arith.constant 16 : i32
          %parallel_loop3A_348 = vector.broadcast %parallel_loop3A_347 : i32 to vector<16xi32>
          %parallel_loop3A_349 = arith.shli %parallel_loop3A_346, %parallel_loop3A_348 : vector<16xi32>
          %parallel_loop3A_350 = tpu.bitcast %parallel_loop3A_349 : vector<16xi32> -> vector<16xf32>
          %parallel_loop3A_351 = arith.constant -65536 : i32
          %parallel_loop3A_352 = vector.broadcast %parallel_loop3A_351 : i32 to vector<16xi32>
          %parallel_loop3A_353 = arith.andi %parallel_loop3A_346, %parallel_loop3A_352 : vector<16xi32>
          %parallel_loop3A_354 = tpu.bitcast %parallel_loop3A_353 : vector<16xi32> -> vector<16xf32>
          %parallel_loop3A_355 = arith.constant 16 : i32
          %parallel_loop3A_356 = arith.muli %parallel_loop3A_336, %parallel_loop3A_355 : i32
          %parallel_loop3A_357 = arith.constant 1 : i32
          %parallel_loop3A_358 = arith.constant 0 : i32
          %parallel_loop3A_359 = arith.index_cast %parallel_loop3A_357 : i32 to index
          %parallel_loop3A_360 = arith.index_cast %parallel_loop3A_358 : i32 to index
          %parallel_loop3A_361 = arith.index_cast %parallel_loop3A_332 : i32 to index
          %parallel_loop3A_362 = arith.index_cast %parallel_loop3A_356 : i32 to index
          %parallel_loop3A_363 = tpu.vector_load %arg7[%parallel_loop3A_359, %parallel_loop3A_360, %parallel_loop3A_361, %parallel_loop3A_362] {strides = array<i32>} : memref<2x16x8x224xf32, #tpu.memory_space<vmem>>, vector<16xf32>,
          tpu.vector_store %arg7[%parallel_loop3A_359, %parallel_loop3A_360, %parallel_loop3A_361, %parallel_loop3A_362], %parallel_loop3A_350 {strides = array<i32>} : memref<2x16x8x224xf32, #tpu.memory_space<vmem>>, vector<16xf32>,
          %parallel_loop3A_364 = arith.constant 16 : i32
          %parallel_loop3A_365 = arith.muli %parallel_loop3A_336, %parallel_loop3A_364 : i32
          %parallel_loop3A_366 = arith.constant 1 : i32
          %parallel_loop3A_367 = arith.constant 1 : i32
          %parallel_loop3A_368 = arith.index_cast %parallel_loop3A_366 : i32 to index
          %parallel_loop3A_369 = arith.index_cast %parallel_loop3A_367 : i32 to index
          %parallel_loop3A_370 = arith.index_cast %parallel_loop3A_332 : i32 to index
          %parallel_loop3A_371 = arith.index_cast %parallel_loop3A_365 : i32 to index
          %parallel_loop3A_372 = tpu.vector_load %arg7[%parallel_loop3A_368, %parallel_loop3A_369, %parallel_loop3A_370, %parallel_loop3A_371] {strides = array<i32>} : memref<2x16x8x224xf32, #tpu.memory_space<vmem>>, vector<16xf32>,
          tpu.vector_store %arg7[%parallel_loop3A_368, %parallel_loop3A_369, %parallel_loop3A_370, %parallel_loop3A_371], %parallel_loop3A_354 {strides = array<i32>} : memref<2x16x8x224xf32, #tpu.memory_space<vmem>>, vector<16xf32>,
          %parallel_loop3A_373 = arith.constant 256 : i32
          %parallel_loop3A_374 = vector.broadcast %parallel_loop3A_373 : i32 to vector<16xi32>
          %parallel_loop3A_375 = arith.addi %parallel_loop3A_345, %parallel_loop3A_374 : vector<16xi32>
          %parallel_loop3A_376 = tpu.vector_load_idx %arg5[%parallel_loop3A_375] : memref<8192xi32, #tpu.memory_space<vmem>>[vector<16xi32>], vector<16xi32>,
          %parallel_loop3A_377 = arith.constant 16 : i32
          %parallel_loop3A_378 = vector.broadcast %parallel_loop3A_377 : i32 to vector<16xi32>
          %parallel_loop3A_379 = arith.shli %parallel_loop3A_376, %parallel_loop3A_378 : vector<16xi32>
          %parallel_loop3A_380 = tpu.bitcast %parallel_loop3A_379 : vector<16xi32> -> vector<16xf32>
          %parallel_loop3A_381 = arith.constant -65536 : i32
          %parallel_loop3A_382 = vector.broadcast %parallel_loop3A_381 : i32 to vector<16xi32>
          %parallel_loop3A_383 = arith.andi %parallel_loop3A_376, %parallel_loop3A_382 : vector<16xi32>
          %parallel_loop3A_384 = tpu.bitcast %parallel_loop3A_383 : vector<16xi32> -> vector<16xf32>
          %parallel_loop3A_385 = arith.constant 16 : i32
          %parallel_loop3A_386 = arith.muli %parallel_loop3A_336, %parallel_loop3A_385 : i32
          %parallel_loop3A_387 = arith.constant 1 : i32
          %parallel_loop3A_388 = arith.constant 2 : i32
          %parallel_loop3A_389 = arith.index_cast %parallel_loop3A_387 : i32 to index
          %parallel_loop3A_390 = arith.index_cast %parallel_loop3A_388 : i32 to index
          %parallel_loop3A_391 = arith.index_cast %parallel_loop3A_332 : i32 to index
          %parallel_loop3A_392 = arith.index_cast %parallel_loop3A_386 : i32 to index
          %parallel_loop3A_393 = tpu.vector_load %arg7[%parallel_loop3A_389, %parallel_loop3A_390, %parallel_loop3A_391, %parallel_loop3A_392] {strides = array<i32>} : memref<2x16x8x224xf32, #tpu.memory_space<vmem>>, vector<16xf32>,
          tpu.vector_store %arg7[%parallel_loop3A_389, %parallel_loop3A_390, %parallel_loop3A_391, %parallel_loop3A_392], %parallel_loop3A_380 {strides = array<i32>} : memref<2x16x8x224xf32, #tpu.memory_space<vmem>>, vector<16xf32>,
          %parallel_loop3A_394 = arith.constant 16 : i32
          %parallel_loop3A_395 = arith.muli %parallel_loop3A_336, %parallel_loop3A_394 : i32
          %parallel_loop3A_396 = arith.constant 1 : i32
          %parallel_loop3A_397 = arith.constant 3 : i32
          %parallel_loop3A_398 = arith.index_cast %parallel_loop3A_396 : i32 to index
          %parallel_loop3A_399 = arith.index_cast %parallel_loop3A_397 : i32 to index
          %parallel_loop3A_400 = arith.index_cast %parallel_loop3A_332 : i32 to index
          %parallel_loop3A_401 = arith.index_cast %parallel_loop3A_395 : i32 to index
          %parallel_loop3A_402 = tpu.vector_load %arg7[%parallel_loop3A_398, %parallel_loop3A_399, %parallel_loop3A_400, %parallel_loop3A_401] {strides = array<i32>} : memref<2x16x8x224xf32, #tpu.memory_space<vmem>>, vector<16xf32>,
          tpu.vector_store %arg7[%parallel_loop3A_398, %parallel_loop3A_399, %parallel_loop3A_400, %parallel_loop3A_401], %parallel_loop3A_384 {strides = array<i32>} : memref<2x16x8x224xf32, #tpu.memory_space<vmem>>, vector<16xf32>,
          %parallel_loop3A_403 = arith.constant 256 : i32
          %parallel_loop3A_404 = vector.broadcast %parallel_loop3A_403 : i32 to vector<16xi32>
          %parallel_loop3A_405 = arith.addi %parallel_loop3A_375, %parallel_loop3A_404 : vector<16xi32>
          %parallel_loop3A_406 = tpu.vector_load_idx %arg5[%parallel_loop3A_405] : memref<8192xi32, #tpu.memory_space<vmem>>[vector<16xi32>], vector<16xi32>,
          %parallel_loop3A_407 = arith.constant 16 : i32
          %parallel_loop3A_408 = vector.broadcast %parallel_loop3A_407 : i32 to vector<16xi32>
          %parallel_loop3A_409 = arith.shli %parallel_loop3A_406, %parallel_loop3A_408 : vector<16xi32>
          %parallel_loop3A_410 = tpu.bitcast %parallel_loop3A_409 : vector<16xi32> -> vector<16xf32>
          %parallel_loop3A_411 = arith.constant -65536 : i32
          %parallel_loop3A_412 = vector.broadcast %parallel_loop3A_411 : i32 to vector<16xi32>
          %parallel_loop3A_413 = arith.andi %parallel_loop3A_406, %parallel_loop3A_412 : vector<16xi32>
          %parallel_loop3A_414 = tpu.bitcast %parallel_loop3A_413 : vector<16xi32> -> vector<16xf32>
          %parallel_loop3A_415 = arith.constant 16 : i32
          %parallel_loop3A_416 = arith.muli %parallel_loop3A_336, %parallel_loop3A_415 : i32
          %parallel_loop3A_417 = arith.constant 1 : i32
          %parallel_loop3A_418 = arith.constant 4 : i32
          %parallel_loop3A_419 = arith.index_cast %parallel_loop3A_417 : i32 to index
          %parallel_loop3A_420 = arith.index_cast %parallel_loop3A_418 : i32 to index
          %parallel_loop3A_421 = arith.index_cast %parallel_loop3A_332 : i32 to index
          %parallel_loop3A_422 = arith.index_cast %parallel_loop3A_416 : i32 to index
          %parallel_loop3A_423 = tpu.vector_load %arg7[%parallel_loop3A_419, %parallel_loop3A_420, %parallel_loop3A_421, %parallel_loop3A_422] {strides = array<i32>} : memref<2x16x8x224xf32, #tpu.memory_space<vmem>>, vector<16xf32>,
          tpu.vector_store %arg7[%parallel_loop3A_419, %parallel_loop3A_420, %parallel_loop3A_421, %parallel_loop3A_422], %parallel_loop3A_410 {strides = array<i32>} : memref<2x16x8x224xf32, #tpu.memory_space<vmem>>, vector<16xf32>,
          %parallel_loop3A_424 = arith.constant 16 : i32
          %parallel_loop3A_425 = arith.muli %parallel_loop3A_336, %parallel_loop3A_424 : i32
          %parallel_loop3A_426 = arith.constant 1 : i32
          %parallel_loop3A_427 = arith.constant 5 : i32
          %parallel_loop3A_428 = arith.index_cast %parallel_loop3A_426 : i32 to index
          %parallel_loop3A_429 = arith.index_cast %parallel_loop3A_427 : i32 to index
          %parallel_loop3A_430 = arith.index_cast %parallel_loop3A_332 : i32 to index
          %parallel_loop3A_431 = arith.index_cast %parallel_loop3A_425 : i32 to index
          %parallel_loop3A_432 = tpu.vector_load %arg7[%parallel_loop3A_428, %parallel_loop3A_429, %parallel_loop3A_430, %parallel_loop3A_431] {strides = array<i32>} : memref<2x16x8x224xf32, #tpu.memory_space<vmem>>, vector<16xf32>,
          tpu.vector_store %arg7[%parallel_loop3A_428, %parallel_loop3A_429, %parallel_loop3A_430, %parallel_loop3A_431], %parallel_loop3A_414 {strides = array<i32>} : memref<2x16x8x224xf32, #tpu.memory_space<vmem>>, vector<16xf32>,
          %parallel_loop3A_433 = arith.constant 256 : i32
          %parallel_loop3A_434 = vector.broadcast %parallel_loop3A_433 : i32 to vector<16xi32>
          %parallel_loop3A_435 = arith.addi %parallel_loop3A_405, %parallel_loop3A_434 : vector<16xi32>
          %parallel_loop3A_436 = tpu.vector_load_idx %arg5[%parallel_loop3A_435] : memref<8192xi32, #tpu.memory_space<vmem>>[vector<16xi32>], vector<16xi32>,
          %parallel_loop3A_437 = arith.constant 16 : i32
          %parallel_loop3A_438 = vector.broadcast %parallel_loop3A_437 : i32 to vector<16xi32>
          %parallel_loop3A_439 = arith.shli %parallel_loop3A_436, %parallel_loop3A_438 : vector<16xi32>
          %parallel_loop3A_440 = tpu.bitcast %parallel_loop3A_439 : vector<16xi32> -> vector<16xf32>
          %parallel_loop3A_441 = arith.constant -65536 : i32
          %parallel_loop3A_442 = vector.broadcast %parallel_loop3A_441 : i32 to vector<16xi32>
          %parallel_loop3A_443 = arith.andi %parallel_loop3A_436, %parallel_loop3A_442 : vector<16xi32>
          %parallel_loop3A_444 = tpu.bitcast %parallel_loop3A_443 : vector<16xi32> -> vector<16xf32>
          %parallel_loop3A_445 = arith.constant 16 : i32
          %parallel_loop3A_446 = arith.muli %parallel_loop3A_336, %parallel_loop3A_445 : i32
          %parallel_loop3A_447 = arith.constant 1 : i32
          %parallel_loop3A_448 = arith.constant 6 : i32
          %parallel_loop3A_449 = arith.index_cast %parallel_loop3A_447 : i32 to index
          %parallel_loop3A_450 = arith.index_cast %parallel_loop3A_448 : i32 to index
          %parallel_loop3A_451 = arith.index_cast %parallel_loop3A_332 : i32 to index
          %parallel_loop3A_452 = arith.index_cast %parallel_loop3A_446 : i32 to index
          %parallel_loop3A_453 = tpu.vector_load %arg7[%parallel_loop3A_449, %parallel_loop3A_450, %parallel_loop3A_451, %parallel_loop3A_452] {strides = array<i32>} : memref<2x16x8x224xf32, #tpu.memory_space<vmem>>, vector<16xf32>,
          tpu.vector_store %arg7[%parallel_loop3A_449, %parallel_loop3A_450, %parallel_loop3A_451, %parallel_loop3A_452], %parallel_loop3A_440 {strides = array<i32>} : memref<2x16x8x224xf32, #tpu.memory_space<vmem>>, vector<16xf32>,
          %parallel_loop3A_454 = arith.constant 16 : i32
          %parallel_loop3A_455 = arith.muli %parallel_loop3A_336, %parallel_loop3A_454 : i32
          %parallel_loop3A_456 = arith.constant 1 : i32
          %parallel_loop3A_457 = arith.constant 7 : i32
          %parallel_loop3A_458 = arith.index_cast %parallel_loop3A_456 : i32 to index
          %parallel_loop3A_459 = arith.index_cast %parallel_loop3A_457 : i32 to index
          %parallel_loop3A_460 = arith.index_cast %parallel_loop3A_332 : i32 to index
          %parallel_loop3A_461 = arith.index_cast %parallel_loop3A_455 : i32 to index
          %parallel_loop3A_462 = tpu.vector_load %arg7[%parallel_loop3A_458, %parallel_loop3A_459, %parallel_loop3A_460, %parallel_loop3A_461] {strides = array<i32>} : memref<2x16x8x224xf32, #tpu.memory_space<vmem>>, vector<16xf32>,
          tpu.vector_store %arg7[%parallel_loop3A_458, %parallel_loop3A_459, %parallel_loop3A_460, %parallel_loop3A_461], %parallel_loop3A_444 {strides = array<i32>} : memref<2x16x8x224xf32, #tpu.memory_space<vmem>>, vector<16xf32>,
          %parallel_loop3A_463 = arith.constant 256 : i32
          %parallel_loop3A_464 = vector.broadcast %parallel_loop3A_463 : i32 to vector<16xi32>
          %parallel_loop3A_465 = arith.addi %parallel_loop3A_435, %parallel_loop3A_464 : vector<16xi32>
          %parallel_loop3A_466 = tpu.vector_load_idx %arg5[%parallel_loop3A_465] : memref<8192xi32, #tpu.memory_space<vmem>>[vector<16xi32>], vector<16xi32>,
          %parallel_loop3A_467 = arith.constant 16 : i32
          %parallel_loop3A_468 = vector.broadcast %parallel_loop3A_467 : i32 to vector<16xi32>
          %parallel_loop3A_469 = arith.shli %parallel_loop3A_466, %parallel_loop3A_468 : vector<16xi32>
          %parallel_loop3A_470 = tpu.bitcast %parallel_loop3A_469 : vector<16xi32> -> vector<16xf32>
          %parallel_loop3A_471 = arith.constant -65536 : i32
          %parallel_loop3A_472 = vector.broadcast %parallel_loop3A_471 : i32 to vector<16xi32>
          %parallel_loop3A_473 = arith.andi %parallel_loop3A_466, %parallel_loop3A_472 : vector<16xi32>
          %parallel_loop3A_474 = tpu.bitcast %parallel_loop3A_473 : vector<16xi32> -> vector<16xf32>
          %parallel_loop3A_475 = arith.constant 16 : i32
          %parallel_loop3A_476 = arith.muli %parallel_loop3A_336, %parallel_loop3A_475 : i32
          %parallel_loop3A_477 = arith.constant 1 : i32
          %parallel_loop3A_478 = arith.constant 8 : i32
          %parallel_loop3A_479 = arith.index_cast %parallel_loop3A_477 : i32 to index
          %parallel_loop3A_480 = arith.index_cast %parallel_loop3A_478 : i32 to index
          %parallel_loop3A_481 = arith.index_cast %parallel_loop3A_332 : i32 to index
          %parallel_loop3A_482 = arith.index_cast %parallel_loop3A_476 : i32 to index
          %parallel_loop3A_483 = tpu.vector_load %arg7[%parallel_loop3A_479, %parallel_loop3A_480, %parallel_loop3A_481, %parallel_loop3A_482] {strides = array<i32>} : memref<2x16x8x224xf32, #tpu.memory_space<vmem>>, vector<16xf32>,
          tpu.vector_store %arg7[%parallel_loop3A_479, %parallel_loop3A_480, %parallel_loop3A_481, %parallel_loop3A_482], %parallel_loop3A_470 {strides = array<i32>} : memref<2x16x8x224xf32, #tpu.memory_space<vmem>>, vector<16xf32>,
          %parallel_loop3A_484 = arith.constant 16 : i32
          %parallel_loop3A_485 = arith.muli %parallel_loop3A_336, %parallel_loop3A_484 : i32
          %parallel_loop3A_486 = arith.constant 1 : i32
          %parallel_loop3A_487 = arith.constant 9 : i32
          %parallel_loop3A_488 = arith.index_cast %parallel_loop3A_486 : i32 to index
          %parallel_loop3A_489 = arith.index_cast %parallel_loop3A_487 : i32 to index
          %parallel_loop3A_490 = arith.index_cast %parallel_loop3A_332 : i32 to index
          %parallel_loop3A_491 = arith.index_cast %parallel_loop3A_485 : i32 to index
          %parallel_loop3A_492 = tpu.vector_load %arg7[%parallel_loop3A_488, %parallel_loop3A_489, %parallel_loop3A_490, %parallel_loop3A_491] {strides = array<i32>} : memref<2x16x8x224xf32, #tpu.memory_space<vmem>>, vector<16xf32>,
          tpu.vector_store %arg7[%parallel_loop3A_488, %parallel_loop3A_489, %parallel_loop3A_490, %parallel_loop3A_491], %parallel_loop3A_474 {strides = array<i32>} : memref<2x16x8x224xf32, #tpu.memory_space<vmem>>, vector<16xf32>,
          %parallel_loop3A_493 = arith.constant 256 : i32
          %parallel_loop3A_494 = vector.broadcast %parallel_loop3A_493 : i32 to vector<16xi32>
          %parallel_loop3A_495 = arith.addi %parallel_loop3A_465, %parallel_loop3A_494 : vector<16xi32>
          %parallel_loop3A_496 = tpu.vector_load_idx %arg5[%parallel_loop3A_495] : memref<8192xi32, #tpu.memory_space<vmem>>[vector<16xi32>], vector<16xi32>,
          %parallel_loop3A_497 = arith.constant 16 : i32
          %parallel_loop3A_498 = vector.broadcast %parallel_loop3A_497 : i32 to vector<16xi32>
          %parallel_loop3A_499 = arith.shli %parallel_loop3A_496, %parallel_loop3A_498 : vector<16xi32>
          %parallel_loop3A_500 = tpu.bitcast %parallel_loop3A_499 : vector<16xi32> -> vector<16xf32>
          %parallel_loop3A_501 = arith.constant -65536 : i32
          %parallel_loop3A_502 = vector.broadcast %parallel_loop3A_501 : i32 to vector<16xi32>
          %parallel_loop3A_503 = arith.andi %parallel_loop3A_496, %parallel_loop3A_502 : vector<16xi32>
          %parallel_loop3A_504 = tpu.bitcast %parallel_loop3A_503 : vector<16xi32> -> vector<16xf32>
          %parallel_loop3A_505 = arith.constant 16 : i32
          %parallel_loop3A_506 = arith.muli %parallel_loop3A_336, %parallel_loop3A_505 : i32
          %parallel_loop3A_507 = arith.constant 1 : i32
          %parallel_loop3A_508 = arith.constant 10 : i32
          %parallel_loop3A_509 = arith.index_cast %parallel_loop3A_507 : i32 to index
          %parallel_loop3A_510 = arith.index_cast %parallel_loop3A_508 : i32 to index
          %parallel_loop3A_511 = arith.index_cast %parallel_loop3A_332 : i32 to index
          %parallel_loop3A_512 = arith.index_cast %parallel_loop3A_506 : i32 to index
          %parallel_loop3A_513 = tpu.vector_load %arg7[%parallel_loop3A_509, %parallel_loop3A_510, %parallel_loop3A_511, %parallel_loop3A_512] {strides = array<i32>} : memref<2x16x8x224xf32, #tpu.memory_space<vmem>>, vector<16xf32>,
          tpu.vector_store %arg7[%parallel_loop3A_509, %parallel_loop3A_510, %parallel_loop3A_511, %parallel_loop3A_512], %parallel_loop3A_500 {strides = array<i32>} : memref<2x16x8x224xf32, #tpu.memory_space<vmem>>, vector<16xf32>,
          %parallel_loop3A_514 = arith.constant 16 : i32
          %parallel_loop3A_515 = arith.muli %parallel_loop3A_336, %parallel_loop3A_514 : i32
          %parallel_loop3A_516 = arith.constant 1 : i32
          %parallel_loop3A_517 = arith.constant 11 : i32
          %parallel_loop3A_518 = arith.index_cast %parallel_loop3A_516 : i32 to index
          %parallel_loop3A_519 = arith.index_cast %parallel_loop3A_517 : i32 to index
          %parallel_loop3A_520 = arith.index_cast %parallel_loop3A_332 : i32 to index
          %parallel_loop3A_521 = arith.index_cast %parallel_loop3A_515 : i32 to index
          %parallel_loop3A_522 = tpu.vector_load %arg7[%parallel_loop3A_518, %parallel_loop3A_519, %parallel_loop3A_520, %parallel_loop3A_521] {strides = array<i32>} : memref<2x16x8x224xf32, #tpu.memory_space<vmem>>, vector<16xf32>,
          tpu.vector_store %arg7[%parallel_loop3A_518, %parallel_loop3A_519, %parallel_loop3A_520, %parallel_loop3A_521], %parallel_loop3A_504 {strides = array<i32>} : memref<2x16x8x224xf32, #tpu.memory_space<vmem>>, vector<16xf32>,
          %parallel_loop3A_523 = arith.constant 256 : i32
          %parallel_loop3A_524 = vector.broadcast %parallel_loop3A_523 : i32 to vector<16xi32>
          %parallel_loop3A_525 = arith.addi %parallel_loop3A_495, %parallel_loop3A_524 : vector<16xi32>
          %parallel_loop3A_526 = tpu.vector_load_idx %arg5[%parallel_loop3A_525] : memref<8192xi32, #tpu.memory_space<vmem>>[vector<16xi32>], vector<16xi32>,
          %parallel_loop3A_527 = arith.constant 16 : i32
          %parallel_loop3A_528 = vector.broadcast %parallel_loop3A_527 : i32 to vector<16xi32>
          %parallel_loop3A_529 = arith.shli %parallel_loop3A_526, %parallel_loop3A_528 : vector<16xi32>
          %parallel_loop3A_530 = tpu.bitcast %parallel_loop3A_529 : vector<16xi32> -> vector<16xf32>
          %parallel_loop3A_531 = arith.constant -65536 : i32
          %parallel_loop3A_532 = vector.broadcast %parallel_loop3A_531 : i32 to vector<16xi32>
          %parallel_loop3A_533 = arith.andi %parallel_loop3A_526, %parallel_loop3A_532 : vector<16xi32>
          %parallel_loop3A_534 = tpu.bitcast %parallel_loop3A_533 : vector<16xi32> -> vector<16xf32>
          %parallel_loop3A_535 = arith.constant 16 : i32
          %parallel_loop3A_536 = arith.muli %parallel_loop3A_336, %parallel_loop3A_535 : i32
          %parallel_loop3A_537 = arith.constant 1 : i32
          %parallel_loop3A_538 = arith.constant 12 : i32
          %parallel_loop3A_539 = arith.index_cast %parallel_loop3A_537 : i32 to index
          %parallel_loop3A_540 = arith.index_cast %parallel_loop3A_538 : i32 to index
          %parallel_loop3A_541 = arith.index_cast %parallel_loop3A_332 : i32 to index
          %parallel_loop3A_542 = arith.index_cast %parallel_loop3A_536 : i32 to index
          %parallel_loop3A_543 = tpu.vector_load %arg7[%parallel_loop3A_539, %parallel_loop3A_540, %parallel_loop3A_541, %parallel_loop3A_542] {strides = array<i32>} : memref<2x16x8x224xf32, #tpu.memory_space<vmem>>, vector<16xf32>,
          tpu.vector_store %arg7[%parallel_loop3A_539, %parallel_loop3A_540, %parallel_loop3A_541, %parallel_loop3A_542], %parallel_loop3A_530 {strides = array<i32>} : memref<2x16x8x224xf32, #tpu.memory_space<vmem>>, vector<16xf32>,
          %parallel_loop3A_544 = arith.constant 16 : i32
          %parallel_loop3A_545 = arith.muli %parallel_loop3A_336, %parallel_loop3A_544 : i32
          %parallel_loop3A_546 = arith.constant 1 : i32
          %parallel_loop3A_547 = arith.constant 13 : i32
          %parallel_loop3A_548 = arith.index_cast %parallel_loop3A_546 : i32 to index
          %parallel_loop3A_549 = arith.index_cast %parallel_loop3A_547 : i32 to index
          %parallel_loop3A_550 = arith.index_cast %parallel_loop3A_332 : i32 to index
          %parallel_loop3A_551 = arith.index_cast %parallel_loop3A_545 : i32 to index
          %parallel_loop3A_552 = tpu.vector_load %arg7[%parallel_loop3A_548, %parallel_loop3A_549, %parallel_loop3A_550, %parallel_loop3A_551] {strides = array<i32>} : memref<2x16x8x224xf32, #tpu.memory_space<vmem>>, vector<16xf32>,
          tpu.vector_store %arg7[%parallel_loop3A_548, %parallel_loop3A_549, %parallel_loop3A_550, %parallel_loop3A_551], %parallel_loop3A_534 {strides = array<i32>} : memref<2x16x8x224xf32, #tpu.memory_space<vmem>>, vector<16xf32>,
          %parallel_loop3A_553 = arith.constant 256 : i32
          %parallel_loop3A_554 = vector.broadcast %parallel_loop3A_553 : i32 to vector<16xi32>
          %parallel_loop3A_555 = arith.addi %parallel_loop3A_525, %parallel_loop3A_554 : vector<16xi32>
          %parallel_loop3A_556 = tpu.vector_load_idx %arg5[%parallel_loop3A_555] : memref<8192xi32, #tpu.memory_space<vmem>>[vector<16xi32>], vector<16xi32>,
          %parallel_loop3A_557 = arith.constant 16 : i32
          %parallel_loop3A_558 = vector.broadcast %parallel_loop3A_557 : i32 to vector<16xi32>
          %parallel_loop3A_559 = arith.shli %parallel_loop3A_556, %parallel_loop3A_558 : vector<16xi32>
          %parallel_loop3A_560 = tpu.bitcast %parallel_loop3A_559 : vector<16xi32> -> vector<16xf32>
          %parallel_loop3A_561 = arith.constant -65536 : i32
          %parallel_loop3A_562 = vector.broadcast %parallel_loop3A_561 : i32 to vector<16xi32>
          %parallel_loop3A_563 = arith.andi %parallel_loop3A_556, %parallel_loop3A_562 : vector<16xi32>
          %parallel_loop3A_564 = tpu.bitcast %parallel_loop3A_563 : vector<16xi32> -> vector<16xf32>
          %parallel_loop3A_565 = arith.constant 16 : i32
          %parallel_loop3A_566 = arith.muli %parallel_loop3A_336, %parallel_loop3A_565 : i32
          %parallel_loop3A_567 = arith.constant 1 : i32
          %parallel_loop3A_568 = arith.constant 14 : i32
          %parallel_loop3A_569 = arith.index_cast %parallel_loop3A_567 : i32 to index
          %parallel_loop3A_570 = arith.index_cast %parallel_loop3A_568 : i32 to index
          %parallel_loop3A_571 = arith.index_cast %parallel_loop3A_332 : i32 to index
          %parallel_loop3A_572 = arith.index_cast %parallel_loop3A_566 : i32 to index
          %parallel_loop3A_573 = tpu.vector_load %arg7[%parallel_loop3A_569, %parallel_loop3A_570, %parallel_loop3A_571, %parallel_loop3A_572] {strides = array<i32>} : memref<2x16x8x224xf32, #tpu.memory_space<vmem>>, vector<16xf32>,
          tpu.vector_store %arg7[%parallel_loop3A_569, %parallel_loop3A_570, %parallel_loop3A_571, %parallel_loop3A_572], %parallel_loop3A_560 {strides = array<i32>} : memref<2x16x8x224xf32, #tpu.memory_space<vmem>>, vector<16xf32>,
          %parallel_loop3A_574 = arith.constant 16 : i32
          %parallel_loop3A_575 = arith.muli %parallel_loop3A_336, %parallel_loop3A_574 : i32
          %parallel_loop3A_576 = arith.constant 1 : i32
          %parallel_loop3A_577 = arith.constant 15 : i32
          %parallel_loop3A_578 = arith.index_cast %parallel_loop3A_576 : i32 to index
          %parallel_loop3A_579 = arith.index_cast %parallel_loop3A_577 : i32 to index
          %parallel_loop3A_580 = arith.index_cast %parallel_loop3A_332 : i32 to index
          %parallel_loop3A_581 = arith.index_cast %parallel_loop3A_575 : i32 to index
          %parallel_loop3A_582 = tpu.vector_load %arg7[%parallel_loop3A_578, %parallel_loop3A_579, %parallel_loop3A_580, %parallel_loop3A_581] {strides = array<i32>} : memref<2x16x8x224xf32, #tpu.memory_space<vmem>>, vector<16xf32>,
          tpu.vector_store %arg7[%parallel_loop3A_578, %parallel_loop3A_579, %parallel_loop3A_580, %parallel_loop3A_581], %parallel_loop3A_564 {strides = array<i32>} : memref<2x16x8x224xf32, #tpu.memory_space<vmem>>, vector<16xf32>,
          %parallel_loop3A_583 = arith.constant 256 : i32
          %parallel_loop3A_584 = vector.broadcast %parallel_loop3A_583 : i32 to vector<16xi32>
          %parallel_loop3A_585 = arith.addi %parallel_loop3A_555, %parallel_loop3A_584 : vector<16xi32>
        } {sc.loop_unroll_factor = 2 : i64, sc.parallel_access}
      } {sc.loop_unroll_factor = 1 : i64, sc.parallel_access}
      %dma_start3A_232 = arith.constant 1 : i32
      %dma_start3A_233 = arith.constant 0 : i32
      %dma_start3A_234 = arith.constant 0 : i32
      %dma_start3A_235 = arith.constant 0 : i32
      %dma_start3A_236 = tpu.memref_slice %arg7[%dma_start3A_232, %dma_start3A_233, %dma_start3A_234, %dma_start3A_235] : memref<2x16x8x224xf32, #tpu.memory_space<vmem>> -> memref<1x16x8x224xf32, #tpu.memory_space<vmem>>
      %dma_start3A_237 = tpu.memref_squeeze %dma_start3A_236 : memref<1x16x8x224xf32, #tpu.memory_space<vmem>> -> memref<16x8x224xf32, #tpu.memory_space<vmem>>
      %dma_start3A_238 = arith.constant 0 : i32
      %dma_start3A_239 = tpu.memref_slice %arg4[%select_n3A_170, %add3A_223, %mul3A_174, %dma_start3A_238] : memref<8x192x224x224xf32, #tpu.memory_space<hbm>> -> memref<1x16x8x224xf32, #tpu.memory_space<hbm>>
      %dma_start3A_240 = tpu.memref_squeeze %dma_start3A_239 : memref<1x16x8x224xf32, #tpu.memory_space<hbm>> -> memref<16x8x224xf32, #tpu.memory_space<hbm>>
      %dma_start3A_241 = arith.constant 0 : i32
      %dma_start3A_242 = tpu.memref_slice %arg4[%select_n3A_170, %add3A_223, %mul3A_174, %dma_start3A_241] : memref<8x192x224x224xf32, #tpu.memory_space<hbm>> -> memref<1x16x8x224xf32, #tpu.memory_space<hbm>>
      %dma_start3A_243 = tpu.memref_squeeze %dma_start3A_242 : memref<1x16x8x224xf32, #tpu.memory_space<hbm>> -> memref<16x8x224xf32, #tpu.memory_space<hbm>>
      %dma_start3A_244 = arith.constant 0 : i32
      %dma_start3A_245 = arith.constant 0 : i32
      %dma_start3A_246 = arith.constant 0 : i32
      %dma_start3A_247 = tpu.memref_slice %arg7[%dma_start3A_232, %dma_start3A_244, %dma_start3A_245, %dma_start3A_246] : memref<2x16x8x224xf32, #tpu.memory_space<vmem>> -> memref<1x16x8x224xf32, #tpu.memory_space<vmem>>
      %dma_start3A_248 = tpu.memref_squeeze %dma_start3A_247 : memref<1x16x8x224xf32, #tpu.memory_space<vmem>> -> memref<16x8x224xf32, #tpu.memory_space<vmem>>
      tpu.enqueue_dma source(%dma_start3A_248 : memref<16x8x224xf32, #tpu.memory_space<vmem>>) target(%dma_start3A_243 : memref<16x8x224xf32, #tpu.memory_space<hbm>>) target_semaphore(%arg9 : memref<!tpu.dma_semaphore, #tpu.memory_space<semaphore_mem>>)
      %mul3A_249 = arith.constant 64 : i32
      %mul3A_250 = arith.muli %rem3A_172, %mul3A_249 : i32
      %add3A_251 = arith.constant 32 : i32
      %add3A_252 = arith.addi %mul3A_250, %add3A_251 : i32
      %dma_wait3A_253 = arith.constant 0 : i32
      %dma_wait3A_254 = arith.constant 0 : i32
      %dma_wait3A_255 = arith.constant 0 : i32
      %dma_wait3A_256 = arith.constant 0 : i32
      %dma_wait3A_257 = tpu.memref_slice %arg7[%dma_wait3A_253, %dma_wait3A_254, %dma_wait3A_255, %dma_wait3A_256] : memref<2x16x8x224xf32, #tpu.memory_space<vmem>> -> memref<1x16x8x224xf32, #tpu.memory_space<vmem>>
      %dma_wait3A_258 = tpu.memref_squeeze %dma_wait3A_257 : memref<1x16x8x224xf32, #tpu.memory_space<vmem>> -> memref<16x8x224xf32, #tpu.memory_space<vmem>>
      %dma_wait3A_259 = arith.constant 0 : i32
      %dma_wait3A_260 = tpu.memref_slice %arg4[%select_n3A_170, %add3A_252, %mul3A_174, %dma_wait3A_259] : memref<8x192x224x224xf32, #tpu.memory_space<hbm>> -> memref<1x16x8x224xf32, #tpu.memory_space<hbm>>
      %dma_wait3A_261 = tpu.memref_squeeze %dma_wait3A_260 : memref<1x16x8x224xf32, #tpu.memory_space<hbm>> -> memref<16x8x224xf32, #tpu.memory_space<hbm>>
      %dma_wait3A_262 = arith.constant 0 : i32
      %dma_wait3A_263 = tpu.memref_slice %arg4[%select_n3A_170, %add3A_252, %mul3A_174, %dma_wait3A_262] : memref<8x192x224x224xf32, #tpu.memory_space<hbm>> -> memref<1x16x8x224xf32, #tpu.memory_space<hbm>>
      %dma_wait3A_264 = tpu.memref_squeeze %dma_wait3A_263 : memref<1x16x8x224xf32, #tpu.memory_space<hbm>> -> memref<16x8x224xf32, #tpu.memory_space<hbm>>
      %dma_wait3A_265 = arith.constant 0 : i32
      %dma_wait3A_266 = arith.constant 0 : i32
      %dma_wait3A_267 = arith.constant 0 : i32
      %dma_wait3A_268 = tpu.memref_slice %arg7[%dma_wait3A_253, %dma_wait3A_265, %dma_wait3A_266, %dma_wait3A_267] : memref<2x16x8x224xf32, #tpu.memory_space<vmem>> -> memref<1x16x8x224xf32, #tpu.memory_space<vmem>>
      %dma_wait3A_269 = tpu.memref_squeeze %dma_wait3A_268 : memref<1x16x8x224xf32, #tpu.memory_space<vmem>> -> memref<16x8x224xf32, #tpu.memory_space<vmem>>
      tpu.wait_dma2 semaphore(%arg8 : memref<!tpu.dma_semaphore, #tpu.memory_space<semaphore_mem>>) src(%dma_wait3A_269 : memref<16x8x224xf32, #tpu.memory_space<vmem>>) dst(%dma_wait3A_264 : memref<16x8x224xf32, #tpu.memory_space<hbm>>)
      %parallel_loop3A_270 = arith.constant 0 : i32
      %parallel_loop3A_271 = arith.constant 8 : i32
      %parallel_loop3A_272 = arith.constant 1 : i32
      scf.for %parallel_loop3A_332 = %parallel_loop3A_270 to %parallel_loop3A_271 step %parallel_loop3A_272  : i32 {
        %parallel_loop3A_333 = arith.constant 0 : i32
        %parallel_loop3A_334 = arith.constant 14 : i32
        %parallel_loop3A_335 = arith.constant 1 : i32
        scf.for %parallel_loop3A_336 = %parallel_loop3A_333 to %parallel_loop3A_334 step %parallel_loop3A_335  : i32 {
          %parallel_loop3A_337 = arith.constant 16 : i32
          %parallel_loop3A_338 = arith.muli %parallel_loop3A_336, %parallel_loop3A_337 : i32
          %parallel_loop3A_339 = arith.index_cast %rem3A_117 : i32 to index
          %parallel_loop3A_340 = arith.index_cast %parallel_loop3A_332 : i32 to index
          %parallel_loop3A_341 = arith.index_cast %parallel_loop3A_338 : i32 to index
          %parallel_loop3A_342 = tpu.vector_load %arg6[%parallel_loop3A_339, %parallel_loop3A_340, %parallel_loop3A_341] {strides = array<i32>} : memref<2x8x224xi32, #tpu.memory_space<vmem>>, vector<16xi32>,
          %parallel_loop3A_343 = arith.constant 4096 : i32
          %parallel_loop3A_344 = vector.broadcast %parallel_loop3A_343 : i32 to vector<16xi32>
          %parallel_loop3A_345 = arith.addi %parallel_loop3A_342, %parallel_loop3A_344 : vector<16xi32>
          %parallel_loop3A_346 = tpu.vector_load_idx %arg5[%parallel_loop3A_345] : memref<8192xi32, #tpu.memory_space<vmem>>[vector<16xi32>], vector<16xi32>,
          %parallel_loop3A_347 = arith.constant 16 : i32
          %parallel_loop3A_348 = vector.broadcast %parallel_loop3A_347 : i32 to vector<16xi32>
          %parallel_loop3A_349 = arith.shli %parallel_loop3A_346, %parallel_loop3A_348 : vector<16xi32>
          %parallel_loop3A_350 = tpu.bitcast %parallel_loop3A_349 : vector<16xi32> -> vector<16xf32>
          %parallel_loop3A_351 = arith.constant -65536 : i32
          %parallel_loop3A_352 = vector.broadcast %parallel_loop3A_351 : i32 to vector<16xi32>
          %parallel_loop3A_353 = arith.andi %parallel_loop3A_346, %parallel_loop3A_352 : vector<16xi32>
          %parallel_loop3A_354 = tpu.bitcast %parallel_loop3A_353 : vector<16xi32> -> vector<16xf32>
          %parallel_loop3A_355 = arith.constant 16 : i32
          %parallel_loop3A_356 = arith.muli %parallel_loop3A_336, %parallel_loop3A_355 : i32
          %parallel_loop3A_357 = arith.constant 0 : i32
          %parallel_loop3A_358 = arith.constant 0 : i32
          %parallel_loop3A_359 = arith.index_cast %parallel_loop3A_357 : i32 to index
          %parallel_loop3A_360 = arith.index_cast %parallel_loop3A_358 : i32 to index
          %parallel_loop3A_361 = arith.index_cast %parallel_loop3A_332 : i32 to index
          %parallel_loop3A_362 = arith.index_cast %parallel_loop3A_356 : i32 to index
          %parallel_loop3A_363 = tpu.vector_load %arg7[%parallel_loop3A_359, %parallel_loop3A_360, %parallel_loop3A_361, %parallel_loop3A_362] {strides = array<i32>} : memref<2x16x8x224xf32, #tpu.memory_space<vmem>>, vector<16xf32>,
          tpu.vector_store %arg7[%parallel_loop3A_359, %parallel_loop3A_360, %parallel_loop3A_361, %parallel_loop3A_362], %parallel_loop3A_350 {strides = array<i32>} : memref<2x16x8x224xf32, #tpu.memory_space<vmem>>, vector<16xf32>,
          %parallel_loop3A_364 = arith.constant 16 : i32
          %parallel_loop3A_365 = arith.muli %parallel_loop3A_336, %parallel_loop3A_364 : i32
          %parallel_loop3A_366 = arith.constant 0 : i32
          %parallel_loop3A_367 = arith.constant 1 : i32
          %parallel_loop3A_368 = arith.index_cast %parallel_loop3A_366 : i32 to index
          %parallel_loop3A_369 = arith.index_cast %parallel_loop3A_367 : i32 to index
          %parallel_loop3A_370 = arith.index_cast %parallel_loop3A_332 : i32 to index
          %parallel_loop3A_371 = arith.index_cast %parallel_loop3A_365 : i32 to index
          %parallel_loop3A_372 = tpu.vector_load %arg7[%parallel_loop3A_368, %parallel_loop3A_369, %parallel_loop3A_370, %parallel_loop3A_371] {strides = array<i32>} : memref<2x16x8x224xf32, #tpu.memory_space<vmem>>, vector<16xf32>,
          tpu.vector_store %arg7[%parallel_loop3A_368, %parallel_loop3A_369, %parallel_loop3A_370, %parallel_loop3A_371], %parallel_loop3A_354 {strides = array<i32>} : memref<2x16x8x224xf32, #tpu.memory_space<vmem>>, vector<16xf32>,
          %parallel_loop3A_373 = arith.constant 256 : i32
          %parallel_loop3A_374 = vector.broadcast %parallel_loop3A_373 : i32 to vector<16xi32>
          %parallel_loop3A_375 = arith.addi %parallel_loop3A_345, %parallel_loop3A_374 : vector<16xi32>
          %parallel_loop3A_376 = tpu.vector_load_idx %arg5[%parallel_loop3A_375] : memref<8192xi32, #tpu.memory_space<vmem>>[vector<16xi32>], vector<16xi32>,
          %parallel_loop3A_377 = arith.constant 16 : i32
          %parallel_loop3A_378 = vector.broadcast %parallel_loop3A_377 : i32 to vector<16xi32>
          %parallel_loop3A_379 = arith.shli %parallel_loop3A_376, %parallel_loop3A_378 : vector<16xi32>
          %parallel_loop3A_380 = tpu.bitcast %parallel_loop3A_379 : vector<16xi32> -> vector<16xf32>
          %parallel_loop3A_381 = arith.constant -65536 : i32
          %parallel_loop3A_382 = vector.broadcast %parallel_loop3A_381 : i32 to vector<16xi32>
          %parallel_loop3A_383 = arith.andi %parallel_loop3A_376, %parallel_loop3A_382 : vector<16xi32>
          %parallel_loop3A_384 = tpu.bitcast %parallel_loop3A_383 : vector<16xi32> -> vector<16xf32>
          %parallel_loop3A_385 = arith.constant 16 : i32
          %parallel_loop3A_386 = arith.muli %parallel_loop3A_336, %parallel_loop3A_385 : i32
          %parallel_loop3A_387 = arith.constant 0 : i32
          %parallel_loop3A_388 = arith.constant 2 : i32
          %parallel_loop3A_389 = arith.index_cast %parallel_loop3A_387 : i32 to index
          %parallel_loop3A_390 = arith.index_cast %parallel_loop3A_388 : i32 to index
          %parallel_loop3A_391 = arith.index_cast %parallel_loop3A_332 : i32 to index
          %parallel_loop3A_392 = arith.index_cast %parallel_loop3A_386 : i32 to index
          %parallel_loop3A_393 = tpu.vector_load %arg7[%parallel_loop3A_389, %parallel_loop3A_390, %parallel_loop3A_391, %parallel_loop3A_392] {strides = array<i32>} : memref<2x16x8x224xf32, #tpu.memory_space<vmem>>, vector<16xf32>,
          tpu.vector_store %arg7[%parallel_loop3A_389, %parallel_loop3A_390, %parallel_loop3A_391, %parallel_loop3A_392], %parallel_loop3A_380 {strides = array<i32>} : memref<2x16x8x224xf32, #tpu.memory_space<vmem>>, vector<16xf32>,
          %parallel_loop3A_394 = arith.constant 16 : i32
          %parallel_loop3A_395 = arith.muli %parallel_loop3A_336, %parallel_loop3A_394 : i32
          %parallel_loop3A_396 = arith.constant 0 : i32
          %parallel_loop3A_397 = arith.constant 3 : i32
          %parallel_loop3A_398 = arith.index_cast %parallel_loop3A_396 : i32 to index
          %parallel_loop3A_399 = arith.index_cast %parallel_loop3A_397 : i32 to index
          %parallel_loop3A_400 = arith.index_cast %parallel_loop3A_332 : i32 to index
          %parallel_loop3A_401 = arith.index_cast %parallel_loop3A_395 : i32 to index
          %parallel_loop3A_402 = tpu.vector_load %arg7[%parallel_loop3A_398, %parallel_loop3A_399, %parallel_loop3A_400, %parallel_loop3A_401] {strides = array<i32>} : memref<2x16x8x224xf32, #tpu.memory_space<vmem>>, vector<16xf32>,
          tpu.vector_store %arg7[%parallel_loop3A_398, %parallel_loop3A_399, %parallel_loop3A_400, %parallel_loop3A_401], %parallel_loop3A_384 {strides = array<i32>} : memref<2x16x8x224xf32, #tpu.memory_space<vmem>>, vector<16xf32>,
          %parallel_loop3A_403 = arith.constant 256 : i32
          %parallel_loop3A_404 = vector.broadcast %parallel_loop3A_403 : i32 to vector<16xi32>
          %parallel_loop3A_405 = arith.addi %parallel_loop3A_375, %parallel_loop3A_404 : vector<16xi32>
          %parallel_loop3A_406 = tpu.vector_load_idx %arg5[%parallel_loop3A_405] : memref<8192xi32, #tpu.memory_space<vmem>>[vector<16xi32>], vector<16xi32>,
          %parallel_loop3A_407 = arith.constant 16 : i32
          %parallel_loop3A_408 = vector.broadcast %parallel_loop3A_407 : i32 to vector<16xi32>
          %parallel_loop3A_409 = arith.shli %parallel_loop3A_406, %parallel_loop3A_408 : vector<16xi32>
          %parallel_loop3A_410 = tpu.bitcast %parallel_loop3A_409 : vector<16xi32> -> vector<16xf32>
          %parallel_loop3A_411 = arith.constant -65536 : i32
          %parallel_loop3A_412 = vector.broadcast %parallel_loop3A_411 : i32 to vector<16xi32>
          %parallel_loop3A_413 = arith.andi %parallel_loop3A_406, %parallel_loop3A_412 : vector<16xi32>
          %parallel_loop3A_414 = tpu.bitcast %parallel_loop3A_413 : vector<16xi32> -> vector<16xf32>
          %parallel_loop3A_415 = arith.constant 16 : i32
          %parallel_loop3A_416 = arith.muli %parallel_loop3A_336, %parallel_loop3A_415 : i32
          %parallel_loop3A_417 = arith.constant 0 : i32
          %parallel_loop3A_418 = arith.constant 4 : i32
          %parallel_loop3A_419 = arith.index_cast %parallel_loop3A_417 : i32 to index
          %parallel_loop3A_420 = arith.index_cast %parallel_loop3A_418 : i32 to index
          %parallel_loop3A_421 = arith.index_cast %parallel_loop3A_332 : i32 to index
          %parallel_loop3A_422 = arith.index_cast %parallel_loop3A_416 : i32 to index
          %parallel_loop3A_423 = tpu.vector_load %arg7[%parallel_loop3A_419, %parallel_loop3A_420, %parallel_loop3A_421, %parallel_loop3A_422] {strides = array<i32>} : memref<2x16x8x224xf32, #tpu.memory_space<vmem>>, vector<16xf32>,
          tpu.vector_store %arg7[%parallel_loop3A_419, %parallel_loop3A_420, %parallel_loop3A_421, %parallel_loop3A_422], %parallel_loop3A_410 {strides = array<i32>} : memref<2x16x8x224xf32, #tpu.memory_space<vmem>>, vector<16xf32>,
          %parallel_loop3A_424 = arith.constant 16 : i32
          %parallel_loop3A_425 = arith.muli %parallel_loop3A_336, %parallel_loop3A_424 : i32
          %parallel_loop3A_426 = arith.constant 0 : i32
          %parallel_loop3A_427 = arith.constant 5 : i32
          %parallel_loop3A_428 = arith.index_cast %parallel_loop3A_426 : i32 to index
          %parallel_loop3A_429 = arith.index_cast %parallel_loop3A_427 : i32 to index
          %parallel_loop3A_430 = arith.index_cast %parallel_loop3A_332 : i32 to index
          %parallel_loop3A_431 = arith.index_cast %parallel_loop3A_425 : i32 to index
          %parallel_loop3A_432 = tpu.vector_load %arg7[%parallel_loop3A_428, %parallel_loop3A_429, %parallel_loop3A_430, %parallel_loop3A_431] {strides = array<i32>} : memref<2x16x8x224xf32, #tpu.memory_space<vmem>>, vector<16xf32>,
          tpu.vector_store %arg7[%parallel_loop3A_428, %parallel_loop3A_429, %parallel_loop3A_430, %parallel_loop3A_431], %parallel_loop3A_414 {strides = array<i32>} : memref<2x16x8x224xf32, #tpu.memory_space<vmem>>, vector<16xf32>,
          %parallel_loop3A_433 = arith.constant 256 : i32
          %parallel_loop3A_434 = vector.broadcast %parallel_loop3A_433 : i32 to vector<16xi32>
          %parallel_loop3A_435 = arith.addi %parallel_loop3A_405, %parallel_loop3A_434 : vector<16xi32>
          %parallel_loop3A_436 = tpu.vector_load_idx %arg5[%parallel_loop3A_435] : memref<8192xi32, #tpu.memory_space<vmem>>[vector<16xi32>], vector<16xi32>,
          %parallel_loop3A_437 = arith.constant 16 : i32
          %parallel_loop3A_438 = vector.broadcast %parallel_loop3A_437 : i32 to vector<16xi32>
          %parallel_loop3A_439 = arith.shli %parallel_loop3A_436, %parallel_loop3A_438 : vector<16xi32>
          %parallel_loop3A_440 = tpu.bitcast %parallel_loop3A_439 : vector<16xi32> -> vector<16xf32>
          %parallel_loop3A_441 = arith.constant -65536 : i32
          %parallel_loop3A_442 = vector.broadcast %parallel_loop3A_441 : i32 to vector<16xi32>
          %parallel_loop3A_443 = arith.andi %parallel_loop3A_436, %parallel_loop3A_442 : vector<16xi32>
          %parallel_loop3A_444 = tpu.bitcast %parallel_loop3A_443 : vector<16xi32> -> vector<16xf32>
          %parallel_loop3A_445 = arith.constant 16 : i32
          %parallel_loop3A_446 = arith.muli %parallel_loop3A_336, %parallel_loop3A_445 : i32
          %parallel_loop3A_447 = arith.constant 0 : i32
          %parallel_loop3A_448 = arith.constant 6 : i32
          %parallel_loop3A_449 = arith.index_cast %parallel_loop3A_447 : i32 to index
          %parallel_loop3A_450 = arith.index_cast %parallel_loop3A_448 : i32 to index
          %parallel_loop3A_451 = arith.index_cast %parallel_loop3A_332 : i32 to index
          %parallel_loop3A_452 = arith.index_cast %parallel_loop3A_446 : i32 to index
          %parallel_loop3A_453 = tpu.vector_load %arg7[%parallel_loop3A_449, %parallel_loop3A_450, %parallel_loop3A_451, %parallel_loop3A_452] {strides = array<i32>} : memref<2x16x8x224xf32, #tpu.memory_space<vmem>>, vector<16xf32>,
          tpu.vector_store %arg7[%parallel_loop3A_449, %parallel_loop3A_450, %parallel_loop3A_451, %parallel_loop3A_452], %parallel_loop3A_440 {strides = array<i32>} : memref<2x16x8x224xf32, #tpu.memory_space<vmem>>, vector<16xf32>,
          %parallel_loop3A_454 = arith.constant 16 : i32
          %parallel_loop3A_455 = arith.muli %parallel_loop3A_336, %parallel_loop3A_454 : i32
          %parallel_loop3A_456 = arith.constant 0 : i32
          %parallel_loop3A_457 = arith.constant 7 : i32
          %parallel_loop3A_458 = arith.index_cast %parallel_loop3A_456 : i32 to index
          %parallel_loop3A_459 = arith.index_cast %parallel_loop3A_457 : i32 to index
          %parallel_loop3A_460 = arith.index_cast %parallel_loop3A_332 : i32 to index
          %parallel_loop3A_461 = arith.index_cast %parallel_loop3A_455 : i32 to index
          %parallel_loop3A_462 = tpu.vector_load %arg7[%parallel_loop3A_458, %parallel_loop3A_459, %parallel_loop3A_460, %parallel_loop3A_461] {strides = array<i32>} : memref<2x16x8x224xf32, #tpu.memory_space<vmem>>, vector<16xf32>,
          tpu.vector_store %arg7[%parallel_loop3A_458, %parallel_loop3A_459, %parallel_loop3A_460, %parallel_loop3A_461], %parallel_loop3A_444 {strides = array<i32>} : memref<2x16x8x224xf32, #tpu.memory_space<vmem>>, vector<16xf32>,
          %parallel_loop3A_463 = arith.constant 256 : i32
          %parallel_loop3A_464 = vector.broadcast %parallel_loop3A_463 : i32 to vector<16xi32>
          %parallel_loop3A_465 = arith.addi %parallel_loop3A_435, %parallel_loop3A_464 : vector<16xi32>
          %parallel_loop3A_466 = tpu.vector_load_idx %arg5[%parallel_loop3A_465] : memref<8192xi32, #tpu.memory_space<vmem>>[vector<16xi32>], vector<16xi32>,
          %parallel_loop3A_467 = arith.constant 16 : i32
          %parallel_loop3A_468 = vector.broadcast %parallel_loop3A_467 : i32 to vector<16xi32>
          %parallel_loop3A_469 = arith.shli %parallel_loop3A_466, %parallel_loop3A_468 : vector<16xi32>
          %parallel_loop3A_470 = tpu.bitcast %parallel_loop3A_469 : vector<16xi32> -> vector<16xf32>
          %parallel_loop3A_471 = arith.constant -65536 : i32
          %parallel_loop3A_472 = vector.broadcast %parallel_loop3A_471 : i32 to vector<16xi32>
          %parallel_loop3A_473 = arith.andi %parallel_loop3A_466, %parallel_loop3A_472 : vector<16xi32>
          %parallel_loop3A_474 = tpu.bitcast %parallel_loop3A_473 : vector<16xi32> -> vector<16xf32>
          %parallel_loop3A_475 = arith.constant 16 : i32
          %parallel_loop3A_476 = arith.muli %parallel_loop3A_336, %parallel_loop3A_475 : i32
          %parallel_loop3A_477 = arith.constant 0 : i32
          %parallel_loop3A_478 = arith.constant 8 : i32
          %parallel_loop3A_479 = arith.index_cast %parallel_loop3A_477 : i32 to index
          %parallel_loop3A_480 = arith.index_cast %parallel_loop3A_478 : i32 to index
          %parallel_loop3A_481 = arith.index_cast %parallel_loop3A_332 : i32 to index
          %parallel_loop3A_482 = arith.index_cast %parallel_loop3A_476 : i32 to index
          %parallel_loop3A_483 = tpu.vector_load %arg7[%parallel_loop3A_479, %parallel_loop3A_480, %parallel_loop3A_481, %parallel_loop3A_482] {strides = array<i32>} : memref<2x16x8x224xf32, #tpu.memory_space<vmem>>, vector<16xf32>,
          tpu.vector_store %arg7[%parallel_loop3A_479, %parallel_loop3A_480, %parallel_loop3A_481, %parallel_loop3A_482], %parallel_loop3A_470 {strides = array<i32>} : memref<2x16x8x224xf32, #tpu.memory_space<vmem>>, vector<16xf32>,
          %parallel_loop3A_484 = arith.constant 16 : i32
          %parallel_loop3A_485 = arith.muli %parallel_loop3A_336, %parallel_loop3A_484 : i32
          %parallel_loop3A_486 = arith.constant 0 : i32
          %parallel_loop3A_487 = arith.constant 9 : i32
          %parallel_loop3A_488 = arith.index_cast %parallel_loop3A_486 : i32 to index
          %parallel_loop3A_489 = arith.index_cast %parallel_loop3A_487 : i32 to index
          %parallel_loop3A_490 = arith.index_cast %parallel_loop3A_332 : i32 to index
          %parallel_loop3A_491 = arith.index_cast %parallel_loop3A_485 : i32 to index
          %parallel_loop3A_492 = tpu.vector_load %arg7[%parallel_loop3A_488, %parallel_loop3A_489, %parallel_loop3A_490, %parallel_loop3A_491] {strides = array<i32>} : memref<2x16x8x224xf32, #tpu.memory_space<vmem>>, vector<16xf32>,
          tpu.vector_store %arg7[%parallel_loop3A_488, %parallel_loop3A_489, %parallel_loop3A_490, %parallel_loop3A_491], %parallel_loop3A_474 {strides = array<i32>} : memref<2x16x8x224xf32, #tpu.memory_space<vmem>>, vector<16xf32>,
          %parallel_loop3A_493 = arith.constant 256 : i32
          %parallel_loop3A_494 = vector.broadcast %parallel_loop3A_493 : i32 to vector<16xi32>
          %parallel_loop3A_495 = arith.addi %parallel_loop3A_465, %parallel_loop3A_494 : vector<16xi32>
          %parallel_loop3A_496 = tpu.vector_load_idx %arg5[%parallel_loop3A_495] : memref<8192xi32, #tpu.memory_space<vmem>>[vector<16xi32>], vector<16xi32>,
          %parallel_loop3A_497 = arith.constant 16 : i32
          %parallel_loop3A_498 = vector.broadcast %parallel_loop3A_497 : i32 to vector<16xi32>
          %parallel_loop3A_499 = arith.shli %parallel_loop3A_496, %parallel_loop3A_498 : vector<16xi32>
          %parallel_loop3A_500 = tpu.bitcast %parallel_loop3A_499 : vector<16xi32> -> vector<16xf32>
          %parallel_loop3A_501 = arith.constant -65536 : i32
          %parallel_loop3A_502 = vector.broadcast %parallel_loop3A_501 : i32 to vector<16xi32>
          %parallel_loop3A_503 = arith.andi %parallel_loop3A_496, %parallel_loop3A_502 : vector<16xi32>
          %parallel_loop3A_504 = tpu.bitcast %parallel_loop3A_503 : vector<16xi32> -> vector<16xf32>
          %parallel_loop3A_505 = arith.constant 16 : i32
          %parallel_loop3A_506 = arith.muli %parallel_loop3A_336, %parallel_loop3A_505 : i32
          %parallel_loop3A_507 = arith.constant 0 : i32
          %parallel_loop3A_508 = arith.constant 10 : i32
          %parallel_loop3A_509 = arith.index_cast %parallel_loop3A_507 : i32 to index
          %parallel_loop3A_510 = arith.index_cast %parallel_loop3A_508 : i32 to index
          %parallel_loop3A_511 = arith.index_cast %parallel_loop3A_332 : i32 to index
          %parallel_loop3A_512 = arith.index_cast %parallel_loop3A_506 : i32 to index
          %parallel_loop3A_513 = tpu.vector_load %arg7[%parallel_loop3A_509, %parallel_loop3A_510, %parallel_loop3A_511, %parallel_loop3A_512] {strides = array<i32>} : memref<2x16x8x224xf32, #tpu.memory_space<vmem>>, vector<16xf32>,
          tpu.vector_store %arg7[%parallel_loop3A_509, %parallel_loop3A_510, %parallel_loop3A_511, %parallel_loop3A_512], %parallel_loop3A_500 {strides = array<i32>} : memref<2x16x8x224xf32, #tpu.memory_space<vmem>>, vector<16xf32>,
          %parallel_loop3A_514 = arith.constant 16 : i32
          %parallel_loop3A_515 = arith.muli %parallel_loop3A_336, %parallel_loop3A_514 : i32
          %parallel_loop3A_516 = arith.constant 0 : i32
          %parallel_loop3A_517 = arith.constant 11 : i32
          %parallel_loop3A_518 = arith.index_cast %parallel_loop3A_516 : i32 to index
          %parallel_loop3A_519 = arith.index_cast %parallel_loop3A_517 : i32 to index
          %parallel_loop3A_520 = arith.index_cast %parallel_loop3A_332 : i32 to index
          %parallel_loop3A_521 = arith.index_cast %parallel_loop3A_515 : i32 to index
          %parallel_loop3A_522 = tpu.vector_load %arg7[%parallel_loop3A_518, %parallel_loop3A_519, %parallel_loop3A_520, %parallel_loop3A_521] {strides = array<i32>} : memref<2x16x8x224xf32, #tpu.memory_space<vmem>>, vector<16xf32>,
          tpu.vector_store %arg7[%parallel_loop3A_518, %parallel_loop3A_519, %parallel_loop3A_520, %parallel_loop3A_521], %parallel_loop3A_504 {strides = array<i32>} : memref<2x16x8x224xf32, #tpu.memory_space<vmem>>, vector<16xf32>,
          %parallel_loop3A_523 = arith.constant 256 : i32
          %parallel_loop3A_524 = vector.broadcast %parallel_loop3A_523 : i32 to vector<16xi32>
          %parallel_loop3A_525 = arith.addi %parallel_loop3A_495, %parallel_loop3A_524 : vector<16xi32>
          %parallel_loop3A_526 = tpu.vector_load_idx %arg5[%parallel_loop3A_525] : memref<8192xi32, #tpu.memory_space<vmem>>[vector<16xi32>], vector<16xi32>,
          %parallel_loop3A_527 = arith.constant 16 : i32
          %parallel_loop3A_528 = vector.broadcast %parallel_loop3A_527 : i32 to vector<16xi32>
          %parallel_loop3A_529 = arith.shli %parallel_loop3A_526, %parallel_loop3A_528 : vector<16xi32>
          %parallel_loop3A_530 = tpu.bitcast %parallel_loop3A_529 : vector<16xi32> -> vector<16xf32>
          %parallel_loop3A_531 = arith.constant -65536 : i32
          %parallel_loop3A_532 = vector.broadcast %parallel_loop3A_531 : i32 to vector<16xi32>
          %parallel_loop3A_533 = arith.andi %parallel_loop3A_526, %parallel_loop3A_532 : vector<16xi32>
          %parallel_loop3A_534 = tpu.bitcast %parallel_loop3A_533 : vector<16xi32> -> vector<16xf32>
          %parallel_loop3A_535 = arith.constant 16 : i32
          %parallel_loop3A_536 = arith.muli %parallel_loop3A_336, %parallel_loop3A_535 : i32
          %parallel_loop3A_537 = arith.constant 0 : i32
          %parallel_loop3A_538 = arith.constant 12 : i32
          %parallel_loop3A_539 = arith.index_cast %parallel_loop3A_537 : i32 to index
          %parallel_loop3A_540 = arith.index_cast %parallel_loop3A_538 : i32 to index
          %parallel_loop3A_541 = arith.index_cast %parallel_loop3A_332 : i32 to index
          %parallel_loop3A_542 = arith.index_cast %parallel_loop3A_536 : i32 to index
          %parallel_loop3A_543 = tpu.vector_load %arg7[%parallel_loop3A_539, %parallel_loop3A_540, %parallel_loop3A_541, %parallel_loop3A_542] {strides = array<i32>} : memref<2x16x8x224xf32, #tpu.memory_space<vmem>>, vector<16xf32>,
          tpu.vector_store %arg7[%parallel_loop3A_539, %parallel_loop3A_540, %parallel_loop3A_541, %parallel_loop3A_542], %parallel_loop3A_530 {strides = array<i32>} : memref<2x16x8x224xf32, #tpu.memory_space<vmem>>, vector<16xf32>,
          %parallel_loop3A_544 = arith.constant 16 : i32
          %parallel_loop3A_545 = arith.muli %parallel_loop3A_336, %parallel_loop3A_544 : i32
          %parallel_loop3A_546 = arith.constant 0 : i32
          %parallel_loop3A_547 = arith.constant 13 : i32
          %parallel_loop3A_548 = arith.index_cast %parallel_loop3A_546 : i32 to index
          %parallel_loop3A_549 = arith.index_cast %parallel_loop3A_547 : i32 to index
          %parallel_loop3A_550 = arith.index_cast %parallel_loop3A_332 : i32 to index
          %parallel_loop3A_551 = arith.index_cast %parallel_loop3A_545 : i32 to index
          %parallel_loop3A_552 = tpu.vector_load %arg7[%parallel_loop3A_548, %parallel_loop3A_549, %parallel_loop3A_550, %parallel_loop3A_551] {strides = array<i32>} : memref<2x16x8x224xf32, #tpu.memory_space<vmem>>, vector<16xf32>,
          tpu.vector_store %arg7[%parallel_loop3A_548, %parallel_loop3A_549, %parallel_loop3A_550, %parallel_loop3A_551], %parallel_loop3A_534 {strides = array<i32>} : memref<2x16x8x224xf32, #tpu.memory_space<vmem>>, vector<16xf32>,
          %parallel_loop3A_553 = arith.constant 256 : i32
          %parallel_loop3A_554 = vector.broadcast %parallel_loop3A_553 : i32 to vector<16xi32>
          %parallel_loop3A_555 = arith.addi %parallel_loop3A_525, %parallel_loop3A_554 : vector<16xi32>
          %parallel_loop3A_556 = tpu.vector_load_idx %arg5[%parallel_loop3A_555] : memref<8192xi32, #tpu.memory_space<vmem>>[vector<16xi32>], vector<16xi32>,
          %parallel_loop3A_557 = arith.constant 16 : i32
          %parallel_loop3A_558 = vector.broadcast %parallel_loop3A_557 : i32 to vector<16xi32>
          %parallel_loop3A_559 = arith.shli %parallel_loop3A_556, %parallel_loop3A_558 : vector<16xi32>
          %parallel_loop3A_560 = tpu.bitcast %parallel_loop3A_559 : vector<16xi32> -> vector<16xf32>
          %parallel_loop3A_561 = arith.constant -65536 : i32
          %parallel_loop3A_562 = vector.broadcast %parallel_loop3A_561 : i32 to vector<16xi32>
          %parallel_loop3A_563 = arith.andi %parallel_loop3A_556, %parallel_loop3A_562 : vector<16xi32>
          %parallel_loop3A_564 = tpu.bitcast %parallel_loop3A_563 : vector<16xi32> -> vector<16xf32>
          %parallel_loop3A_565 = arith.constant 16 : i32
          %parallel_loop3A_566 = arith.muli %parallel_loop3A_336, %parallel_loop3A_565 : i32
          %parallel_loop3A_567 = arith.constant 0 : i32
          %parallel_loop3A_568 = arith.constant 14 : i32
          %parallel_loop3A_569 = arith.index_cast %parallel_loop3A_567 : i32 to index
          %parallel_loop3A_570 = arith.index_cast %parallel_loop3A_568 : i32 to index
          %parallel_loop3A_571 = arith.index_cast %parallel_loop3A_332 : i32 to index
          %parallel_loop3A_572 = arith.index_cast %parallel_loop3A_566 : i32 to index
          %parallel_loop3A_573 = tpu.vector_load %arg7[%parallel_loop3A_569, %parallel_loop3A_570, %parallel_loop3A_571, %parallel_loop3A_572] {strides = array<i32>} : memref<2x16x8x224xf32, #tpu.memory_space<vmem>>, vector<16xf32>,
          tpu.vector_store %arg7[%parallel_loop3A_569, %parallel_loop3A_570, %parallel_loop3A_571, %parallel_loop3A_572], %parallel_loop3A_560 {strides = array<i32>} : memref<2x16x8x224xf32, #tpu.memory_space<vmem>>, vector<16xf32>,
          %parallel_loop3A_574 = arith.constant 16 : i32
          %parallel_loop3A_575 = arith.muli %parallel_loop3A_336, %parallel_loop3A_574 : i32
          %parallel_loop3A_576 = arith.constant 0 : i32
          %parallel_loop3A_577 = arith.constant 15 : i32
          %parallel_loop3A_578 = arith.index_cast %parallel_loop3A_576 : i32 to index
          %parallel_loop3A_579 = arith.index_cast %parallel_loop3A_577 : i32 to index
          %parallel_loop3A_580 = arith.index_cast %parallel_loop3A_332 : i32 to index
          %parallel_loop3A_581 = arith.index_cast %parallel_loop3A_575 : i32 to index
          %parallel_loop3A_582 = tpu.vector_load %arg7[%parallel_loop3A_578, %parallel_loop3A_579, %parallel_loop3A_580, %parallel_loop3A_581] {strides = array<i32>} : memref<2x16x8x224xf32, #tpu.memory_space<vmem>>, vector<16xf32>,
          tpu.vector_store %arg7[%parallel_loop3A_578, %parallel_loop3A_579, %parallel_loop3A_580, %parallel_loop3A_581], %parallel_loop3A_564 {strides = array<i32>} : memref<2x16x8x224xf32, #tpu.memory_space<vmem>>, vector<16xf32>,
          %parallel_loop3A_583 = arith.constant 256 : i32
          %parallel_loop3A_584 = vector.broadcast %parallel_loop3A_583 : i32 to vector<16xi32>
          %parallel_loop3A_585 = arith.addi %parallel_loop3A_555, %parallel_loop3A_584 : vector<16xi32>
        } {sc.loop_unroll_factor = 2 : i64, sc.parallel_access}
      } {sc.loop_unroll_factor = 1 : i64, sc.parallel_access}
      %dma_start3A_273 = arith.constant 0 : i32
      %dma_start3A_274 = arith.constant 0 : i32
      %dma_start3A_275 = arith.constant 0 : i32
      %dma_start3A_276 = arith.constant 0 : i32
      %dma_start3A_277 = tpu.memref_slice %arg7[%dma_start3A_273, %dma_start3A_274, %dma_start3A_275, %dma_start3A_276] : memref<2x16x8x224xf32, #tpu.memory_space<vmem>> -> memref<1x16x8x224xf32, #tpu.memory_space<vmem>>
      %dma_start3A_278 = tpu.memref_squeeze %dma_start3A_277 : memref<1x16x8x224xf32, #tpu.memory_space<vmem>> -> memref<16x8x224xf32, #tpu.memory_space<vmem>>
      %dma_start3A_279 = arith.constant 0 : i32
      %dma_start3A_280 = tpu.memref_slice %arg4[%select_n3A_170, %add3A_252, %mul3A_174, %dma_start3A_279] : memref<8x192x224x224xf32, #tpu.memory_space<hbm>> -> memref<1x16x8x224xf32, #tpu.memory_space<hbm>>
      %dma_start3A_281 = tpu.memref_squeeze %dma_start3A_280 : memref<1x16x8x224xf32, #tpu.memory_space<hbm>> -> memref<16x8x224xf32, #tpu.memory_space<hbm>>
      %dma_start3A_282 = arith.constant 0 : i32
      %dma_start3A_283 = tpu.memref_slice %arg4[%select_n3A_170, %add3A_252, %mul3A_174, %dma_start3A_282] : memref<8x192x224x224xf32, #tpu.memory_space<hbm>> -> memref<1x16x8x224xf32, #tpu.memory_space<hbm>>
      %dma_start3A_284 = tpu.memref_squeeze %dma_start3A_283 : memref<1x16x8x224xf32, #tpu.memory_space<hbm>> -> memref<16x8x224xf32, #tpu.memory_space<hbm>>
      %dma_start3A_285 = arith.constant 0 : i32
      %dma_start3A_286 = arith.constant 0 : i32
      %dma_start3A_287 = arith.constant 0 : i32
      %dma_start3A_288 = tpu.memref_slice %arg7[%dma_start3A_273, %dma_start3A_285, %dma_start3A_286, %dma_start3A_287] : memref<2x16x8x224xf32, #tpu.memory_space<vmem>> -> memref<1x16x8x224xf32, #tpu.memory_space<vmem>>
      %dma_start3A_289 = tpu.memref_squeeze %dma_start3A_288 : memref<1x16x8x224xf32, #tpu.memory_space<vmem>> -> memref<16x8x224xf32, #tpu.memory_space<vmem>>
      tpu.enqueue_dma source(%dma_start3A_289 : memref<16x8x224xf32, #tpu.memory_space<vmem>>) target(%dma_start3A_284 : memref<16x8x224xf32, #tpu.memory_space<hbm>>) target_semaphore(%arg8 : memref<!tpu.dma_semaphore, #tpu.memory_space<semaphore_mem>>)
      %mul3A_290 = arith.constant 64 : i32
      %mul3A_291 = arith.muli %rem3A_172, %mul3A_290 : i32
      %add3A_292 = arith.constant 48 : i32
      %add3A_293 = arith.addi %mul3A_291, %add3A_292 : i32
      %dma_wait3A_294 = arith.constant 1 : i32
      %dma_wait3A_295 = arith.constant 0 : i32
      %dma_wait3A_296 = arith.constant 0 : i32
      %dma_wait3A_297 = arith.constant 0 : i32
      %dma_wait3A_298 = tpu.memref_slice %arg7[%dma_wait3A_294, %dma_wait3A_295, %dma_wait3A_296, %dma_wait3A_297] : memref<2x16x8x224xf32, #tpu.memory_space<vmem>> -> memref<1x16x8x224xf32, #tpu.memory_space<vmem>>
      %dma_wait3A_299 = tpu.memref_squeeze %dma_wait3A_298 : memref<1x16x8x224xf32, #tpu.memory_space<vmem>> -> memref<16x8x224xf32, #tpu.memory_space<vmem>>
      %dma_wait3A_300 = arith.constant 0 : i32
      %dma_wait3A_301 = tpu.memref_slice %arg4[%select_n3A_170, %add3A_293, %mul3A_174, %dma_wait3A_300] : memref<8x192x224x224xf32, #tpu.memory_space<hbm>> -> memref<1x16x8x224xf32, #tpu.memory_space<hbm>>
      %dma_wait3A_302 = tpu.memref_squeeze %dma_wait3A_301 : memref<1x16x8x224xf32, #tpu.memory_space<hbm>> -> memref<16x8x224xf32, #tpu.memory_space<hbm>>
      %dma_wait3A_303 = arith.constant 0 : i32
      %dma_wait3A_304 = tpu.memref_slice %arg4[%select_n3A_170, %add3A_293, %mul3A_174, %dma_wait3A_303] : memref<8x192x224x224xf32, #tpu.memory_space<hbm>> -> memref<1x16x8x224xf32, #tpu.memory_space<hbm>>
      %dma_wait3A_305 = tpu.memref_squeeze %dma_wait3A_304 : memref<1x16x8x224xf32, #tpu.memory_space<hbm>> -> memref<16x8x224xf32, #tpu.memory_space<hbm>>
      %dma_wait3A_306 = arith.constant 0 : i32
      %dma_wait3A_307 = arith.constant 0 : i32
      %dma_wait3A_308 = arith.constant 0 : i32
      %dma_wait3A_309 = tpu.memref_slice %arg7[%dma_wait3A_294, %dma_wait3A_306, %dma_wait3A_307, %dma_wait3A_308] : memref<2x16x8x224xf32, #tpu.memory_space<vmem>> -> memref<1x16x8x224xf32, #tpu.memory_space<vmem>>
      %dma_wait3A_310 = tpu.memref_squeeze %dma_wait3A_309 : memref<1x16x8x224xf32, #tpu.memory_space<vmem>> -> memref<16x8x224xf32, #tpu.memory_space<vmem>>
      tpu.wait_dma2 semaphore(%arg9 : memref<!tpu.dma_semaphore, #tpu.memory_space<semaphore_mem>>) src(%dma_wait3A_310 : memref<16x8x224xf32, #tpu.memory_space<vmem>>) dst(%dma_wait3A_305 : memref<16x8x224xf32, #tpu.memory_space<hbm>>)
      %parallel_loop3A_311 = arith.constant 0 : i32
      %parallel_loop3A_312 = arith.constant 8 : i32
      %parallel_loop3A_313 = arith.constant 1 : i32
      scf.for %parallel_loop3A_332 = %parallel_loop3A_311 to %parallel_loop3A_312 step %parallel_loop3A_313  : i32 {
        %parallel_loop3A_333 = arith.constant 0 : i32
        %parallel_loop3A_334 = arith.constant 14 : i32
        %parallel_loop3A_335 = arith.constant 1 : i32
        scf.for %parallel_loop3A_336 = %parallel_loop3A_333 to %parallel_loop3A_334 step %parallel_loop3A_335  : i32 {
          %parallel_loop3A_337 = arith.constant 16 : i32
          %parallel_loop3A_338 = arith.muli %parallel_loop3A_336, %parallel_loop3A_337 : i32
          %parallel_loop3A_339 = arith.index_cast %rem3A_117 : i32 to index
          %parallel_loop3A_340 = arith.index_cast %parallel_loop3A_332 : i32 to index
          %parallel_loop3A_341 = arith.index_cast %parallel_loop3A_338 : i32 to index
          %parallel_loop3A_342 = tpu.vector_load %arg6[%parallel_loop3A_339, %parallel_loop3A_340, %parallel_loop3A_341] {strides = array<i32>} : memref<2x8x224xi32, #tpu.memory_space<vmem>>, vector<16xi32>,
          %parallel_loop3A_343 = arith.constant 6144 : i32
          %parallel_loop3A_344 = vector.broadcast %parallel_loop3A_343 : i32 to vector<16xi32>
          %parallel_loop3A_345 = arith.addi %parallel_loop3A_342, %parallel_loop3A_344 : vector<16xi32>
          %parallel_loop3A_346 = tpu.vector_load_idx %arg5[%parallel_loop3A_345] : memref<8192xi32, #tpu.memory_space<vmem>>[vector<16xi32>], vector<16xi32>,
          %parallel_loop3A_347 = arith.constant 16 : i32
          %parallel_loop3A_348 = vector.broadcast %parallel_loop3A_347 : i32 to vector<16xi32>
          %parallel_loop3A_349 = arith.shli %parallel_loop3A_346, %parallel_loop3A_348 : vector<16xi32>
          %parallel_loop3A_350 = tpu.bitcast %parallel_loop3A_349 : vector<16xi32> -> vector<16xf32>
          %parallel_loop3A_351 = arith.constant -65536 : i32
          %parallel_loop3A_352 = vector.broadcast %parallel_loop3A_351 : i32 to vector<16xi32>
          %parallel_loop3A_353 = arith.andi %parallel_loop3A_346, %parallel_loop3A_352 : vector<16xi32>
          %parallel_loop3A_354 = tpu.bitcast %parallel_loop3A_353 : vector<16xi32> -> vector<16xf32>
          %parallel_loop3A_355 = arith.constant 16 : i32
          %parallel_loop3A_356 = arith.muli %parallel_loop3A_336, %parallel_loop3A_355 : i32
          %parallel_loop3A_357 = arith.constant 1 : i32
          %parallel_loop3A_358 = arith.constant 0 : i32
          %parallel_loop3A_359 = arith.index_cast %parallel_loop3A_357 : i32 to index
          %parallel_loop3A_360 = arith.index_cast %parallel_loop3A_358 : i32 to index
          %parallel_loop3A_361 = arith.index_cast %parallel_loop3A_332 : i32 to index
          %parallel_loop3A_362 = arith.index_cast %parallel_loop3A_356 : i32 to index
          %parallel_loop3A_363 = tpu.vector_load %arg7[%parallel_loop3A_359, %parallel_loop3A_360, %parallel_loop3A_361, %parallel_loop3A_362] {strides = array<i32>} : memref<2x16x8x224xf32, #tpu.memory_space<vmem>>, vector<16xf32>,
          tpu.vector_store %arg7[%parallel_loop3A_359, %parallel_loop3A_360, %parallel_loop3A_361, %parallel_loop3A_362], %parallel_loop3A_350 {strides = array<i32>} : memref<2x16x8x224xf32, #tpu.memory_space<vmem>>, vector<16xf32>,
          %parallel_loop3A_364 = arith.constant 16 : i32
          %parallel_loop3A_365 = arith.muli %parallel_loop3A_336, %parallel_loop3A_364 : i32
          %parallel_loop3A_366 = arith.constant 1 : i32
          %parallel_loop3A_367 = arith.constant 1 : i32
          %parallel_loop3A_368 = arith.index_cast %parallel_loop3A_366 : i32 to index
          %parallel_loop3A_369 = arith.index_cast %parallel_loop3A_367 : i32 to index
          %parallel_loop3A_370 = arith.index_cast %parallel_loop3A_332 : i32 to index
          %parallel_loop3A_371 = arith.index_cast %parallel_loop3A_365 : i32 to index
          %parallel_loop3A_372 = tpu.vector_load %arg7[%parallel_loop3A_368, %parallel_loop3A_369, %parallel_loop3A_370, %parallel_loop3A_371] {strides = array<i32>} : memref<2x16x8x224xf32, #tpu.memory_space<vmem>>, vector<16xf32>,
          tpu.vector_store %arg7[%parallel_loop3A_368, %parallel_loop3A_369, %parallel_loop3A_370, %parallel_loop3A_371], %parallel_loop3A_354 {strides = array<i32>} : memref<2x16x8x224xf32, #tpu.memory_space<vmem>>, vector<16xf32>,
          %parallel_loop3A_373 = arith.constant 256 : i32
          %parallel_loop3A_374 = vector.broadcast %parallel_loop3A_373 : i32 to vector<16xi32>
          %parallel_loop3A_375 = arith.addi %parallel_loop3A_345, %parallel_loop3A_374 : vector<16xi32>
          %parallel_loop3A_376 = tpu.vector_load_idx %arg5[%parallel_loop3A_375] : memref<8192xi32, #tpu.memory_space<vmem>>[vector<16xi32>], vector<16xi32>,
          %parallel_loop3A_377 = arith.constant 16 : i32
          %parallel_loop3A_378 = vector.broadcast %parallel_loop3A_377 : i32 to vector<16xi32>
          %parallel_loop3A_379 = arith.shli %parallel_loop3A_376, %parallel_loop3A_378 : vector<16xi32>
          %parallel_loop3A_380 = tpu.bitcast %parallel_loop3A_379 : vector<16xi32> -> vector<16xf32>
          %parallel_loop3A_381 = arith.constant -65536 : i32
          %parallel_loop3A_382 = vector.broadcast %parallel_loop3A_381 : i32 to vector<16xi32>
          %parallel_loop3A_383 = arith.andi %parallel_loop3A_376, %parallel_loop3A_382 : vector<16xi32>
          %parallel_loop3A_384 = tpu.bitcast %parallel_loop3A_383 : vector<16xi32> -> vector<16xf32>
          %parallel_loop3A_385 = arith.constant 16 : i32
          %parallel_loop3A_386 = arith.muli %parallel_loop3A_336, %parallel_loop3A_385 : i32
          %parallel_loop3A_387 = arith.constant 1 : i32
          %parallel_loop3A_388 = arith.constant 2 : i32
          %parallel_loop3A_389 = arith.index_cast %parallel_loop3A_387 : i32 to index
          %parallel_loop3A_390 = arith.index_cast %parallel_loop3A_388 : i32 to index
          %parallel_loop3A_391 = arith.index_cast %parallel_loop3A_332 : i32 to index
          %parallel_loop3A_392 = arith.index_cast %parallel_loop3A_386 : i32 to index
          %parallel_loop3A_393 = tpu.vector_load %arg7[%parallel_loop3A_389, %parallel_loop3A_390, %parallel_loop3A_391, %parallel_loop3A_392] {strides = array<i32>} : memref<2x16x8x224xf32, #tpu.memory_space<vmem>>, vector<16xf32>,
          tpu.vector_store %arg7[%parallel_loop3A_389, %parallel_loop3A_390, %parallel_loop3A_391, %parallel_loop3A_392], %parallel_loop3A_380 {strides = array<i32>} : memref<2x16x8x224xf32, #tpu.memory_space<vmem>>, vector<16xf32>,
          %parallel_loop3A_394 = arith.constant 16 : i32
          %parallel_loop3A_395 = arith.muli %parallel_loop3A_336, %parallel_loop3A_394 : i32
          %parallel_loop3A_396 = arith.constant 1 : i32
          %parallel_loop3A_397 = arith.constant 3 : i32
          %parallel_loop3A_398 = arith.index_cast %parallel_loop3A_396 : i32 to index
          %parallel_loop3A_399 = arith.index_cast %parallel_loop3A_397 : i32 to index
          %parallel_loop3A_400 = arith.index_cast %parallel_loop3A_332 : i32 to index
          %parallel_loop3A_401 = arith.index_cast %parallel_loop3A_395 : i32 to index
          %parallel_loop3A_402 = tpu.vector_load %arg7[%parallel_loop3A_398, %parallel_loop3A_399, %parallel_loop3A_400, %parallel_loop3A_401] {strides = array<i32>} : memref<2x16x8x224xf32, #tpu.memory_space<vmem>>, vector<16xf32>,
          tpu.vector_store %arg7[%parallel_loop3A_398, %parallel_loop3A_399, %parallel_loop3A_400, %parallel_loop3A_401], %parallel_loop3A_384 {strides = array<i32>} : memref<2x16x8x224xf32, #tpu.memory_space<vmem>>, vector<16xf32>,
          %parallel_loop3A_403 = arith.constant 256 : i32
          %parallel_loop3A_404 = vector.broadcast %parallel_loop3A_403 : i32 to vector<16xi32>
          %parallel_loop3A_405 = arith.addi %parallel_loop3A_375, %parallel_loop3A_404 : vector<16xi32>
          %parallel_loop3A_406 = tpu.vector_load_idx %arg5[%parallel_loop3A_405] : memref<8192xi32, #tpu.memory_space<vmem>>[vector<16xi32>], vector<16xi32>,
          %parallel_loop3A_407 = arith.constant 16 : i32
          %parallel_loop3A_408 = vector.broadcast %parallel_loop3A_407 : i32 to vector<16xi32>
          %parallel_loop3A_409 = arith.shli %parallel_loop3A_406, %parallel_loop3A_408 : vector<16xi32>
          %parallel_loop3A_410 = tpu.bitcast %parallel_loop3A_409 : vector<16xi32> -> vector<16xf32>
          %parallel_loop3A_411 = arith.constant -65536 : i32
          %parallel_loop3A_412 = vector.broadcast %parallel_loop3A_411 : i32 to vector<16xi32>
          %parallel_loop3A_413 = arith.andi %parallel_loop3A_406, %parallel_loop3A_412 : vector<16xi32>
          %parallel_loop3A_414 = tpu.bitcast %parallel_loop3A_413 : vector<16xi32> -> vector<16xf32>
          %parallel_loop3A_415 = arith.constant 16 : i32
          %parallel_loop3A_416 = arith.muli %parallel_loop3A_336, %parallel_loop3A_415 : i32
          %parallel_loop3A_417 = arith.constant 1 : i32
          %parallel_loop3A_418 = arith.constant 4 : i32
          %parallel_loop3A_419 = arith.index_cast %parallel_loop3A_417 : i32 to index
          %parallel_loop3A_420 = arith.index_cast %parallel_loop3A_418 : i32 to index
          %parallel_loop3A_421 = arith.index_cast %parallel_loop3A_332 : i32 to index
          %parallel_loop3A_422 = arith.index_cast %parallel_loop3A_416 : i32 to index
          %parallel_loop3A_423 = tpu.vector_load %arg7[%parallel_loop3A_419, %parallel_loop3A_420, %parallel_loop3A_421, %parallel_loop3A_422] {strides = array<i32>} : memref<2x16x8x224xf32, #tpu.memory_space<vmem>>, vector<16xf32>,
          tpu.vector_store %arg7[%parallel_loop3A_419, %parallel_loop3A_420, %parallel_loop3A_421, %parallel_loop3A_422], %parallel_loop3A_410 {strides = array<i32>} : memref<2x16x8x224xf32, #tpu.memory_space<vmem>>, vector<16xf32>,
          %parallel_loop3A_424 = arith.constant 16 : i32
          %parallel_loop3A_425 = arith.muli %parallel_loop3A_336, %parallel_loop3A_424 : i32
          %parallel_loop3A_426 = arith.constant 1 : i32
          %parallel_loop3A_427 = arith.constant 5 : i32
          %parallel_loop3A_428 = arith.index_cast %parallel_loop3A_426 : i32 to index
          %parallel_loop3A_429 = arith.index_cast %parallel_loop3A_427 : i32 to index
          %parallel_loop3A_430 = arith.index_cast %parallel_loop3A_332 : i32 to index
          %parallel_loop3A_431 = arith.index_cast %parallel_loop3A_425 : i32 to index
          %parallel_loop3A_432 = tpu.vector_load %arg7[%parallel_loop3A_428, %parallel_loop3A_429, %parallel_loop3A_430, %parallel_loop3A_431] {strides = array<i32>} : memref<2x16x8x224xf32, #tpu.memory_space<vmem>>, vector<16xf32>,
          tpu.vector_store %arg7[%parallel_loop3A_428, %parallel_loop3A_429, %parallel_loop3A_430, %parallel_loop3A_431], %parallel_loop3A_414 {strides = array<i32>} : memref<2x16x8x224xf32, #tpu.memory_space<vmem>>, vector<16xf32>,
          %parallel_loop3A_433 = arith.constant 256 : i32
          %parallel_loop3A_434 = vector.broadcast %parallel_loop3A_433 : i32 to vector<16xi32>
          %parallel_loop3A_435 = arith.addi %parallel_loop3A_405, %parallel_loop3A_434 : vector<16xi32>
          %parallel_loop3A_436 = tpu.vector_load_idx %arg5[%parallel_loop3A_435] : memref<8192xi32, #tpu.memory_space<vmem>>[vector<16xi32>], vector<16xi32>,
          %parallel_loop3A_437 = arith.constant 16 : i32
          %parallel_loop3A_438 = vector.broadcast %parallel_loop3A_437 : i32 to vector<16xi32>
          %parallel_loop3A_439 = arith.shli %parallel_loop3A_436, %parallel_loop3A_438 : vector<16xi32>
          %parallel_loop3A_440 = tpu.bitcast %parallel_loop3A_439 : vector<16xi32> -> vector<16xf32>
          %parallel_loop3A_441 = arith.constant -65536 : i32
          %parallel_loop3A_442 = vector.broadcast %parallel_loop3A_441 : i32 to vector<16xi32>
          %parallel_loop3A_443 = arith.andi %parallel_loop3A_436, %parallel_loop3A_442 : vector<16xi32>
          %parallel_loop3A_444 = tpu.bitcast %parallel_loop3A_443 : vector<16xi32> -> vector<16xf32>
          %parallel_loop3A_445 = arith.constant 16 : i32
          %parallel_loop3A_446 = arith.muli %parallel_loop3A_336, %parallel_loop3A_445 : i32
          %parallel_loop3A_447 = arith.constant 1 : i32
          %parallel_loop3A_448 = arith.constant 6 : i32
          %parallel_loop3A_449 = arith.index_cast %parallel_loop3A_447 : i32 to index
          %parallel_loop3A_450 = arith.index_cast %parallel_loop3A_448 : i32 to index
          %parallel_loop3A_451 = arith.index_cast %parallel_loop3A_332 : i32 to index
          %parallel_loop3A_452 = arith.index_cast %parallel_loop3A_446 : i32 to index
          %parallel_loop3A_453 = tpu.vector_load %arg7[%parallel_loop3A_449, %parallel_loop3A_450, %parallel_loop3A_451, %parallel_loop3A_452] {strides = array<i32>} : memref<2x16x8x224xf32, #tpu.memory_space<vmem>>, vector<16xf32>,
          tpu.vector_store %arg7[%parallel_loop3A_449, %parallel_loop3A_450, %parallel_loop3A_451, %parallel_loop3A_452], %parallel_loop3A_440 {strides = array<i32>} : memref<2x16x8x224xf32, #tpu.memory_space<vmem>>, vector<16xf32>,
          %parallel_loop3A_454 = arith.constant 16 : i32
          %parallel_loop3A_455 = arith.muli %parallel_loop3A_336, %parallel_loop3A_454 : i32
          %parallel_loop3A_456 = arith.constant 1 : i32
          %parallel_loop3A_457 = arith.constant 7 : i32
          %parallel_loop3A_458 = arith.index_cast %parallel_loop3A_456 : i32 to index
          %parallel_loop3A_459 = arith.index_cast %parallel_loop3A_457 : i32 to index
          %parallel_loop3A_460 = arith.index_cast %parallel_loop3A_332 : i32 to index
          %parallel_loop3A_461 = arith.index_cast %parallel_loop3A_455 : i32 to index
          %parallel_loop3A_462 = tpu.vector_load %arg7[%parallel_loop3A_458, %parallel_loop3A_459, %parallel_loop3A_460, %parallel_loop3A_461] {strides = array<i32>} : memref<2x16x8x224xf32, #tpu.memory_space<vmem>>, vector<16xf32>,
          tpu.vector_store %arg7[%parallel_loop3A_458, %parallel_loop3A_459, %parallel_loop3A_460, %parallel_loop3A_461], %parallel_loop3A_444 {strides = array<i32>} : memref<2x16x8x224xf32, #tpu.memory_space<vmem>>, vector<16xf32>,
          %parallel_loop3A_463 = arith.constant 256 : i32
          %parallel_loop3A_464 = vector.broadcast %parallel_loop3A_463 : i32 to vector<16xi32>
          %parallel_loop3A_465 = arith.addi %parallel_loop3A_435, %parallel_loop3A_464 : vector<16xi32>
          %parallel_loop3A_466 = tpu.vector_load_idx %arg5[%parallel_loop3A_465] : memref<8192xi32, #tpu.memory_space<vmem>>[vector<16xi32>], vector<16xi32>,
          %parallel_loop3A_467 = arith.constant 16 : i32
          %parallel_loop3A_468 = vector.broadcast %parallel_loop3A_467 : i32 to vector<16xi32>
          %parallel_loop3A_469 = arith.shli %parallel_loop3A_466, %parallel_loop3A_468 : vector<16xi32>
          %parallel_loop3A_470 = tpu.bitcast %parallel_loop3A_469 : vector<16xi32> -> vector<16xf32>
          %parallel_loop3A_471 = arith.constant -65536 : i32
          %parallel_loop3A_472 = vector.broadcast %parallel_loop3A_471 : i32 to vector<16xi32>
          %parallel_loop3A_473 = arith.andi %parallel_loop3A_466, %parallel_loop3A_472 : vector<16xi32>
          %parallel_loop3A_474 = tpu.bitcast %parallel_loop3A_473 : vector<16xi32> -> vector<16xf32>
          %parallel_loop3A_475 = arith.constant 16 : i32
          %parallel_loop3A_476 = arith.muli %parallel_loop3A_336, %parallel_loop3A_475 : i32
          %parallel_loop3A_477 = arith.constant 1 : i32
          %parallel_loop3A_478 = arith.constant 8 : i32
          %parallel_loop3A_479 = arith.index_cast %parallel_loop3A_477 : i32 to index
          %parallel_loop3A_480 = arith.index_cast %parallel_loop3A_478 : i32 to index
          %parallel_loop3A_481 = arith.index_cast %parallel_loop3A_332 : i32 to index
          %parallel_loop3A_482 = arith.index_cast %parallel_loop3A_476 : i32 to index
          %parallel_loop3A_483 = tpu.vector_load %arg7[%parallel_loop3A_479, %parallel_loop3A_480, %parallel_loop3A_481, %parallel_loop3A_482] {strides = array<i32>} : memref<2x16x8x224xf32, #tpu.memory_space<vmem>>, vector<16xf32>,
          tpu.vector_store %arg7[%parallel_loop3A_479, %parallel_loop3A_480, %parallel_loop3A_481, %parallel_loop3A_482], %parallel_loop3A_470 {strides = array<i32>} : memref<2x16x8x224xf32, #tpu.memory_space<vmem>>, vector<16xf32>,
          %parallel_loop3A_484 = arith.constant 16 : i32
          %parallel_loop3A_485 = arith.muli %parallel_loop3A_336, %parallel_loop3A_484 : i32
          %parallel_loop3A_486 = arith.constant 1 : i32
          %parallel_loop3A_487 = arith.constant 9 : i32
          %parallel_loop3A_488 = arith.index_cast %parallel_loop3A_486 : i32 to index
          %parallel_loop3A_489 = arith.index_cast %parallel_loop3A_487 : i32 to index
          %parallel_loop3A_490 = arith.index_cast %parallel_loop3A_332 : i32 to index
          %parallel_loop3A_491 = arith.index_cast %parallel_loop3A_485 : i32 to index
          %parallel_loop3A_492 = tpu.vector_load %arg7[%parallel_loop3A_488, %parallel_loop3A_489, %parallel_loop3A_490, %parallel_loop3A_491] {strides = array<i32>} : memref<2x16x8x224xf32, #tpu.memory_space<vmem>>, vector<16xf32>,
          tpu.vector_store %arg7[%parallel_loop3A_488, %parallel_loop3A_489, %parallel_loop3A_490, %parallel_loop3A_491], %parallel_loop3A_474 {strides = array<i32>} : memref<2x16x8x224xf32, #tpu.memory_space<vmem>>, vector<16xf32>,
          %parallel_loop3A_493 = arith.constant 256 : i32
          %parallel_loop3A_494 = vector.broadcast %parallel_loop3A_493 : i32 to vector<16xi32>
          %parallel_loop3A_495 = arith.addi %parallel_loop3A_465, %parallel_loop3A_494 : vector<16xi32>
          %parallel_loop3A_496 = tpu.vector_load_idx %arg5[%parallel_loop3A_495] : memref<8192xi32, #tpu.memory_space<vmem>>[vector<16xi32>], vector<16xi32>,
          %parallel_loop3A_497 = arith.constant 16 : i32
          %parallel_loop3A_498 = vector.broadcast %parallel_loop3A_497 : i32 to vector<16xi32>
          %parallel_loop3A_499 = arith.shli %parallel_loop3A_496, %parallel_loop3A_498 : vector<16xi32>
          %parallel_loop3A_500 = tpu.bitcast %parallel_loop3A_499 : vector<16xi32> -> vector<16xf32>
          %parallel_loop3A_501 = arith.constant -65536 : i32
          %parallel_loop3A_502 = vector.broadcast %parallel_loop3A_501 : i32 to vector<16xi32>
          %parallel_loop3A_503 = arith.andi %parallel_loop3A_496, %parallel_loop3A_502 : vector<16xi32>
          %parallel_loop3A_504 = tpu.bitcast %parallel_loop3A_503 : vector<16xi32> -> vector<16xf32>
          %parallel_loop3A_505 = arith.constant 16 : i32
          %parallel_loop3A_506 = arith.muli %parallel_loop3A_336, %parallel_loop3A_505 : i32
          %parallel_loop3A_507 = arith.constant 1 : i32
          %parallel_loop3A_508 = arith.constant 10 : i32
          %parallel_loop3A_509 = arith.index_cast %parallel_loop3A_507 : i32 to index
          %parallel_loop3A_510 = arith.index_cast %parallel_loop3A_508 : i32 to index
          %parallel_loop3A_511 = arith.index_cast %parallel_loop3A_332 : i32 to index
          %parallel_loop3A_512 = arith.index_cast %parallel_loop3A_506 : i32 to index
          %parallel_loop3A_513 = tpu.vector_load %arg7[%parallel_loop3A_509, %parallel_loop3A_510, %parallel_loop3A_511, %parallel_loop3A_512] {strides = array<i32>} : memref<2x16x8x224xf32, #tpu.memory_space<vmem>>, vector<16xf32>,
          tpu.vector_store %arg7[%parallel_loop3A_509, %parallel_loop3A_510, %parallel_loop3A_511, %parallel_loop3A_512], %parallel_loop3A_500 {strides = array<i32>} : memref<2x16x8x224xf32, #tpu.memory_space<vmem>>, vector<16xf32>,
          %parallel_loop3A_514 = arith.constant 16 : i32
          %parallel_loop3A_515 = arith.muli %parallel_loop3A_336, %parallel_loop3A_514 : i32
          %parallel_loop3A_516 = arith.constant 1 : i32
          %parallel_loop3A_517 = arith.constant 11 : i32
          %parallel_loop3A_518 = arith.index_cast %parallel_loop3A_516 : i32 to index
          %parallel_loop3A_519 = arith.index_cast %parallel_loop3A_517 : i32 to index
          %parallel_loop3A_520 = arith.index_cast %parallel_loop3A_332 : i32 to index
          %parallel_loop3A_521 = arith.index_cast %parallel_loop3A_515 : i32 to index
          %parallel_loop3A_522 = tpu.vector_load %arg7[%parallel_loop3A_518, %parallel_loop3A_519, %parallel_loop3A_520, %parallel_loop3A_521] {strides = array<i32>} : memref<2x16x8x224xf32, #tpu.memory_space<vmem>>, vector<16xf32>,
          tpu.vector_store %arg7[%parallel_loop3A_518, %parallel_loop3A_519, %parallel_loop3A_520, %parallel_loop3A_521], %parallel_loop3A_504 {strides = array<i32>} : memref<2x16x8x224xf32, #tpu.memory_space<vmem>>, vector<16xf32>,
          %parallel_loop3A_523 = arith.constant 256 : i32
          %parallel_loop3A_524 = vector.broadcast %parallel_loop3A_523 : i32 to vector<16xi32>
          %parallel_loop3A_525 = arith.addi %parallel_loop3A_495, %parallel_loop3A_524 : vector<16xi32>
          %parallel_loop3A_526 = tpu.vector_load_idx %arg5[%parallel_loop3A_525] : memref<8192xi32, #tpu.memory_space<vmem>>[vector<16xi32>], vector<16xi32>,
          %parallel_loop3A_527 = arith.constant 16 : i32
          %parallel_loop3A_528 = vector.broadcast %parallel_loop3A_527 : i32 to vector<16xi32>
          %parallel_loop3A_529 = arith.shli %parallel_loop3A_526, %parallel_loop3A_528 : vector<16xi32>
          %parallel_loop3A_530 = tpu.bitcast %parallel_loop3A_529 : vector<16xi32> -> vector<16xf32>
          %parallel_loop3A_531 = arith.constant -65536 : i32
          %parallel_loop3A_532 = vector.broadcast %parallel_loop3A_531 : i32 to vector<16xi32>
          %parallel_loop3A_533 = arith.andi %parallel_loop3A_526, %parallel_loop3A_532 : vector<16xi32>
          %parallel_loop3A_534 = tpu.bitcast %parallel_loop3A_533 : vector<16xi32> -> vector<16xf32>
          %parallel_loop3A_535 = arith.constant 16 : i32
          %parallel_loop3A_536 = arith.muli %parallel_loop3A_336, %parallel_loop3A_535 : i32
          %parallel_loop3A_537 = arith.constant 1 : i32
          %parallel_loop3A_538 = arith.constant 12 : i32
          %parallel_loop3A_539 = arith.index_cast %parallel_loop3A_537 : i32 to index
          %parallel_loop3A_540 = arith.index_cast %parallel_loop3A_538 : i32 to index
          %parallel_loop3A_541 = arith.index_cast %parallel_loop3A_332 : i32 to index
          %parallel_loop3A_542 = arith.index_cast %parallel_loop3A_536 : i32 to index
          %parallel_loop3A_543 = tpu.vector_load %arg7[%parallel_loop3A_539, %parallel_loop3A_540, %parallel_loop3A_541, %parallel_loop3A_542] {strides = array<i32>} : memref<2x16x8x224xf32, #tpu.memory_space<vmem>>, vector<16xf32>,
          tpu.vector_store %arg7[%parallel_loop3A_539, %parallel_loop3A_540, %parallel_loop3A_541, %parallel_loop3A_542], %parallel_loop3A_530 {strides = array<i32>} : memref<2x16x8x224xf32, #tpu.memory_space<vmem>>, vector<16xf32>,
          %parallel_loop3A_544 = arith.constant 16 : i32
          %parallel_loop3A_545 = arith.muli %parallel_loop3A_336, %parallel_loop3A_544 : i32
          %parallel_loop3A_546 = arith.constant 1 : i32
          %parallel_loop3A_547 = arith.constant 13 : i32
          %parallel_loop3A_548 = arith.index_cast %parallel_loop3A_546 : i32 to index
          %parallel_loop3A_549 = arith.index_cast %parallel_loop3A_547 : i32 to index
          %parallel_loop3A_550 = arith.index_cast %parallel_loop3A_332 : i32 to index
          %parallel_loop3A_551 = arith.index_cast %parallel_loop3A_545 : i32 to index
          %parallel_loop3A_552 = tpu.vector_load %arg7[%parallel_loop3A_548, %parallel_loop3A_549, %parallel_loop3A_550, %parallel_loop3A_551] {strides = array<i32>} : memref<2x16x8x224xf32, #tpu.memory_space<vmem>>, vector<16xf32>,
          tpu.vector_store %arg7[%parallel_loop3A_548, %parallel_loop3A_549, %parallel_loop3A_550, %parallel_loop3A_551], %parallel_loop3A_534 {strides = array<i32>} : memref<2x16x8x224xf32, #tpu.memory_space<vmem>>, vector<16xf32>,
          %parallel_loop3A_553 = arith.constant 256 : i32
          %parallel_loop3A_554 = vector.broadcast %parallel_loop3A_553 : i32 to vector<16xi32>
          %parallel_loop3A_555 = arith.addi %parallel_loop3A_525, %parallel_loop3A_554 : vector<16xi32>
          %parallel_loop3A_556 = tpu.vector_load_idx %arg5[%parallel_loop3A_555] : memref<8192xi32, #tpu.memory_space<vmem>>[vector<16xi32>], vector<16xi32>,
          %parallel_loop3A_557 = arith.constant 16 : i32
          %parallel_loop3A_558 = vector.broadcast %parallel_loop3A_557 : i32 to vector<16xi32>
          %parallel_loop3A_559 = arith.shli %parallel_loop3A_556, %parallel_loop3A_558 : vector<16xi32>
          %parallel_loop3A_560 = tpu.bitcast %parallel_loop3A_559 : vector<16xi32> -> vector<16xf32>
          %parallel_loop3A_561 = arith.constant -65536 : i32
          %parallel_loop3A_562 = vector.broadcast %parallel_loop3A_561 : i32 to vector<16xi32>
          %parallel_loop3A_563 = arith.andi %parallel_loop3A_556, %parallel_loop3A_562 : vector<16xi32>
          %parallel_loop3A_564 = tpu.bitcast %parallel_loop3A_563 : vector<16xi32> -> vector<16xf32>
          %parallel_loop3A_565 = arith.constant 16 : i32
          %parallel_loop3A_566 = arith.muli %parallel_loop3A_336, %parallel_loop3A_565 : i32
          %parallel_loop3A_567 = arith.constant 1 : i32
          %parallel_loop3A_568 = arith.constant 14 : i32
          %parallel_loop3A_569 = arith.index_cast %parallel_loop3A_567 : i32 to index
          %parallel_loop3A_570 = arith.index_cast %parallel_loop3A_568 : i32 to index
          %parallel_loop3A_571 = arith.index_cast %parallel_loop3A_332 : i32 to index
          %parallel_loop3A_572 = arith.index_cast %parallel_loop3A_566 : i32 to index
          %parallel_loop3A_573 = tpu.vector_load %arg7[%parallel_loop3A_569, %parallel_loop3A_570, %parallel_loop3A_571, %parallel_loop3A_572] {strides = array<i32>} : memref<2x16x8x224xf32, #tpu.memory_space<vmem>>, vector<16xf32>,
          tpu.vector_store %arg7[%parallel_loop3A_569, %parallel_loop3A_570, %parallel_loop3A_571, %parallel_loop3A_572], %parallel_loop3A_560 {strides = array<i32>} : memref<2x16x8x224xf32, #tpu.memory_space<vmem>>, vector<16xf32>,
          %parallel_loop3A_574 = arith.constant 16 : i32
          %parallel_loop3A_575 = arith.muli %parallel_loop3A_336, %parallel_loop3A_574 : i32
          %parallel_loop3A_576 = arith.constant 1 : i32
          %parallel_loop3A_577 = arith.constant 15 : i32
          %parallel_loop3A_578 = arith.index_cast %parallel_loop3A_576 : i32 to index
          %parallel_loop3A_579 = arith.index_cast %parallel_loop3A_577 : i32 to index
          %parallel_loop3A_580 = arith.index_cast %parallel_loop3A_332 : i32 to index
          %parallel_loop3A_581 = arith.index_cast %parallel_loop3A_575 : i32 to index
          %parallel_loop3A_582 = tpu.vector_load %arg7[%parallel_loop3A_578, %parallel_loop3A_579, %parallel_loop3A_580, %parallel_loop3A_581] {strides = array<i32>} : memref<2x16x8x224xf32, #tpu.memory_space<vmem>>, vector<16xf32>,
          tpu.vector_store %arg7[%parallel_loop3A_578, %parallel_loop3A_579, %parallel_loop3A_580, %parallel_loop3A_581], %parallel_loop3A_564 {strides = array<i32>} : memref<2x16x8x224xf32, #tpu.memory_space<vmem>>, vector<16xf32>,
          %parallel_loop3A_583 = arith.constant 256 : i32
          %parallel_loop3A_584 = vector.broadcast %parallel_loop3A_583 : i32 to vector<16xi32>
          %parallel_loop3A_585 = arith.addi %parallel_loop3A_555, %parallel_loop3A_584 : vector<16xi32>
        } {sc.loop_unroll_factor = 2 : i64, sc.parallel_access}
      } {sc.loop_unroll_factor = 1 : i64, sc.parallel_access}
      %dma_start3A_314 = arith.constant 1 : i32
      %dma_start3A_315 = arith.constant 0 : i32
      %dma_start3A_316 = arith.constant 0 : i32
      %dma_start3A_317 = arith.constant 0 : i32
      %dma_start3A_318 = tpu.memref_slice %arg7[%dma_start3A_314, %dma_start3A_315, %dma_start3A_316, %dma_start3A_317] : memref<2x16x8x224xf32, #tpu.memory_space<vmem>> -> memref<1x16x8x224xf32, #tpu.memory_space<vmem>>
      %dma_start3A_319 = tpu.memref_squeeze %dma_start3A_318 : memref<1x16x8x224xf32, #tpu.memory_space<vmem>> -> memref<16x8x224xf32, #tpu.memory_space<vmem>>
      %dma_start3A_320 = arith.constant 0 : i32
      %dma_start3A_321 = tpu.memref_slice %arg4[%select_n3A_170, %add3A_293, %mul3A_174, %dma_start3A_320] : memref<8x192x224x224xf32, #tpu.memory_space<hbm>> -> memref<1x16x8x224xf32, #tpu.memory_space<hbm>>
      %dma_start3A_322 = tpu.memref_squeeze %dma_start3A_321 : memref<1x16x8x224xf32, #tpu.memory_space<hbm>> -> memref<16x8x224xf32, #tpu.memory_space<hbm>>
      %dma_start3A_323 = arith.constant 0 : i32
      %dma_start3A_324 = tpu.memref_slice %arg4[%select_n3A_170, %add3A_293, %mul3A_174, %dma_start3A_323] : memref<8x192x224x224xf32, #tpu.memory_space<hbm>> -> memref<1x16x8x224xf32, #tpu.memory_space<hbm>>
      %dma_start3A_325 = tpu.memref_squeeze %dma_start3A_324 : memref<1x16x8x224xf32, #tpu.memory_space<hbm>> -> memref<16x8x224xf32, #tpu.memory_space<hbm>>
      %dma_start3A_326 = arith.constant 0 : i32
      %dma_start3A_327 = arith.constant 0 : i32
      %dma_start3A_328 = arith.constant 0 : i32
      %dma_start3A_329 = tpu.memref_slice %arg7[%dma_start3A_314, %dma_start3A_326, %dma_start3A_327, %dma_start3A_328] : memref<2x16x8x224xf32, #tpu.memory_space<vmem>> -> memref<1x16x8x224xf32, #tpu.memory_space<vmem>>
      %dma_start3A_330 = tpu.memref_squeeze %dma_start3A_329 : memref<1x16x8x224xf32, #tpu.memory_space<vmem>> -> memref<16x8x224xf32, #tpu.memory_space<vmem>>
      tpu.enqueue_dma source(%dma_start3A_330 : memref<16x8x224xf32, #tpu.memory_space<vmem>>) target(%dma_start3A_325 : memref<16x8x224xf32, #tpu.memory_space<hbm>>) target_semaphore(%arg9 : memref<!tpu.dma_semaphore, #tpu.memory_space<semaphore_mem>>)
      %scan3A_331 = arith.constant 0 : i32
      scf.yield %scan3A_331 : i32
    }
    %scan3A_70 = arith.constant 21 : i32
    %dma_wait3A = arith.constant 0 : i32
    %dma_wait3A_71 = arith.constant 0 : i32
    %dma_wait3A_72 = arith.constant 0 : i32
    %dma_wait3A_73 = arith.constant 0 : i32
    %dma_wait3A_74 = arith.constant 0 : i32
    %dma_wait3A_75 = tpu.memref_slice %arg7[%dma_wait3A, %dma_wait3A_72, %dma_wait3A_73, %dma_wait3A_74] : memref<2x16x8x224xf32, #tpu.memory_space<vmem>> -> memref<1x16x8x224xf32, #tpu.memory_space<vmem>>
    %dma_wait3A_76 = tpu.memref_squeeze %dma_wait3A_75 : memref<1x16x8x224xf32, #tpu.memory_space<vmem>> -> memref<16x8x224xf32, #tpu.memory_space<vmem>>
    %dma_wait3A_77 = arith.constant 0 : i32
    %dma_wait3A_78 = arith.constant 0 : i32
    %dma_wait3A_79 = arith.constant 0 : i32
    %dma_wait3A_80 = tpu.memref_slice %arg4[%dma_wait3A_71, %dma_wait3A_77, %dma_wait3A_78, %dma_wait3A_79] : memref<8x192x224x224xf32, #tpu.memory_space<hbm>> -> memref<1x16x8x224xf32, #tpu.memory_space<hbm>>
    %dma_wait3A_81 = tpu.memref_squeeze %dma_wait3A_80 : memref<1x16x8x224xf32, #tpu.memory_space<hbm>> -> memref<16x8x224xf32, #tpu.memory_space<hbm>>
    %dma_wait3A_82 = arith.constant 0 : i32
    %dma_wait3A_83 = arith.constant 0 : i32
    %dma_wait3A_84 = arith.constant 0 : i32
    %dma_wait3A_85 = tpu.memref_slice %arg4[%dma_wait3A_71, %dma_wait3A_82, %dma_wait3A_83, %dma_wait3A_84] : memref<8x192x224x224xf32, #tpu.memory_space<hbm>> -> memref<1x16x8x224xf32, #tpu.memory_space<hbm>>
    %dma_wait3A_86 = tpu.memref_squeeze %dma_wait3A_85 : memref<1x16x8x224xf32, #tpu.memory_space<hbm>> -> memref<16x8x224xf32, #tpu.memory_space<hbm>>
    %dma_wait3A_87 = arith.constant 0 : i32
    %dma_wait3A_88 = arith.constant 0 : i32
    %dma_wait3A_89 = arith.constant 0 : i32
    %dma_wait3A_90 = tpu.memref_slice %arg7[%dma_wait3A, %dma_wait3A_87, %dma_wait3A_88, %dma_wait3A_89] : memref<2x16x8x224xf32, #tpu.memory_space<vmem>> -> memref<1x16x8x224xf32, #tpu.memory_space<vmem>>
    %dma_wait3A_91 = tpu.memref_squeeze %dma_wait3A_90 : memref<1x16x8x224xf32, #tpu.memory_space<vmem>> -> memref<16x8x224xf32, #tpu.memory_space<vmem>>
    tpu.wait_dma2 semaphore(%arg8 : memref<!tpu.dma_semaphore, #tpu.memory_space<semaphore_mem>>) src(%dma_wait3A_91 : memref<16x8x224xf32, #tpu.memory_space<vmem>>) dst(%dma_wait3A_86 : memref<16x8x224xf32, #tpu.memory_space<hbm>>)
    %dma_wait3A_92 = arith.constant 1 : i32
    %dma_wait3A_93 = arith.constant 0 : i32
    %dma_wait3A_94 = arith.constant 0 : i32
    %dma_wait3A_95 = arith.constant 0 : i32
    %dma_wait3A_96 = arith.constant 0 : i32
    %dma_wait3A_97 = tpu.memref_slice %arg7[%dma_wait3A_92, %dma_wait3A_94, %dma_wait3A_95, %dma_wait3A_96] : memref<2x16x8x224xf32, #tpu.memory_space<vmem>> -> memref<1x16x8x224xf32, #tpu.memory_space<vmem>>
    %dma_wait3A_98 = tpu.memref_squeeze %dma_wait3A_97 : memref<1x16x8x224xf32, #tpu.memory_space<vmem>> -> memref<16x8x224xf32, #tpu.memory_space<vmem>>
    %dma_wait3A_99 = arith.constant 0 : i32
    %dma_wait3A_100 = arith.constant 0 : i32
    %dma_wait3A_101 = arith.constant 0 : i32
    %dma_wait3A_102 = tpu.memref_slice %arg4[%dma_wait3A_93, %dma_wait3A_99, %dma_wait3A_100, %dma_wait3A_101] : memref<8x192x224x224xf32, #tpu.memory_space<hbm>> -> memref<1x16x8x224xf32, #tpu.memory_space<hbm>>
    %dma_wait3A_103 = tpu.memref_squeeze %dma_wait3A_102 : memref<1x16x8x224xf32, #tpu.memory_space<hbm>> -> memref<16x8x224xf32, #tpu.memory_space<hbm>>
    %dma_wait3A_104 = arith.constant 0 : i32
    %dma_wait3A_105 = arith.constant 0 : i32
    %dma_wait3A_106 = arith.constant 0 : i32
    %dma_wait3A_107 = tpu.memref_slice %arg4[%dma_wait3A_93, %dma_wait3A_104, %dma_wait3A_105, %dma_wait3A_106] : memref<8x192x224x224xf32, #tpu.memory_space<hbm>> -> memref<1x16x8x224xf32, #tpu.memory_space<hbm>>
    %dma_wait3A_108 = tpu.memref_squeeze %dma_wait3A_107 : memref<1x16x8x224xf32, #tpu.memory_space<hbm>> -> memref<16x8x224xf32, #tpu.memory_space<hbm>>
    %dma_wait3A_109 = arith.constant 0 : i32
    %dma_wait3A_110 = arith.constant 0 : i32
    %dma_wait3A_111 = arith.constant 0 : i32
    %dma_wait3A_112 = tpu.memref_slice %arg7[%dma_wait3A_92, %dma_wait3A_109, %dma_wait3A_110, %dma_wait3A_111] : memref<2x16x8x224xf32, #tpu.memory_space<vmem>> -> memref<1x16x8x224xf32, #tpu.memory_space<vmem>>
    %dma_wait3A_113 = tpu.memref_squeeze %dma_wait3A_112 : memref<1x16x8x224xf32, #tpu.memory_space<vmem>> -> memref<16x8x224xf32, #tpu.memory_space<vmem>>
    tpu.wait_dma2 semaphore(%arg9 : memref<!tpu.dma_semaphore, #tpu.memory_space<semaphore_mem>>) src(%dma_wait3A_113 : memref<16x8x224xf32, #tpu.memory_space<vmem>>) dst(%dma_wait3A_108 : memref<16x8x224xf32, #tpu.memory_space<hbm>>)
    return
  }
}

</mosaic_0001>

<sc_bundles>
// kernel: _run.3.cloned.1.call-start
scs
__scs_entry_jumppad:
0x0: {  	(pc) =	sbr.rel $0x88, $3  }
0x1: {  	(tag) =	ssettag $0x0;
	lr =	simm.s32 $0x1  }
0x2: {  	[smem:$0x3F9F] =	sst lr;
	_ =	strace $0xD0000000  }
0x3: {  	_ = 	snop  }
0x4: {  	_ = 	snop  }
0x5: {  	_ = 	snop  }
0x6: {  	_ = 	snop  }
0x7: {  	_ = 	snop  }
__scs_overlays_trampoline_lowered:
0x8: {  	[smem:$0x3FAE] =	sst s0  }
0x9: {  	[smem:$0x3FAF] =	sst s1  }
0xa: {  	[smem:$0x3FB0] =	sst s2  }
0xb: {  	[smem:$0x3FB1] =	sst s3  }
0xc: {  	[smem:$0x3FB2] =	sst s4  }
0xd: {  	[smem:$0x3FB3] =	sst s5  }
0xe: {  	[smem:$0x3FB4] =	sst s6  }
0xf: {  	[smem:$0x3FB5] =	sst s7  }
0x10: {  	[smem:$0x3FB6] =	sst s8  }
0x11: {  	[smem:$0x3FB7] =	sst s9;
	s0 =	simm.s32 @!p0 $0x0  }
0x12: {  	s1 =	sld [smem:$0x3F9D];
	s0 =	simm.s32 @p0 $0x1  }
0x13: {  	[smem:$0x3FB8] =	sst s0;
	s0 =	simm.s32 @!p1 $0x0  }
0x14: {  	s2 =	sld [smem:$0x3F9C];
	s0 =	simm.s32 @p1 $0x1  }
0x15: {  	[smem:$0x3FB9] =	sst s0;
	s0 =	simm.s32 @!p2 $0x0  }
0x16: {  	s3 =	sld [smem:$0x3FDB];
	s0 =	simm.s32 @p2 $0x1  }
0x17: {  	s4 =	simm.s32 $0x1BF5;
	[smem:$0x3FBB] =	sst s0  }
0x18: {  	s0 =	sld [smem:$0x3F9E];
	_ =	swait.ge [sflag:s4], $0x0  }
0x19: {  	s7 =	sld [smem:$0x3F9F]  }
0x1a: {  	s8 =	sadd.s32 $0xFFFFE003, lr  }
0x1b: {  	s9 =	sadd.s32 $0xFFFFFEF7, lr;
	s5 =	simm.s32 $0xFFFFFFFF;
	p2 =	slt.u32 s8, $0xFFFFF086  }
0x1c: {  	p1 =	slt.u32 s9, $0xF7A;
	s5 =	simm.s32 @!p2 $0x0  }
0x1d: {  	s5 =	simm.s32 @p1 $0x1;
	p0 =	seq.s32 s7, s2  }
0x1e: {  	s7 =	smul.u32 @!p0 $0xF7A, s2;
	p2 =	seq.s32 @!p0 s5, $0x0  }
0x1f: {  	s9 =	smul.u32 $0xF7A, s1;
	s8 =	simm.s32 @!p0 $0x1BF5;
	p2 =	por !p2, p0  }
0x20: {  	[sflag:s8] =	ssyncset.s32 @!p0 $0xFFFFF086;
	s6 =	sadd.s32 @!p0 s3, s7;
	s7 =	simm.s32 @!p0 $0x108  }
0x21: {  	s3 =	sadd.s32 s3, s9;
	s6 =	sadd.s32 @!p0 $0x88, s6;
	s7 =	simm.s32 @p2 $0x1082  }
0x22: {  	[simem:s7], [sflag:s8] =	dma.local @!p0 [hbm:s6], $0xF7A  }
0x23: {  	s9 =	sor.u32 $0xD0000000, s2;
	s6 =	simm.s32 $0x108;
	_ =	swait.ge @!p0 [sflag:s8], $0x0  }
0x24: {  	s3 =	sadd.s32 $0x88, s3;
	s6 =	simm.s32 @!p1 $0x1082;
	[sflag:s4] =	ssyncset.s32 $0xFFFFF086  }
0x25: {  	[simem:s6], [sflag:s4] =	dma.local [hbm:s3], $0xF7A  }
0x26: {  	[smem:$0x3F9F] =	sst s1;
	(tag) =	ssettag s2;
	_ =	strace s9  }
0x27: {  	s1 =	sld [smem:$0x3FAF]  }
0x28: {  	s2 =	sld [smem:$0x3FB0]  }
0x29: {  	s4 =	sld [smem:$0x3FB2]  }
0x2a: {  	p0 =	seq.s32 s5, $0x0;
	s5 =	sld [smem:$0x3FB3]  }
0x2b: {  	s6 =	sld [smem:$0x3FB4]  }
0x2c: {  	s7 =	sld [smem:$0x3FB5]  }
0x2d: {  	s3 =	simm.s32 $0x108;
	s8 =	sld [smem:$0x3FB6]  }
0x2e: {  	s3 =	simm.s32 @!p0 $0x1082;
	s9 =	sld [smem:$0x3FB7]  }
0x2f: {  	lr =	sadd.s32 s0, s3;
	s0 =	sld [smem:$0x3FAE]  }
0x30: {  	s3 =	sld [smem:$0x3FB1]  }
0x31: {  	[smem:$0x3FBA] =	sst s10  }
0x32: {  	s10 =	sld [smem:$0x3FB8];
	_ =	sdelay $0x3  }
0x33: {  	p0 =	seq.s32 s10, $0x1;
	s10 =	sld [smem:$0x3FBA];
	_ =	sdelay $0x3  }
0x34: {  	[smem:$0x3FBA] =	sst s10  }
0x35: {  	s10 =	sld [smem:$0x3FB9];
	_ =	sdelay $0x3  }
0x36: {  	p1 =	seq.s32 s10, $0x1;
	s10 =	sld [smem:$0x3FBA];
	_ =	sdelay $0x3  }
0x37: {  	[smem:$0x3FBA] =	sst s10  }
0x38: {  	s10 =	sld [smem:$0x3FBB]  }
0x39: {  	_ = 	snop;
	(pc) =	sbr.ind lr, $3  }
0x3a: {  	_ = 	snop  }
0x3b: {  	_ = 	snop  }
0x3c: {  	p2 =	seq.s32 s10, $0x1;
	s10 =	sld [smem:$0x3FBA]  }
0x3d: {  	_ =	shalt  }
0x3e: {  	_ =	shalt  }
0x3f: {  	_ =	shalt  }
0x40: {  	_ =	shalt  }
0x41: {  	_ =	shalt  }
0x42: {  	_ =	shalt  }
0x43: {  	_ =	shalt  }
0x44: {  	_ =	shalt  }
0x45: {  	_ =	shalt  }
0x46: {  	_ =	shalt  }
0x47: {  	_ =	shalt  }
0x48: {  	_ =	shalt  }
0x49: {  	_ =	shalt  }
0x4a: {  	_ =	shalt  }
0x4b: {  	_ =	shalt  }
0x4c: {  	_ =	shalt  }
0x4d: {  	_ =	shalt  }
0x4e: {  	_ =	shalt  }
0x4f: {  	_ =	shalt  }
0x50: {  	_ =	shalt  }
0x51: {  	_ =	shalt  }
0x52: {  	_ =	shalt  }
0x53: {  	_ =	shalt  }
0x54: {  	_ =	shalt  }
0x55: {  	_ =	shalt  }
0x56: {  	_ =	shalt  }
0x57: {  	_ =	shalt  }
0x58: {  	_ =	shalt  }
0x59: {  	_ =	shalt  }
0x5a: {  	_ =	shalt  }
0x5b: {  	_ =	shalt  }
0x5c: {  	_ =	shalt  }
0x5d: {  	_ =	shalt  }
0x5e: {  	_ =	shalt  }
0x5f: {  	_ =	shalt  }
0x60: {  	_ =	shalt  }
0x61: {  	_ =	shalt  }
0x62: {  	_ =	shalt  }
0x63: {  	_ =	shalt  }
0x64: {  	_ =	shalt  }
0x65: {  	_ =	shalt  }
0x66: {  	_ =	shalt  }
0x67: {  	_ =	shalt  }
0x68: {  	_ =	shalt  }
0x69: {  	_ =	shalt  }
0x6a: {  	_ =	shalt  }
0x6b: {  	_ =	shalt  }
0x6c: {  	_ =	shalt  }
0x6d: {  	_ =	shalt  }
0x6e: {  	_ =	shalt  }
0x6f: {  	_ =	shalt  }
0x70: {  	_ =	shalt  }
0x71: {  	_ =	shalt  }
0x72: {  	_ =	shalt  }
0x73: {  	_ =	shalt  }
0x74: {  	_ =	shalt  }
0x75: {  	_ =	shalt  }
0x76: {  	_ =	shalt  }
0x77: {  	_ =	shalt  }
0x78: {  	_ =	shalt  }
0x79: {  	_ =	shalt  }
0x7a: {  	_ =	shalt  }
0x7b: {  	_ =	shalt  }
0x7c: {  	_ =	shalt  }
0x7d: {  	_ =	shalt  }
0x7e: {  	_ =	shalt  }
0x7f: {  	_ =	shalt  }
0x80: {  	_ =	shalt  }
0x81: {  	_ =	shalt  }
0x82: {  	_ =	shalt  }
0x83: {  	_ =	shalt  }
0x84: {  	_ =	shalt  }
0x85: {  	_ =	shalt  }
0x86: {  	_ =	shalt  }
0x87: {  	_ =	shalt  }
.Lfunc_end0:
.L_simem_size_0:
called_computation_lowered:
.L_overlay_start_0:
0x88: {  	s2 =	sld [smem:$0x3FD9]  }
0x89: {  	s3 =	sld [smem:$0x3FFE];
	_ =	sdelay $0x1  }
0x8a: {  	s1 =	srdreg.scid  }
0x8b: {  	s0 =	sand.u32 $0x1, s1  }
0x8c: {  	s18 =	sshll.u32 s0, $0xA;
	s2 =	sadd.s32 s3, s2  }
0x8d: {  	s2 =	sadd.s32 s2, s18  }
0x8e: {  	[smem:$0x3FC6] =	sst s2  }
0x8f: {  	_ = 	snop  }
0x90: {  	s2 =	sld [smem:$0x3FC9]  }
0x91: {  	s19 =	sld [smem:$0x3FC8]  }
0x92: {  	s4 =	sld [smem:$0x3FD0];
	(tm) =	ssettm $0x1  }
0x93: {  	s5 =	sld [smem:$0x3FFB];
	_ =	sdelay $0x3  }
0x94: {  	_ =	strace s5  }
0x95: {  	s5 =	sld [smem:$0x3FFC];
	_ =	sdelay $0x3  }
0x96: {  	_ =	strace s5  }
0x97: {  	s5 =	sld [smem:$0x3FFD];
	_ =	sdelay $0x3  }
0x98: {  	_ =	strace s5  }
0x99: {  	_ =	strace $0x8FFFFFFF  }
0x9a: {  	s20 =	sld [smem:$0x3FDB];
	_ =	sdelay $0x1  }
0x9b: {  	s6 =	simm.s32 $_scs_section_size  }
0x9c: {  	s7 =	simm.s32 $_size__tile_overlayer_lowered;
	s8 =	simm.s32 $_tile_overlayer_lowered  }
0x9d: {  	s23 =	simm.s32 $0x1BFF;
	s22 =	sshll.u32 s8, $0x1;
	s5 =	sadd.s32 s6, s20  }
0x9e: {  	s9 =	simm.s32 $0x0;
	s21 =	sshll.u32 s7, $0x1;
	s7 =	sadd.s32 s22, s5  }
0x9f: {  	[timem:s9], [sflag:s23] =	dma.local [hbm:s7], s21  }
0xa0: {  	_ =	swait.ge [sflag:s23], s21  }
0xa1: {  	s6 =	ssub.s32 $0x0, s21;
	[sflag:s23] =	ssyncset.done $0x0  }
0xa2: {  	[sflag:s23] =	ssyncadd.s32 s6;
	_ =	sdelay $0x1  }
0xa3: {  	s24 =	simm.s32 $0x1B8B  }
0xa4: {  	_ =	swait.ge [sflag:s24], $0x1  }
0xa5: {  	[sflag:s24] =	ssyncset.done $0x0  }
0xa6: {  	s25 =	simm.s32 $0x1B8E;
	[sflag:s24] =	ssyncadd.s32 $0xFFFFFFFF  }
0xa7: {  	s26 =	simm.s32 $execute0_lowered;
	[smem:$0x3FD2] =	sst s25  }
0xa8: {  	s6 =	sshll.u32 s26, $0x1;
	_ =	strace $0x80000046;
	[dreg:$0x1] =	wrdreg $0xFFFFFFFF  }
0xa9: {  	s28 =	simm.s32 $_size_execute0_lowered;
	s5 =	sadd.s32 s5, s6;
	[dreg:$0x0] =	wrdreg $0x0  }
0xaa: {  	s6 =	sshll.u32 s28, $0x1;
	[dreg:$0x2] =	wrdreg s5  }
0xab: {  	[dreg:$0x3] =	wrdreg s6  }
0xac: {  	[dreg:$0x4] =	wrdreg $0xC0  }
0xad: {  	_ =	task [dreg:s9], $0x5FFFF  }
0xae: {  	[dreg:$0x1] =	wrdreg $0xFFFFFFFF  }
0xaf: {  	[dreg:$0x0] =	wrdreg $0x60  }
0xb0: {  	[dreg:$0x2] =	wrdreg s2  }
0xb1: {  	[dreg:$0x3] =	wrdreg s19  }
0xb2: {  	[dreg:$0x4] =	wrdreg s4  }
0xb3: {  	[dreg:$0x5] =	wrdreg $0x9  }
0xb4: {  	_ =	task.clear_ibuf [dreg:s9], $0x6FFFF;
	_ =	strace $0x90000046  }
0xb5: {  	s29 =	simm.s32 $0x9;
	_ =	strace $0x80000048  }
0xb6: {  	_ =	swait.ge [sflag:s29], $0x1  }
0xb7: {  	[sflag:s29] =	ssyncadd.s32 $0xFFFFFFFF  }
0xb8: {  	_ =	strace $0x90000048  }
0xb9: {  	_ =	sfence  }
0xba: {  	s30 =	sld [smem:$0x0];
	_ =	sdelay $0x2  }
0xbb: {  	s31 =	sshll.u32 s1, $0xD;
	s1 =	sshrl.u32 s1, $0x2  }
0xbc: {  	s3 =	sand.u32 $0x4000, s31;
	s1 =	sadd.s32 s1, s30  }
0xbd: {  	s0 =	sor.u32 s3, s0;
	s1 =	sshll.u32 s1, $0x11  }
0xbe: {  	s0 =	sor.u32 s1, s0  }
0xbf: {  	s0 =	sadd.s32 $0x8F2B, s0  }
0xc0: {  	[sflag:s0] =	ssyncadd.remote.s32 $0x1  }
0xc1: {  	_ =	sfence.sel $0xFFFF  }
0xc2: {  	[dreg:$0x0] =	wrdreg $0xFFFFFFFF;
	(pc) =	sbr.abs _section_cstart, $3  }
0xc3: {  	[dreg:$0x1] =	wrdreg $0xFFFFFFFF  }
0xc4: {  	_ =	task.clear_ibuf [dreg:s9], $0x2FFFF;
	_ =	strace $0x9FFFFFFF  }
0xc5: {  	(tm) =	ssettm $0x7FFFFFFF  }
tec
execute0_lowered:
.L_overlay_start_1:
0x0: {  	(tag) =	ssettag $0x1  }
0x1: {  	s0 =	srdreg.scid;
	s4 =	stileid.u32  }
0x2: {  	s0 =	sand.u32 $0x1, s0;
	s1 =	sshll.u32 s4, $0x1  }
0x3: {  	s1 =	sor.u32 s0, s1  }
0x4: {  	s2 =	smul.u32 $0xC009, s1;
	_ =	sdelay $0x1  }
0x5: {  	s2 =	sshrl.u32 s2, $0x10  }
0x6: {  	s3 =	smul.u32 $0xAB, s2;
	_ =	sdelay $0x1  }
0x7: {  	s3 =	sshrl.u32 s3, $0x9  }
0x8: {  	s3 =	sand.u32 $0x7F, s3  }
0x9: {  	s3 =	smul.u32 $0x3, s3;
	_ =	sdelay $0x1  }
0xa: {  	s3 =	ssub.s32 s2, s3  }
0xb: {  	s3 =	sand.u32 $0xFF, s3  }
0xc: {  	s5 =	rddreg [dreg:$0x0];
	p0 =	seq.s32 s4, $0x0;
	p1 =	sne.s32 s3, $0x0  }
0xd: {  	s6 =	simm.s32 $0x0;
	s7 =	smul.u32 $0x15, s1;
	p0 =	por !p0, !p1  }
0xe: {  	s1 =	simm.s32 $0x1;
	s2 =	sshll.u32 s2, $0x2;
	p0 =	por !p0, !p0  }
0xf: {  	s4 =	sshrl.u32 s4, $0x1;
	s2 =	sadd.s32 s2, s7;
	s1 =	simm.s32 @!p0 $0x0  }
0x10: {  	s3 =	smul.u32 $0xE000, s3;
	s2 =	sshll.u32 s2, $0xB;
	s1 =	ssub.s32 s4, s1  }
0x11: {  	s0 =	ssub.s32 $0x2, s0;
	s2 =	sand.u32 $0xF800, s2;
	s1 =	smul.u32 $0x2A000, s1  }
0x12: {  	[smem:$0x7FF] =	sst s6;
	s31 =	sshrl.u32 s0, $0x1;
	s2 =	sadd.s32 s2, s3  }
0x13: {  	_ =	strace $0x80000047;
	s0 =	ssub.s32 s0, s31;
	s1 =	sadd.s32 s1, s2  }
0x14: {  	s0 =	smax.u32 s0, $0x1;
	[smem:$0x7FD] =	sst s7;
	s1 =	sshrl.u32 s1, $0x3  }
0x15: {  	[smem:$0x7FC] =	sst s0;
	s1 =	sadd.s32 s5, s1  }
0x16: {  	s2 =	simm.s32 $0x0;
	[smem:$0x7FB] =	sst s1  }
.LBB2_1:
0x17: {  	[smem:$0x7FA] =	sst s2  }
0x18: {  	s0 =	rddreg [dreg:$0x1];
	s30 =	simm.s32 $0x4  }
0x19: {  	[tilespmem:s6], [sflag:$0x4] =	stream.linear.gather [hbm4b:s0+s6], $0x2000, $0x38;
	[tilespmem:$0x13000] =	vst v63  }
0x1a: {  	_ =	swait.ge [sflag:s30], $0x2000  }
0x1b: {  	s31 =	sld [smem:$0x7FB]  }
0x1c: {  	[sflag:s30] =	ssyncset.done $0x0  }
0x1d: {  	s1 =	simm.s32 $0x2000;
	s0 =	simm.s32 $0x0;
	[sflag:s30] =	ssyncadd.s32 $0xFFFFE000  }
0x1e: {  	[tilespmem:s1], [sflag:$0x3] =	stream.linear.gather [hbm4b:s31+s6], $0x800, $0x38;
	[tilespmem:$0x13000] =	vst v63  }
.LBB2_2:
0x1f: {  	s1 =	sadd.s32 $0x1, s0;
	p0 =	seq.s32 s0, $0x14  }
0x20: {  	[smem:$0x7F9] =	sst s1;
	s1 =	sadd.s32 @!p0 s7, s1  }
0x21: {  	s2 =	sshrl.u32 @!p0 s1, $0x2  }
0x22: {  	s3 =	smulhi.u32 @!p0 $0x24924925, s2;
	_ =	sdelay $0x1  }
0x23: {  	s4 =	smulhi.u32 @!p0 $0x55555556, s3;
	_ =	sdelay $0x1  }
0x24: {  	s4 =	smul.u32 @!p0 $0x3, s4;
	_ =	sdelay $0x1  }
0x25: {  	s4 =	ssub.s32 @!p0 s3, s4  }
0x26: {  	p1 =	slt.u32 @!p0 s1, $0x1C;
	p2 =	sne.s32 @!p0 s4, $0x0  }
0x27: {  	s31 =	simm.s32 $0x3;
	p1 =	por @!p0 !p1, !p2  }
0x28: {  	s5 =	simm.s32 @!p0 $0x1;
	s2 =	smulhi.u32 @!p0 $0x30C30C31, s2;
	p1 =	por @!p0 !p1, !p1  }
0x29: {  	_ =	swait.ge [sflag:s31], $0x800;
	s3 =	smul.u32 @!p0 $0x1C, s3;
	p1 =	por !p1, p0  }
0x2a: {  	s2 =	sshrl.u32 @!p0 s2, $0x2;
	s4 =	smul.u32 @!p0 $0xE000, s4;
	s5 =	simm.s32 @p1 $0x0  }
0x2b: {  	s1 =	ssub.s32 @!p0 s1, s3;
	p1 =	seq.s32 @!p0 s0, $0x0;
	s2 =	ssub.s32 @!p0 s2, s5  }
0x2c: {  	s1 =	sshll.u32 @!p0 s1, $0xB;
	p1 =	por p0, !p1;
	s2 =	smul.u32 @!p0 $0x2A000, s2  }
.Ltmp0:
0x2d: {  	[sflag:s31] =	ssyncset.done $0x0;
	s3 =	sadd.s32 @!p0 s1, s4;
	(pc) =	sbr.rel @!p1 .LBB2_3-.Ltmp0, $4  }
0x2e: {  	[sflag:s31] =	ssyncadd.s32 $0xFFFFF800;
	s1 =	sand.u32 $0x1, s0;
	s2 =	sadd.s32 @!p0 s2, s3  }
0x2f: {  	s4 =	rddreg [dreg:$0x0];
	s3 =	sshll.u32 @!p0 s1, $0xB;
	s2 =	sshrl.u32 @!p0 s2, $0x3  }
0x30: {  	s3 =	sxor.u32 @!p0 $0x2800, s3;
	s2 =	sadd.s32 @!p0 s4, s2;
	s4 =	simm.s32 @!p0 $0x0  }
0x31: {  	[tilespmem:s3], [sflag:$0x3] =	stream.linear.gather @!p0 [hbm4b:s2+s4], $0x800, $0x38;
	[tilespmem:$0x13000] =	vst v63  }
.Ltmp1:
0x32: {  	(pc) =	sbr.rel .LBB2_5-.Ltmp1, $4  }
0x33: {  	s2 =	simm.s32 $0x1  }
0x34: {  	_ =	swait.ge [sflag:s2], $0x8000  }
0x35: {  	[sflag:s2] =	ssyncset.done $0x0  }
0x36: {  	p0 =	por $0x0, $0x0;
	[sflag:s2] =	ssyncadd.s32 $0xFFFF8000  }
.LBB2_3:
0x37: {  	p0 =	por @!p0 $0x1, $0x1  }
.LBB2_5:
0x38: {  	s0 =	sadd.s32 s7, s0  }
0x39: {  	s2 =	sshrl.u32 s0, $0x2  }
0x3a: {  	s3 =	smulhi.u32 $0x24924925, s2;
	_ =	sdelay $0x1  }
0x3b: {  	s4 =	smulhi.u32 $0x55555556, s3;
	_ =	sdelay $0x1  }
0x3c: {  	s4 =	smul.u32 $0x3, s4;
	_ =	sdelay $0x1  }
0x3d: {  	s2 =	smulhi.u32 $0x30C30C31, s2;
	s20 =	ssub.s32 s3, s4  }
0x3e: {  	p1 =	slt.u32 s0, $0x1C;
	s3 =	smul.u32 $0x1C, s3;
	p2 =	sne.s32 s20, $0x0  }
0x3f: {  	s31 =	sshll.u32 s1, $0xB;
	s2 =	sshrl.u32 s2, $0x2;
	p1 =	por !p1, !p2  }
0x40: {  	s4 =	simm.s32 $0x1;
	s0 =	ssub.s32 s0, s3;
	p1 =	por !p1, !p1  }
0x41: {  	[smem:$0x7F6] =	sst s0;
	s0 =	sor.u32 $0x2000, s31;
	s4 =	simm.s32 @!p1 $0x0  }
0x42: {  	[smem:$0x7F8] =	sst s0;
	s30 =	ssub.s32 s2, s4  }
0x43: {  	s24 =	simm.s32 $0x0;
	s25 =	simm.s32 $0x0;
	[smem:$0x7F7] =	sst s30  }
.LBB2_6:
0x44: {  	s0 =	sshll.u32 s25, $0x7  }
0x45: {  	s1 =	sld [smem:$0x7F8];
	s19 =	sadd.s32 $0x3000, s0  }
0x46: {  	s21 =	sadd.s32 $0x3800, s0;
	[dreg:$0x5] =	wrdreg s19  }
0x47: {  	s22 =	sadd.s32 $0x4000, s0;
	[dreg:$0x6] =	wrdreg s21  }
0x48: {  	s23 =	sadd.s32 $0x4800, s0;
	[dreg:$0x7] =	wrdreg s22  }
0x49: {  	s26 =	sadd.s32 $0x5000, s0;
	[dreg:$0x8] =	wrdreg s23  }
0x4a: {  	s2 =	sadd.s32 $0x5800, s0;
	[dreg:$0x9] =	wrdreg s26  }
0x4b: {  	s3 =	sadd.s32 $0x6000, s0;
	[dreg:$0xa] =	wrdreg s2  }
0x4c: {  	s4 =	sadd.s32 $0x6800, s0;
	[dreg:$0xb] =	wrdreg s3  }
0x4d: {  	s5 =	sadd.s32 $0x7000, s0;
	[dreg:$0xc] =	wrdreg s4  }
0x4e: {  	s7 =	sadd.s32 $0x7800, s0;
	[dreg:$0xd] =	wrdreg s5  }
0x4f: {  	s8 =	sadd.s32 $0x8000, s0;
	[dreg:$0xe] =	wrdreg s7  }
0x50: {  	s9 =	sadd.s32 $0x8800, s0;
	[dreg:$0xf] =	wrdreg s8  }
0x51: {  	s10 =	sadd.s32 $0x9000, s0;
	[dreg:$0x10] =	wrdreg s9  }
0x52: {  	s11 =	sadd.s32 $0x9800, s0;
	[dreg:$0x11] =	wrdreg s10  }
0x53: {  	s12 =	sadd.s32 $0xA000, s0;
	[dreg:$0x12] =	wrdreg s11  }
0x54: {  	[dreg:$0x13] =	wrdreg s12;
	s1 =	sadd.s32 s0, s1  }
0x55: {  	[dreg:$0x4] =	wrdreg s1  }
0x56: {  	s2 =	sand.u32 $0x400, s24;
	s1 =	sand.u32 $0x60, s24;
	s3 =	rddreg [dreg:$0x4]  }
0x57: {  	s4 =	sadd.s32 $0xA800, s0;
	s0 =	sor.u32 $0x10, s1;
	s3 =	sadd.s32 s2, s3  }
0x58: {  	[dreg:$0x14] =	wrdreg s4;
	s13 =	sadd.s32 s0, s3  }
0x59: {  	v3 =	vld [tilespmem:s13+$0x0]  }
0x5a: {  	s3 =	sadd.s32 s1, s3  }
0x5b: {  	v2 =	vld [tilespmem:s3+$0x0];
	_ =	sdelay $0x5  }
0x5c: {  	v0 =	vld.idx.msk [tilespmem:v3+s6+$0x0], $0xffff;
	_ =	sdelay $0x1  }
0x5d: {  	v1 =	vld.idx.msk [tilespmem:v2+s6+$0x0], $0xffff  }
0x5e: {  	s14 =	rddreg [dreg:$0x5];
	v4 =	vadd.s32 $0x100, v3  }
0x5f: {  	s15 =	rddreg [dreg:$0x6];
	s3 =	sadd.s32 s2, s14  }
0x60: {  	s4 =	sadd.s32 s2, s15;
	s5 =	sadd.s32 s0, s3;
	v6 =	vadd.s32 $0x100, v2;
	v5 =	vshll.u32 v0, $0x10  }
0x61: {  	s8 =	rddreg [dreg:$0x13];
	s16 =	sadd.s32 s0, s4;
	v0 =	vand.u32 $0xFFFF0000, v0;
	[tilespmem:s5+$0x0] =	vst v5  }
0x62: {  	s3 =	sadd.s32 s1, s3;
	v5 =	vshll.u32 v1, $0x10;
	[tilespmem:s16+$0x0] =	vst v0  }
0x63: {  	s4 =	sadd.s32 s1, s4;
	v0 =	vand.u32 $0xFFFF0000, v1;
	[tilespmem:s3+$0x0] =	vst v5;
	v1 =	vld.idx.msk [tilespmem:v4+s6+$0x0], $0xffff  }
0x64: {  	[tilespmem:s4+$0x0] =	vst v0  }
0x65: {  	v0 =	vld.idx.msk [tilespmem:v6+s6+$0x0], $0xffff  }
0x66: {  	v4 =	vadd.s32 $0x200, v3;
	s3 =	rddreg [dreg:$0x7]  }
0x67: {  	s4 =	rddreg [dreg:$0x8];
	s3 =	sadd.s32 s2, s3  }
0x68: {  	v6 =	vadd.s32 $0x200, v2;
	s4 =	sadd.s32 s2, s4;
	s17 =	sadd.s32 s0, s3;
	v5 =	vshll.u32 v1, $0x10  }
0x69: {  	s18 =	sadd.s32 s0, s4;
	v1 =	vand.u32 $0xFFFF0000, v1;
	[tilespmem:s17+$0x0] =	vst v5  }
0x6a: {  	s3 =	sadd.s32 s1, s3;
	v5 =	vshll.u32 v0, $0x10;
	[tilespmem:s18+$0x0] =	vst v1  }
0x6b: {  	s21 =	simm.s32 $0x100;
	s7 =	simm.s32 $0x20;
	s4 =	sadd.s32 s1, s4;
	v0 =	vand.u32 $0xFFFF0000, v0;
	[tilespmem:s3+$0x0] =	vst v5;
	v1 =	vld.idx.msk [tilespmem:v4+s6+$0x0], $0xffff  }
0x6c: {  	s28 =	sand.u32 $0x60, s7;
	s26 =	sand.u32 $0x400, s21;
	s19 =	rddreg [dreg:$0x4];
	[tilespmem:s4+$0x0] =	vst v0  }
0x6d: {  	s29 =	sor.u32 $0x10, s28;
	s3 =	sadd.s32 s26, s19;
	v4 =	vld.idx.msk [tilespmem:v6+s6+$0x0], $0xffff  }
0x6e: {  	s23 =	sadd.s32 s29, s3;
	s5 =	rddreg [dreg:$0x9];
	v6 =	vadd.s32 $0x300, v3  }
0x6f: {  	s22 =	rddreg [dreg:$0xa];
	v0 =	vld [tilespmem:s23+$0x0];
	s5 =	sadd.s32 s2, s5  }
0x70: {  	v7 =	vadd.s32 $0x300, v2;
	s3 =	sadd.s32 s28, s3;
	s4 =	sadd.s32 s2, s22;
	s9 =	sadd.s32 s0, s5;
	v5 =	vshll.u32 v1, $0x10  }
0x71: {  	s10 =	sadd.s32 s0, s4;
	v1 =	vand.u32 $0xFFFF0000, v1;
	[tilespmem:s9+$0x0] =	vst v5;
	v5 =	vld [tilespmem:s3+$0x0]  }
0x72: {  	s11 =	sadd.s32 s1, s5;
	v8 =	vshll.u32 v4, $0x10;
	[tilespmem:s10+$0x0] =	vst v1  }
0x73: {  	s4 =	sadd.s32 s1, s4;
	v1 =	vand.u32 $0xFFFF0000, v4;
	[tilespmem:s11+$0x0] =	vst v8;
	v4 =	vld.idx.msk [tilespmem:v6+s6+$0x0], $0xffff  }
0x74: {  	[tilespmem:s4+$0x0] =	vst v1  }
0x75: {  	v1 =	vld.idx.msk [tilespmem:v7+s6+$0x0], $0xffff  }
0x76: {  	s3 =	rddreg [dreg:$0xb]  }
0x77: {  	v6 =	vadd.s32 $0x400, v3;
	s4 =	rddreg [dreg:$0xc];
	v7 =	vld.idx.msk [tilespmem:v0+s6+$0x0], $0xffff;
	s3 =	sadd.s32 s2, s3  }
0x78: {  	s4 =	sadd.s32 s2, s4;
	s12 =	sadd.s32 s0, s3;
	v8 =	vshll.u32 v4, $0x10  }
0x79: {  	v9 =	vadd.s32 $0x400, v2;
	s14 =	sadd.s32 s0, s4;
	v4 =	vand.u32 $0xFFFF0000, v4;
	v10 =	vld.idx.msk [tilespmem:v5+s6+$0x0], $0xffff;
	[tilespmem:s12+$0x0] =	vst v8  }
0x7a: {  	s13 =	rddreg [dreg:$0x5];
	s3 =	sadd.s32 s1, s3;
	v8 =	vshll.u32 v1, $0x10;
	[tilespmem:s14+$0x0] =	vst v4  }
0x7b: {  	s15 =	sadd.s32 s26, s13;
	s9 =	rddreg [dreg:$0x6];
	s4 =	sadd.s32 s1, s4;
	v1 =	vand.u32 $0xFFFF0000, v1;
	v4 =	vadd.s32 $0x100, v0;
	[tilespmem:s3+$0x0] =	vst v8  }
0x7c: {  	s7 =	sadd.s32 s29, s15;
	s16 =	sadd.s32 s26, s9;
	v6 =	vld.idx.msk [tilespmem:v6+s6+$0x0], $0xffff;
	[tilespmem:s4+$0x0] =	vst v1;
	v1 =	vshll.u32 v7, $0x10  }
0x7d: {  	s18 =	sadd.s32 s29, s16;
	s3 =	rddreg [dreg:$0x13];
	v8 =	vadd.s32 $0x100, v5;
	v7 =	vand.u32 $0xFFFF0000, v7;
	[tilespmem:s7+$0x0] =	vst v1  }
0x7e: {  	s5 =	sadd.s32 s28, s15;
	v1 =	vld.idx.msk [tilespmem:v9+s6+$0x0], $0xffff;
	[tilespmem:s18+$0x0] =	vst v7;
	v9 =	vshll.u32 v10, $0x10  }
0x7f: {  	s4 =	sadd.s32 s28, s16;
	s17 =	rddreg [dreg:$0xd];
	v7 =	vand.u32 $0xFFFF0000, v10;
	[tilespmem:s5+$0x0] =	vst v9  }
0x80: {  	s10 =	rddreg [dreg:$0xe];
	s19 =	sadd.s32 s2, s17;
	v4 =	vld.idx.msk [tilespmem:v4+s6+$0x0], $0xffff;
	[tilespmem:s4+$0x0] =	vst v7;
	v7 =	vadd.s32 $0x500, v3  }
0x81: {  	s21 =	sadd.s32 s2, s10;
	s22 =	sadd.s32 s0, s19;
	v9 =	vshll.u32 v6, $0x10  }
0x82: {  	s10 =	sadd.s32 s0, s21;
	v6 =	vand.u32 $0xFFFF0000, v6;
	v8 =	vld.idx.msk [tilespmem:v8+s6+$0x0], $0xffff;
	[tilespmem:s22+$0x0] =	vst v9;
	v9 =	vadd.s32 $0x500, v2  }
0x83: {  	s5 =	sadd.s32 s1, s19;
	s23 =	rddreg [dreg:$0x7];
	v10 =	vshll.u32 v1, $0x10;
	[tilespmem:s10+$0x0] =	vst v6;
	v6 =	vadd.s32 $0x200, v0  }
0x84: {  	s4 =	sadd.s32 s1, s21;
	s11 =	rddreg [dreg:$0x8];
	v1 =	vand.u32 $0xFFFF0000, v1;
	[tilespmem:s5+$0x0] =	vst v10;
	s12 =	sadd.s32 s26, s23  }
0x85: {  	s13 =	sadd.s32 s26, s11;
	v10 =	vadd.s32 $0x200, v5;
	[tilespmem:s4+$0x0] =	vst v1;
	s14 =	sadd.s32 s29, s12;
	v1 =	vshll.u32 v4, $0x10;
	v7 =	vld.idx.msk [tilespmem:v7+s6+$0x0], $0xffff  }
0x86: {  	s9 =	simm.s32 $0x200;
	s16 =	sadd.s32 s29, s13;
	v4 =	vand.u32 $0xFFFF0000, v4;
	[tilespmem:s14+$0x0] =	vst v1  }
0x87: {  	s31 =	sand.u32 $0x400, s9;
	s19 =	rddreg [dreg:$0x4];
	s5 =	sadd.s32 s28, s12;
	v1 =	vshll.u32 v8, $0x10;
	[tilespmem:s16+$0x0] =	vst v4;
	v4 =	vld.idx.msk [tilespmem:v9+s6+$0x0], $0xffff  }
0x88: {  	s18 =	simm.s32 $0x40;
	s4 =	sadd.s32 s28, s13;
	s15 =	rddreg [dreg:$0xf];
	v8 =	vand.u32 $0xFFFF0000, v8;
	[tilespmem:s5+$0x0] =	vst v1;
	v1 =	vadd.s32 $0x600, v3;
	v6 =	vld.idx.msk [tilespmem:v6+s6+$0x0], $0xffff  }
0x89: {  	s30 =	sand.u32 $0x60, s18;
	s11 =	rddreg [dreg:$0x10];
	s17 =	sadd.s32 s2, s15;
	[tilespmem:s4+$0x0] =	vst v8  }
0x8a: {  	s13 =	sadd.s32 s31, s19;
	s10 =	sadd.s32 s2, s11;
	s21 =	sadd.s32 s0, s17;
	v9 =	vld.idx.msk [tilespmem:v10+s6+$0x0], $0xffff;
	v8 =	vshll.u32 v7, $0x10  }
0x8b: {  	s23 =	sadd.s32 s0, s10;
	s7 =	sadd.s32 s1, s17;
	s22 =	rddreg [dreg:$0x9];
	v7 =	vand.u32 $0xFFFF0000, v7;
	[tilespmem:s21+$0x0] =	vst v8  }
0x8c: {  	s5 =	sor.u32 $0x10, s30;
	s12 =	rddreg [dreg:$0xa];
	s14 =	sadd.s32 s26, s22;
	v8 =	vshll.u32 v4, $0x10;
	[tilespmem:s23+$0x0] =	vst v7;
	v7 =	vadd.s32 $0x300, v0  }
0x8d: {  	v11 =	vadd.s32 $0x300, v5;
	s15 =	sadd.s32 s5, s13;
	s16 =	sadd.s32 s26, s12;
	s17 =	sadd.s32 s29, s14;
	[tilespmem:s7+$0x0] =	vst v8;
	v8 =	vshll.u32 v6, $0x10;
	v10 =	vld.idx.msk [tilespmem:v1+s6+$0x0], $0xffff  }
0x8e: {  	s21 =	sadd.s32 s29, s16;
	v6 =	vand.u32 $0xFFFF0000, v6;
	v1 =	vld [tilespmem:s15+$0x0];
	[tilespmem:s17+$0x0] =	vst v8  }
0x8f: {  	s13 =	sadd.s32 s30, s13;
	s7 =	sadd.s32 s28, s14;
	v8 =	vshll.u32 v9, $0x10;
	[tilespmem:s21+$0x0] =	vst v6  }
0x90: {  	v3 =	vadd.s32 $0x700, v3;
	s4 =	sadd.s32 s28, s16;
	s19 =	rddreg [dreg:$0x11];
	v6 =	vld [tilespmem:s13+$0x0];
	v9 =	vand.u32 $0xFFFF0000, v9;
	[tilespmem:s7+$0x0] =	vst v8  }
0x91: {  	s14 =	rddreg [dreg:$0x12];
	s7 =	sadd.s32 s2, s19;
	[tilespmem:s4+$0x0] =	vst v9;
	v7 =	vld.idx.msk [tilespmem:v7+s6+$0x0], $0xffff  }
0x92: {  	s4 =	sadd.s32 s2, s14;
	s11 =	sadd.s32 s0, s7;
	v9 =	vld.idx.msk [tilespmem:v11+s6+$0x0], $0xffff;
	v8 =	vshll.u32 v10, $0x10  }
0x93: {  	s22 =	sadd.s32 s0, s4;
	v10 =	vand.u32 $0xFFFF0000, v10;
	[tilespmem:s11+$0x0] =	vst v8  }
0x94: {  	s12 =	rddreg [dreg:$0xb];
	[tilespmem:s22+$0x0] =	vst v10  }
0x95: {  	s10 =	sadd.s32 s1, s10;
	v4 =	vand.u32 $0xFFFF0000, v4;
	v8 =	vadd.s32 $0x400, v0;
	s11 =	sadd.s32 s26, s12;
	v10 =	vld.idx.msk [tilespmem:v3+s6+$0x0], $0xffff  }
0x96: {  	[tilespmem:s10+$0x0] =	vst v4;
	s23 =	rddreg [dreg:$0xc];
	s12 =	sadd.s32 s29, s11;
	v3 =	vld.idx.msk [tilespmem:v1+s6+$0x0], $0xffff;
	v4 =	vshll.u32 v7, $0x10  }
0x97: {  	s16 =	rddreg [dreg:$0x5];
	v11 =	vadd.s32 $0x400, v5;
	s13 =	sadd.s32 s26, s23;
	s10 =	sadd.s32 s28, s11;
	v12 =	vshll.u32 v9, $0x10;
	[tilespmem:s12+$0x0] =	vst v4  }
0x98: {  	s17 =	sadd.s32 s29, s13;
	s14 =	rddreg [dreg:$0x14];
	v7 =	vand.u32 $0xFFFF0000, v7;
	v4 =	vld.idx.msk [tilespmem:v6+s6+$0x0], $0xffff;
	[tilespmem:s10+$0x0] =	vst v12  }
0x99: {  	s15 =	rddreg [dreg:$0x6];
	s11 =	sadd.s32 s28, s13;
	v9 =	vand.u32 $0xFFFF0000, v9;
	s13 =	sadd.s32 s2, s14;
	[tilespmem:s17+$0x0] =	vst v7;
	v7 =	vadd.s32 $0x600, v2  }
0x9a: {  	s19 =	sadd.s32 s31, s16;
	s7 =	sadd.s32 s1, s7;
	v12 =	vadd.s32 $0x100, v1;
	s21 =	sadd.s32 s0, s13;
	[tilespmem:s11+$0x0] =	vst v9;
	v8 =	vld.idx.msk [tilespmem:v8+s6+$0x0], $0xffff;
	v9 =	vand.u32 $0xFFFF0000, v10  }
0x9b: {  	s22 =	sadd.s32 s5, s19;
	s19 =	sadd.s32 s30, s19;
	s14 =	sadd.s32 s31, s15;
	v13 =	vshll.u32 v3, $0x10;
	[tilespmem:s21+$0x0] =	vst v9  }
0x9c: {  	s2 =	sadd.s32 s2, s8;
	s10 =	rddreg [dreg:$0x13];
	s23 =	sadd.s32 s5, s14;
	v14 =	vld.idx.msk [tilespmem:v11+s6+$0x0], $0xffff;
	v3 =	vand.u32 $0xFFFF0000, v3;
	v9 =	vadd.s32 $0x100, v6;
	[tilespmem:s22+$0x0] =	vst v13  }
0x9d: {  	s8 =	sadd.s32 s1, s2;
	s15 =	sadd.s32 s0, s2;
	s16 =	rddreg [dreg:$0xd];
	v11 =	vshll.u32 v4, $0x10;
	[tilespmem:s23+$0x0] =	vst v3  }
0x9e: {  	s17 =	rddreg [dreg:$0xe];
	s22 =	sadd.s32 s30, s14;
	v4 =	vand.u32 $0xFFFF0000, v4;
	s23 =	sadd.s32 s26, s16;
	v13 =	vld.idx.msk [tilespmem:v7+s6+$0x0], $0xffff;
	[tilespmem:s19+$0x0] =	vst v11  }
0x9f: {  	v18 =	vadd.s32 $0x500, v0;
	s21 =	sadd.s32 s26, s3;
	s14 =	sadd.s32 s26, s17;
	v3 =	vadd.s32 $0x700, v2;
	v17 =	vld.idx.msk [tilespmem:v12+s6+$0x0], $0xffff;
	s17 =	sadd.s32 s29, s23;
	[tilespmem:s22+$0x0] =	vst v4;
	v2 =	vshll.u32 v8, $0x10  }
0xa0: {  	v15 =	vadd.s32 $0x500, v5;
	v16 =	vadd.s32 $0x200, v1;
	s0 =	sadd.s32 s28, s21;
	s2 =	sadd.s32 s29, s21;
	s21 =	sadd.s32 s29, s14;
	v7 =	vand.u32 $0xFFFF0000, v8;
	[tilespmem:s17+$0x0] =	vst v2  }
0xa1: {  	s12 =	simm.s32 $0x4;
	s3 =	sadd.s32 s28, s14;
	s11 =	sadd.s32 s28, s23;
	v4 =	vadd.s32 $0x600, v5;
	v2 =	vadd.s32 $0x700, v5;
	v5 =	vshll.u32 v14, $0x10;
	v19 =	vld.idx.msk [tilespmem:v9+s6+$0x0], $0xffff;
	[tilespmem:s21+$0x0] =	vst v7  }
0xa2: {  	v10 =	vshll.u32 v10, $0x10;
	s16 =	sadd.s32 s1, s4;
	s1 =	sadd.s32 s1, s13;
	v11 =	vadd.s32 $0x200, v6;
	s19 =	rddreg [dreg:$0x7];
	[tilespmem:s11+$0x0] =	vst v5;
	v5 =	vand.u32 $0xFFFF0000, v14  }
0xa3: {  	s23 =	sadd.s32 s31, s10;
	v8 =	vadd.s32 $0x400, v6;
	s22 =	rddreg [dreg:$0x8];
	v9 =	vadd.s32 $0x300, v6;
	s19 =	sadd.s32 s31, s19;
	[tilespmem:s3+$0x0] =	vst v5;
	v12 =	vshll.u32 v13, $0x10  }
0xa4: {  	s10 =	sadd.s32 s30, s23;
	v7 =	vadd.s32 $0x500, v6;
	s21 =	sadd.s32 s31, s22;
	v5 =	vadd.s32 $0x600, v6;
	s22 =	sadd.s32 s5, s19;
	v20 =	vshll.u32 v17, $0x10;
	[tilespmem:s7+$0x0] =	vst v12  }
0xa5: {  	s11 =	sadd.s32 s5, s23;
	v6 =	vadd.s32 $0x700, v6;
	v14 =	vld.idx.msk [tilespmem:v18+s6+$0x0], $0xffff;
	s23 =	sadd.s32 s5, s21;
	s4 =	rddreg [dreg:$0xf];
	v17 =	vand.u32 $0xFFFF0000, v17;
	v12 =	vand.u32 $0xFFFF0000, v13;
	[tilespmem:s22+$0x0] =	vst v20  }
0xa6: {  	s13 =	sadd.s32 s30, s19;
	s14 =	sadd.s32 s30, s21;
	s3 =	rddreg [dreg:$0x10];
	v13 =	vld.idx.msk [tilespmem:v15+s6+$0x0], $0xffff;
	v15 =	vadd.s32 $0x600, v0;
	[tilespmem:s23+$0x0] =	vst v17;
	v18 =	vshll.u32 v19, $0x10;
	v17 =	vand.u32 $0xFFFF0000, v19  }
.LBB2_7:
0xa7: {  	_ =	sdelay $0x1  }
0xa8: {  	[tilespmem:s13+$0x0] =	vst v18  }
0xa9: {  	v16 =	vld.idx.msk [tilespmem:v16+s6+$0x0], $0xffff;
	s17 =	sadd.s32 s26, s4;
	[tilespmem:s14+$0x0] =	vst v17  }
0xaa: {  	s9 =	sadd.s32 $0x100, s9;
	s14 =	sadd.s32 s26, s3;
	s13 =	sadd.s32 s29, s17;
	v11 =	vld.idx.msk [tilespmem:v11+s6+$0x0], $0xffff;
	[tilespmem:s16+$0x0] =	vst v12;
	v17 =	vshll.u32 v14, $0x10  }
0xab: {  	s21 =	rddreg [dreg:$0x4];
	s18 =	sadd.s32 $0x20, s18;
	s22 =	sadd.s32 s29, s14;
	v14 =	vand.u32 $0xFFFF0000, v14;
	[tilespmem:s13+$0x0] =	vst v17  }
0xac: {  	s3 =	sand.u32 $0x60, s18;
	s17 =	sadd.s32 s28, s17;
	s13 =	sand.u32 $0x400, s9;
	v17 =	vshll.u32 v13, $0x10;
	[tilespmem:s22+$0x0] =	vst v14  }
0xad: {  	s19 =	rddreg [dreg:$0x9];
	s4 =	sor.u32 $0x10, s3;
	s21 =	sadd.s32 s13, s21;
	v15 =	vld.idx.msk [tilespmem:v15+s6+$0x0], $0xffff;
	[tilespmem:s17+$0x0] =	vst v17  }
0xae: {  	s23 =	rddreg [dreg:$0xa];
	s19 =	sadd.s32 s31, s19;
	v14 =	vadd.s32 $0x300, v1;
	s22 =	sadd.s32 s4, s21;
	v12 =	vld.idx.msk [tilespmem:v3+s6+$0x0], $0xffff  }
0xaf: {  	s17 =	sadd.s32 s31, s23;
	s16 =	sadd.s32 s3, s21;
	v3 =	vmov v2;
	v2 =	vmov v6;
	v6 =	vshll.u32 v16, $0x10;
	s21 =	sadd.s32 s5, s19;
	v17 =	vld [tilespmem:s22+$0x0];
	[tilespmem:s15+$0x0] =	vst v10  }
0xb0: {  	s7 =	rddreg [dreg:$0x13];
	v16 =	vand.u32 $0xFFFF0000, v16;
	v10 =	vld [tilespmem:s16+$0x0];
	s15 =	sadd.s32 s30, s19;
	[tilespmem:s21+$0x0] =	vst v6;
	s19 =	sadd.s32 s5, s17  }
0xb1: {  	s23 =	rddreg [dreg:$0x11];
	v6 =	vshll.u32 v11, $0x10;
	[tilespmem:s19+$0x0] =	vst v16;
	v16 =	vadd.s32 $0x700, v0  }
0xb2: {  	s21 =	rddreg [dreg:$0x12];
	v11 =	vand.u32 $0xFFFF0000, v11;
	s17 =	sadd.s32 s30, s17;
	s16 =	sadd.s32 s26, s23;
	[tilespmem:s15+$0x0] =	vst v6  }
0xb3: {  	s14 =	sadd.s32 s28, s14;
	[tilespmem:s17+$0x0] =	vst v11;
	s21 =	sadd.s32 s26, s21;
	s15 =	sadd.s32 s29, s16;
	v14 =	vld.idx.msk [tilespmem:v14+s6+$0x0], $0xffff;
	v11 =	vshll.u32 v15, $0x10  }
0xb4: {  	s22 =	sadd.s32 s13, s7;
	v0 =	vmov v1;
	s7 =	sadd.s32 s28, s16;
	s23 =	sadd.s32 s29, s21;
	v6 =	vand.u32 $0xFFFF0000, v15;
	[tilespmem:s15+$0x0] =	vst v11  }
0xb5: {  	v13 =	vand.u32 $0xFFFF0000, v13;
	s19 =	rddreg [dreg:$0xb];
	s17 =	sadd.s32 s3, s22;
	s22 =	sadd.s32 s4, s22;
	v18 =	vld.idx.msk [tilespmem:v9+s6+$0x0], $0xffff;
	v22 =	vadd.s32 $0x400, v0;
	v15 =	vshll.u32 v12, $0x10;
	[tilespmem:s23+$0x0] =	vst v6  }
0xb6: {  	s16 =	sadd.s32 s28, s21;
	s21 =	rddreg [dreg:$0xc];
	[tilespmem:s14+$0x0] =	vst v13;
	s14 =	sadd.s32 s31, s19;
	v12 =	vand.u32 $0xFFFF0000, v12;
	v19 =	vadd.s32 $0x100, v10;
	v11 =	vadd.s32 $0x200, v10;
	v13 =	vld.idx.msk [tilespmem:v16+s6+$0x0], $0xffff  }
0xb7: {  	s21 =	sadd.s32 s31, s21;
	s19 =	sadd.s32 s5, s14;
	s15 =	smov.u32 s2;
	v1 =	vmovc v17;
	v9 =	vadd.s32 $0x300, v10;
	v20 =	vadd.s32 $0x400, v10;
	v21 =	vadd.s32 $0x500, v10;
	[tilespmem:s8+$0x0] =	vst v15;
	v17 =	vld.idx.msk [tilespmem:v17+s6+$0x0], $0xffff  }
0xb8: {  	s2 =	smov.u32 s11;
	s11 =	smov.u32 s22;
	s22 =	rddreg [dreg:$0x14];
	v6 =	vadd.s32 $0x700, v10;
	v16 =	vadd.s32 $0x600, v10;
	v15 =	vld.idx.msk [tilespmem:v10+s6+$0x0], $0xffff;
	v10 =	vshll.u32 v14, $0x10;
	[tilespmem:s1+$0x0] =	vst v12  }
0xb9: {  	s14 =	sadd.s32 s30, s14;
	s23 =	rddreg [dreg:$0x6];
	v12 =	vand.u32 $0xFFFF0000, v14;
	[tilespmem:s19+$0x0] =	vst v10;
	s19 =	sadd.s32 s5, s21  }
0xba: {  	s8 =	smov.u32 s0;
	s22 =	sadd.s32 s26, s22;
	s26 =	smov.u32 s31;
	v10 =	vshll.u32 v18, $0x10;
	[tilespmem:s19+$0x0] =	vst v12  }
0xbb: {  	s31 =	smov.u32 s13;
	s1 =	rddreg [dreg:$0x5];
	v14 =	vld.idx.msk [tilespmem:v4+s6+$0x0], $0xffff;
	v4 =	vmov v5;
	v5 =	vmov v16;
	v16 =	vand.u32 $0xFFFF0000, v18;
	s21 =	sadd.s32 s30, s21;
	[tilespmem:s14+$0x0] =	vst v10  }
0xbc: {  	s0 =	smov.u32 s10;
	v18 =	vadd.s32 $0x100, v1;
	s13 =	sadd.s32 s31, s1;
	[tilespmem:s21+$0x0] =	vst v16;
	s14 =	sadd.s32 s29, s22;
	v22 =	vld.idx.msk [tilespmem:v22+s6+$0x0], $0xffff;
	v12 =	vand.u32 $0xFFFF0000, v13  }
0xbd: {  	s10 =	smov.u32 s17;
	s17 =	sadd.s32 s31, s23;
	s23 =	sadd.s32 s4, s13;
	v10 =	vshll.u32 v13, $0x10;
	[tilespmem:s14+$0x0] =	vst v12;
	v13 =	vshll.u32 v17, $0x10  }
0xbe: {  	s1 =	sadd.s32 s28, s22;
	s28 =	smov.u32 s30;
	s22 =	sadd.s32 s4, s17;
	v16 =	vld.idx.msk [tilespmem:v8+s6+$0x0], $0xffff;
	v12 =	vand.u32 $0xFFFF0000, v17;
	[tilespmem:s23+$0x0] =	vst v13  }
0xbf: {  	s21 =	rddreg [dreg:$0xd];
	s13 =	sadd.s32 s3, s13;
	s17 =	sadd.s32 s3, s17;
	v8 =	vmov v20;
	v20 =	vshll.u32 v15, $0x10;
	[tilespmem:s22+$0x0] =	vst v12  }
0xc0: {  	s29 =	smov.u32 s5;
	v15 =	vand.u32 $0xFFFF0000, v15;
	s23 =	rddreg [dreg:$0xe];
	v13 =	vadd.s32 $0x500, v0;
	[tilespmem:s13+$0x0] =	vst v20;
	s13 =	sadd.s32 s26, s21  }
0xc1: {  	s30 =	smov.u32 s3;
	v17 =	vshll.u32 v14, $0x10;
	v12 =	vand.u32 $0xFFFF0000, v14;
	[tilespmem:s17+$0x0] =	vst v15;
	v18 =	vld.idx.msk [tilespmem:v18+s6+$0x0], $0xffff;
	s17 =	sadd.s32 s26, s23;
	s3 =	sadd.s32 s29, s13;
	v14 =	vshll.u32 v22, $0x10  }
0xc2: {  	s12 =	sadd.s32 $0x2, s12;
	v15 =	vld.idx.msk [tilespmem:v19+s6+$0x0], $0xffff;
	v19 =	vand.u32 $0xFFFF0000, v22;
	s22 =	sadd.s32 s29, s17;
	[tilespmem:s3+$0x0] =	vst v14  }
0xc3: {  	p1 =	slt.u32 s12, $0xC;
	s21 =	sadd.s32 s28, s17;
	v20 =	vand.u32 $0xFFFF0000, v16;
	[tilespmem:s22+$0x0] =	vst v19  }
.Ltmp2:
0xc4: {  	s19 =	rddreg [dreg:$0x7];
	s14 =	sadd.s32 s28, s13;
	v14 =	vshll.u32 v16, $0x10;
	[tilespmem:s21+$0x0] =	vst v20;
	(pc) =	sbr.rel @p1 .LBB2_7-.Ltmp2, $4  }
0xc5: {  	s5 =	smov.u32 s4;
	s19 =	sadd.s32 s31, s19;
	s23 =	rddreg [dreg:$0x8];
	[tilespmem:s14+$0x0] =	vst v14;
	v14 =	vld.idx.msk [tilespmem:v13+s6+$0x0], $0xffff  }
0xc6: {  	s21 =	sadd.s32 s31, s23;
	s22 =	sadd.s32 s5, s19;
	v13 =	vld.idx.msk [tilespmem:v7+s6+$0x0], $0xffff;
	[tilespmem:s7+$0x0] =	vst v17;
	v19 =	vshll.u32 v18, $0x10  }
0xc7: {  	s4 =	rddreg [dreg:$0xf];
	v16 =	vadd.s32 $0x200, v1;
	s23 =	sadd.s32 s5, s21;
	v20 =	vand.u32 $0xFFFF0000, v18;
	[tilespmem:s22+$0x0] =	vst v19  }
0xc8: {  	s13 =	sadd.s32 s30, s19;
	s3 =	rddreg [dreg:$0x10];
	s14 =	sadd.s32 s30, s21;
	v7 =	vmovc v21;
	v18 =	vshll.u32 v15, $0x10;
	v17 =	vand.u32 $0xFFFF0000, v15;
	v15 =	vadd.s32 $0x600, v0;
	[tilespmem:s23+$0x0] =	vst v20  }
0xc9: {  	_ =	sdelay $0x3  }
0xca: {  	[tilespmem:s13+$0x0] =	vst v18;
	v16 =	vld.idx.msk [tilespmem:v16+s6+$0x0], $0xffff  }
0xcb: {  	[tilespmem:s14+$0x0] =	vst v17  }
0xcc: {  	v11 =	vld.idx.msk [tilespmem:v11+s6+$0x0], $0xffff  }
0xcd: {  	v33 =	vadd.s32 $0x300, v1;
	s7 =	rddreg [dreg:$0x9]  }
0xce: {  	s9 =	rddreg [dreg:$0xa];
	s7 =	sadd.s32 s31, s7  }
0xcf: {  	s9 =	sadd.s32 s31, s9;
	s12 =	sadd.s32 s5, s7;
	v34 =	vshll.u32 v16, $0x10  }
0xd0: {  	s14 =	sadd.s32 s5, s9;
	v16 =	vand.u32 $0xFFFF0000, v16;
	[tilespmem:s12+$0x0] =	vst v34  }
0xd1: {  	s7 =	sadd.s32 s30, s7;
	v35 =	vshll.u32 v11, $0x10;
	[tilespmem:s14+$0x0] =	vst v16  }
0xd2: {  	s9 =	sadd.s32 s30, s9;
	v11 =	vand.u32 $0xFFFF0000, v11;
	[tilespmem:s7+$0x0] =	vst v35;
	v16 =	vld.idx.msk [tilespmem:v33+s6+$0x0], $0xffff  }
0xd3: {  	[tilespmem:s9+$0x0] =	vst v11  }
0xd4: {  	v9 =	vld.idx.msk [tilespmem:v9+s6+$0x0], $0xffff  }
0xd5: {  	v36 =	vadd.s32 $0x400, v1;
	s7 =	rddreg [dreg:$0xb]  }
0xd6: {  	s9 =	rddreg [dreg:$0xc];
	s7 =	sadd.s32 s31, s7  }
0xd7: {  	s9 =	sadd.s32 s31, s9;
	s17 =	sadd.s32 s5, s7;
	v17 =	vshll.u32 v16, $0x10  }
0xd8: {  	s18 =	sadd.s32 s5, s9;
	v16 =	vand.u32 $0xFFFF0000, v16;
	[tilespmem:s17+$0x0] =	vst v17  }
0xd9: {  	s7 =	sadd.s32 s30, s7;
	v37 =	vshll.u32 v9, $0x10;
	[tilespmem:s18+$0x0] =	vst v16  }
0xda: {  	s9 =	sadd.s32 s30, s9;
	v9 =	vand.u32 $0xFFFF0000, v9;
	[tilespmem:s7+$0x0] =	vst v37;
	v11 =	vld.idx.msk [tilespmem:v36+s6+$0x0], $0xffff  }
0xdb: {  	s4 =	sadd.s32 s26, s4;
	[tilespmem:s9+$0x0] =	vst v9  }
0xdc: {  	s3 =	sadd.s32 s26, s3;
	[tilespmem:s16+$0x0] =	vst v12;
	v38 =	vshll.u32 v14, $0x10;
	s19 =	sadd.s32 s29, s4;
	v8 =	vld.idx.msk [tilespmem:v8+s6+$0x0], $0xffff  }
0xdd: {  	v39 =	vadd.s32 $0x500, v1;
	v42 =	vand.u32 $0xFFFF0000, v14;
	s23 =	sadd.s32 s29, s3;
	[tilespmem:s19+$0x0] =	vst v38;
	s7 =	rddreg [dreg:$0xd]  }
0xde: {  	s4 =	sadd.s32 s28, s4;
	v43 =	vshll.u32 v13, $0x10;
	[tilespmem:s23+$0x0] =	vst v42;
	s9 =	rddreg [dreg:$0xe];
	s7 =	sadd.s32 s31, s7  }
0xdf: {  	[tilespmem:s4+$0x0] =	vst v43;
	s9 =	sadd.s32 s31, s9;
	s21 =	sadd.s32 s5, s7;
	v40 =	vshll.u32 v11, $0x10  }
0xe0: {  	s22 =	sadd.s32 s5, s9;
	v11 =	vand.u32 $0xFFFF0000, v11;
	[tilespmem:s21+$0x0] =	vst v40  }
0xe1: {  	v3 =	vld.idx.msk [tilespmem:v3+s6+$0x0], $0xffff;
	s7 =	sadd.s32 s30, s7;
	v41 =	vshll.u32 v8, $0x10;
	[tilespmem:s22+$0x0] =	vst v11  }
0xe2: {  	s9 =	sadd.s32 s30, s9;
	v8 =	vand.u32 $0xFFFF0000, v8;
	[tilespmem:s7+$0x0] =	vst v41;
	v11 =	vld.idx.msk [tilespmem:v39+s6+$0x0], $0xffff  }
0xe3: {  	s16 =	rddreg [dreg:$0x12];
	[tilespmem:s9+$0x0] =	vst v8  }
0xe4: {  	s14 =	rddreg [dreg:$0x11];
	v7 =	vld.idx.msk [tilespmem:v7+s6+$0x0], $0xffff  }
0xe5: {  	[tilespmem:s15+$0x0] =	vst v10;
	s3 =	sadd.s32 s28, s3;
	v45 =	vand.u32 $0xFFFF0000, v13;
	s12 =	rddreg [dreg:$0xf]  }
0xe6: {  	v46 =	vadd.s32 $0x600, v1;
	v51 =	vshll.u32 v3, $0x10;
	[tilespmem:s3+$0x0] =	vst v45;
	s13 =	rddreg [dreg:$0x10];
	s7 =	sadd.s32 s31, s12  }
0xe7: {  	v44 =	vld.idx.msk [tilespmem:v15+s6+$0x0], $0xffff;
	[tilespmem:s8+$0x0] =	vst v51;
	s17 =	sadd.s32 s31, s13;
	s18 =	sadd.s32 s5, s7;
	v47 =	vshll.u32 v11, $0x10  }
0xe8: {  	s19 =	sadd.s32 s5, s17;
	v11 =	vand.u32 $0xFFFF0000, v11;
	[tilespmem:s18+$0x0] =	vst v47  }
0xe9: {  	v4 =	vld.idx.msk [tilespmem:v4+s6+$0x0], $0xffff;
	s21 =	sadd.s32 s30, s7;
	v48 =	vshll.u32 v7, $0x10;
	[tilespmem:s19+$0x0] =	vst v11  }
0xea: {  	v0 =	vadd.s32 $0x700, v0;
	v3 =	vand.u32 $0xFFFF0000, v3;
	[tilespmem:s21+$0x0] =	vst v48  }
0xeb: {  	[tilespmem:s1+$0x0] =	vst v3;
	s9 =	sadd.s32 s26, s14;
	s3 =	sadd.s32 s30, s17;
	v7 =	vand.u32 $0xFFFF0000, v7;
	v50 =	vld.idx.msk [tilespmem:v46+s6+$0x0], $0xffff;
	s13 =	rddreg [dreg:$0x11]  }
0xec: {  	v49 =	vshll.u32 v44, $0x10;
	s22 =	sadd.s32 s26, s16;
	s23 =	sadd.s32 s29, s9;
	s14 =	rddreg [dreg:$0x12];
	[tilespmem:s3+$0x0] =	vst v7  }
0xed: {  	v8 =	vand.u32 $0xFFFF0000, v44;
	[tilespmem:s23+$0x0] =	vst v49;
	s12 =	sadd.s32 s29, s22;
	v5 =	vld.idx.msk [tilespmem:v5+s6+$0x0], $0xffff  }
0xee: {  	v53 =	vadd.s32 $0x700, v1;
	v52 =	vshll.u32 v4, $0x10;
	s15 =	sadd.s32 s28, s9;
	[tilespmem:s12+$0x0] =	vst v8  }
0xef: {  	v4 =	vand.u32 $0xFFFF0000, v4;
	s7 =	sadd.s32 s28, s22;
	s16 =	rddreg [dreg:$0x14];
	[tilespmem:s15+$0x0] =	vst v52;
	v0 =	vld.idx.msk [tilespmem:v0+s6+$0x0], $0xffff;
	s17 =	sadd.s32 s31, s13  }
0xf0: {  	[tilespmem:s7+$0x0] =	vst v4;
	s4 =	sadd.s32 s31, s14;
	s18 =	sadd.s32 s5, s17;
	v54 =	vshll.u32 v50, $0x10  }
0xf1: {  	v2 =	vld.idx.msk [tilespmem:v2+s6+$0x0], $0xffff;
	s19 =	sadd.s32 s5, s4;
	v55 =	vand.u32 $0xFFFF0000, v50;
	[tilespmem:s18+$0x0] =	vst v54  }
0xf2: {  	s21 =	sadd.s32 s30, s17;
	[tilespmem:s19+$0x0] =	vst v55;
	v56 =	vshll.u32 v5, $0x10  }
0xf3: {  	s23 =	sadd.s32 s26, s16;
	s4 =	sadd.s32 s30, s4;
	v57 =	vand.u32 $0xFFFF0000, v5;
	s22 =	rddreg [dreg:$0x14];
	v1 =	vld.idx.msk [tilespmem:v53+s6+$0x0], $0xffff;
	[tilespmem:s21+$0x0] =	vst v56  }
0xf4: {  	s26 =	sadd.s32 s29, s23;
	v58 =	vand.u32 $0xFFFF0000, v0;
	[tilespmem:s4+$0x0] =	vst v57  }
0xf5: {  	v0 =	vshll.u32 v0, $0x10;
	[tilespmem:s26+$0x0] =	vst v58;
	v59 =	vld.idx.msk [tilespmem:v6+s6+$0x0], $0xffff  }
0xf6: {  	s25 =	sadd.s32 $0x1, s25;
	[tilespmem:s2+$0x0] =	vst v0;
	v60 =	vshll.u32 v2, $0x10  }
0xf7: {  	p1 =	sne.s32 s25, $0x8;
	s28 =	sadd.s32 s28, s23;
	v2 =	vand.u32 $0xFFFF0000, v2;
	[tilespmem:s0+$0x0] =	vst v60;
	s29 =	sadd.s32 s31, s22  }
.Ltmp3:
0xf8: {  	[tilespmem:s28+$0x0] =	vst v2;
	s31 =	sadd.s32 s5, s29;
	v61 =	vand.u32 $0xFFFF0000, v1;
	(pc) =	sbr.rel @p1 .LBB2_6-.Ltmp3, $4  }
0xf9: {  	v1 =	vshll.u32 v1, $0x10;
	[tilespmem:s31+$0x0] =	vst v61  }
0xfa: {  	[tilespmem:s11+$0x0] =	vst v1;
	v62 =	vshll.u32 v59, $0x10  }
0xfb: {  	s0 =	sadd.s32 s30, s29;
	v63 =	vand.u32 $0xFFFF0000, v59;
	[tilespmem:s10+$0x0] =	vst v62  }
0xfc: {  	[tilespmem:s0+$0x0] =	vst v63  }
0xfd: {  	s0 =	sld [smem:$0x7F7];
	_ =	sdelay $0x1  }
0xfe: {  	s1 =	smul.u32 $0x380000, s20;
	s2 =	sld [smem:$0x7F6]  }
0xff: {  	s0 =	smul.u32 $0xA80000, s0;
	_ =	sdelay $0x1  }
0x100: {  	s2 =	sshll.u32 s2, $0xB;
	s0 =	sadd.s32 s1, s0  }
0x101: {  	[smem:$0x7F5] =	sst s0;
	s0 =	sor.u32 s2, s0  }
0x102: {  	s29 =	rddreg [dreg:$0x2];
	s30 =	simm.s32 $0x800;
	s0 =	sshrl.u32 s0, $0x3  }
0x103: {  	s31 =	simm.s32 $0xE000;
	s3 =	simm.s32 $0x3000;
	s0 =	sadd.s32 s29, s0  }
0x104: {  	[hbm4b:s0+s30] =	stream.strided.scatter [tilespmem:s3], [sflag:$0x1], $0x8000, s31, s30, $0x38;
	[tilespmem:$0x13000] =	vst v63  }
0x105: {  	[smem:$0x7F4] =	sst s2;
	s0 =	simm.s32 @!p0 $0x2  }
0x106: {  	_ =	swait.ge @!p0 [sflag:s0], $0x8000  }
0x107: {  	[sflag:s0] =	ssyncset.done @!p0 $0x0  }
0x108: {  	s1 =	simm.s32 $0x0;
	[sflag:s0] =	ssyncadd.s32 @!p0 $0xFFFF8000  }
.LBB2_10:
0x109: {  	[smem:$0x7ED] =	sst s1;
	s0 =	sshll.u32 s1, $0x7  }
0x10a: {  	s14 =	sld [smem:$0x7F8];
	s15 =	sadd.s32 $0xB000, s0  }
0x10b: {  	s16 =	sadd.s32 $0xB800, s0;
	[dreg:$0x16] =	wrdreg s15  }
0x10c: {  	s17 =	sadd.s32 $0xC000, s0;
	[dreg:$0x17] =	wrdreg s16  }
0x10d: {  	s18 =	sadd.s32 $0xC800, s0;
	[dreg:$0x18] =	wrdreg s17  }
0x10e: {  	s19 =	sadd.s32 $0xD000, s0;
	[dreg:$0x19] =	wrdreg s18  }
0x10f: {  	s20 =	sadd.s32 $0xD800, s0;
	[dreg:$0x1a] =	wrdreg s19  }
0x110: {  	s21 =	sadd.s32 $0xE000, s0;
	[dreg:$0x1b] =	wrdreg s20  }
0x111: {  	s22 =	sadd.s32 $0xE800, s0;
	[dreg:$0x1c] =	wrdreg s21  }
0x112: {  	s23 =	sadd.s32 $0xF000, s0;
	[dreg:$0x1d] =	wrdreg s22  }
0x113: {  	s24 =	sadd.s32 $0xF800, s0;
	[dreg:$0x1e] =	wrdreg s23  }
0x114: {  	s25 =	sadd.s32 $0x10000, s0;
	[dreg:$0x1f] =	wrdreg s24  }
0x115: {  	s26 =	sadd.s32 $0x10800, s0;
	[smem:$0x7EE] =	sst s25  }
0x116: {  	s2 =	sadd.s32 $0x11000, s0;
	[smem:$0x7EF] =	sst s26  }
0x117: {  	s3 =	sadd.s32 $0x11800, s0;
	[smem:$0x7F0] =	sst s2  }
0x118: {  	s4 =	sadd.s32 $0x12000, s0;
	[smem:$0x7F1] =	sst s3  }
0x119: {  	[smem:$0x7F2] =	sst s4;
	s1 =	sadd.s32 s0, s14  }
0x11a: {  	s3 =	simm.s32 $0x0;
	[dreg:$0x15] =	wrdreg s1  }
0x11b: {  	s15 =	sand.u32 $0x400, s3;
	s1 =	sand.u32 $0x60, s3;
	s2 =	rddreg [dreg:$0x15]  }
0x11c: {  	s0 =	sadd.s32 $0x12800, s0;
	s12 =	sor.u32 $0x10, s1;
	s2 =	sadd.s32 s15, s2  }
0x11d: {  	[smem:$0x7F3] =	sst s0;
	s5 =	sadd.s32 s12, s2  }
0x11e: {  	v3 =	vld [tilespmem:s5+$0x0];
	_ =	sdelay $0x1  }
0x11f: {  	s7 =	sadd.s32 s1, s2  }
0x120: {  	v2 =	vld [tilespmem:s7+$0x0];
	_ =	sdelay $0x1  }
0x121: {  	v0 =	vadd.s32 $0x800, v3;
	_ =	sdelay $0x2  }
0x122: {  	v1 =	vadd.s32 $0x800, v2;
	_ =	sdelay $0x1  }
0x123: {  	v0 =	vld.idx.msk [tilespmem:v0+s6+$0x0], $0xffff;
	_ =	sdelay $0x2  }
0x124: {  	s8 =	rddreg [dreg:$0x16];
	v4 =	vadd.s32 $0x900, v3;
	v1 =	vld.idx.msk [tilespmem:v1+s6+$0x0], $0xffff  }
0x125: {  	s9 =	rddreg [dreg:$0x17];
	s3 =	sadd.s32 s15, s8  }
0x126: {  	s4 =	sadd.s32 s12, s3;
	s2 =	sadd.s32 s15, s9;
	v5 =	vshll.u32 v0, $0x10  }
0x127: {  	s0 =	sld [smem:$0x7F2];
	s10 =	sadd.s32 s12, s2;
	v6 =	vadd.s32 $0x900, v2;
	v0 =	vand.u32 $0xFFFF0000, v0;
	[tilespmem:s4+$0x0] =	vst v5  }
0x128: {  	[tilespmem:s10+$0x0] =	vst v0  }
0x129: {  	s3 =	sadd.s32 s1, s3;
	v5 =	vshll.u32 v1, $0x10;
	v0 =	vand.u32 $0xFFFF0000, v1;
	v1 =	vld.idx.msk [tilespmem:v4+s6+$0x0], $0xffff  }
0x12a: {  	s2 =	sadd.s32 s1, s2;
	[tilespmem:s3+$0x0] =	vst v5  }
0x12b: {  	[tilespmem:s2+$0x0] =	vst v0  }
0x12c: {  	v0 =	vadd.s32 $0xA00, v3;
	s2 =	rddreg [dreg:$0x18];
	v4 =	vld.idx.msk [tilespmem:v6+s6+$0x0], $0xffff  }
0x12d: {  	s3 =	rddreg [dreg:$0x19];
	s2 =	sadd.s32 s15, s2  }
0x12e: {  	s3 =	sadd.s32 s15, s3;
	s11 =	sadd.s32 s12, s2;
	v5 =	vshll.u32 v1, $0x10  }
0x12f: {  	s8 =	simm.s32 $0x100;
	s13 =	sadd.s32 s12, s3;
	v1 =	vand.u32 $0xFFFF0000, v1;
	[tilespmem:s11+$0x0] =	vst v5  }
0x130: {  	s25 =	sand.u32 $0x400, s8;
	s5 =	rddreg [dreg:$0x15];
	s7 =	simm.s32 $0x20;
	[tilespmem:s13+$0x0] =	vst v1  }
0x131: {  	s26 =	sand.u32 $0x60, s7;
	s14 =	sadd.s32 s25, s5;
	s2 =	sadd.s32 s1, s2;
	v5 =	vshll.u32 v4, $0x10;
	v1 =	vld.idx.msk [tilespmem:v0+s6+$0x0], $0xffff  }
0x132: {  	s28 =	sor.u32 $0x10, s26;
	[tilespmem:s2+$0x0] =	vst v5;
	s2 =	sadd.s32 s26, s14  }
0x133: {  	s16 =	sadd.s32 s28, s14;
	v7 =	vand.u32 $0xFFFF0000, v4;
	v5 =	vadd.s32 $0xA00, v2;
	v4 =	vld [tilespmem:s2+$0x0]  }
0x134: {  	v6 =	vadd.s32 $0xB00, v3;
	s17 =	rddreg [dreg:$0x1a];
	v0 =	vld [tilespmem:s16+$0x0]  }
0x135: {  	s3 =	sadd.s32 s1, s3;
	s18 =	rddreg [dreg:$0x1b];
	s19 =	sadd.s32 s15, s17  }
0x136: {  	[tilespmem:s3+$0x0] =	vst v7;
	s20 =	sadd.s32 s15, s18;
	s21 =	sadd.s32 s12, s19;
	v7 =	vshll.u32 v1, $0x10  }
0x137: {  	s22 =	sadd.s32 s12, s20;
	v1 =	vand.u32 $0xFFFF0000, v1;
	[tilespmem:s21+$0x0] =	vst v7  }
0x138: {  	v5 =	vld.idx.msk [tilespmem:v5+s6+$0x0], $0xffff;
	v7 =	vadd.s32 $0x800, v4;
	[tilespmem:s22+$0x0] =	vst v1  }
0x139: {  	v1 =	vadd.s32 $0x800, v0;
	v6 =	vld.idx.msk [tilespmem:v6+s6+$0x0], $0xffff;
	_ =	sdelay $0x2  }
0x13a: {  	v8 =	vadd.s32 $0xC00, v3;
	s4 =	rddreg [dreg:$0x1c]  }
0x13b: {  	v10 =	vadd.s32 $0xB00, v2;
	s2 =	sadd.s32 s1, s19;
	s23 =	rddreg [dreg:$0x1d];
	v9 =	vshll.u32 v5, $0x10;
	s4 =	sadd.s32 s15, s4;
	v7 =	vld.idx.msk [tilespmem:v7+s6+$0x0], $0xffff  }
0x13c: {  	s24 =	sadd.s32 s15, s23;
	[tilespmem:s2+$0x0] =	vst v9;
	s9 =	sadd.s32 s12, s4;
	v1 =	vld.idx.msk [tilespmem:v1+s6+$0x0], $0xffff;
	v9 =	vshll.u32 v6, $0x10  }
0x13d: {  	s11 =	sadd.s32 s12, s24;
	v6 =	vand.u32 $0xFFFF0000, v6;
	[tilespmem:s9+$0x0] =	vst v9  }
0x13e: {  	s10 =	rddreg [dreg:$0x16];
	v5 =	vand.u32 $0xFFFF0000, v5;
	s9 =	sadd.s32 s1, s20;
	[tilespmem:s11+$0x0] =	vst v6  }
0x13f: {  	s14 =	sadd.s32 s25, s10;
	[tilespmem:s9+$0x0] =	vst v5;
	v6 =	vadd.s32 $0x900, v0;
	v5 =	vld.idx.msk [tilespmem:v8+s6+$0x0], $0xffff  }
0x140: {  	s13 =	rddreg [dreg:$0x17];
	s5 =	sadd.s32 s26, s14;
	v9 =	vld.idx.msk [tilespmem:v10+s6+$0x0], $0xffff;
	v10 =	vshll.u32 v7, $0x10  }
0x141: {  	s3 =	sld [smem:$0x7F2];
	s16 =	sadd.s32 s25, s13;
	s17 =	sadd.s32 s28, s14;
	v8 =	vshll.u32 v1, $0x10;
	[tilespmem:s5+$0x0] =	vst v10  }
0x142: {  	s18 =	sadd.s32 s28, s16;
	s9 =	rddreg [dreg:$0x1e];
	v1 =	vand.u32 $0xFFFF0000, v1;
	[tilespmem:s17+$0x0] =	vst v8;
	v8 =	vadd.s32 $0x900, v4  }
0x143: {  	s7 =	sadd.s32 s26, s16;
	s10 =	rddreg [dreg:$0x1f];
	s5 =	sadd.s32 s15, s9;
	[tilespmem:s18+$0x0] =	vst v1;
	v1 =	vand.u32 $0xFFFF0000, v7;
	v7 =	vadd.s32 $0xD00, v3  }
0x144: {  	s19 =	sadd.s32 s12, s5;
	[tilespmem:s7+$0x0] =	vst v1;
	s7 =	sadd.s32 s15, s10;
	v6 =	vld.idx.msk [tilespmem:v6+s6+$0x0], $0xffff;
	v1 =	vshll.u32 v5, $0x10  }
0x145: {  	v10 =	vadd.s32 $0xC00, v2;
	v5 =	vand.u32 $0xFFFF0000, v5;
	s21 =	sadd.s32 s12, s7;
	[tilespmem:s19+$0x0] =	vst v1  }
0x146: {  	s4 =	sadd.s32 s1, s4;
	v1 =	vshll.u32 v9, $0x10;
	[tilespmem:s21+$0x0] =	vst v5  }
0x147: {  	s2 =	sadd.s32 s1, s24;
	s20 =	rddreg [dreg:$0x18];
	v5 =	vand.u32 $0xFFFF0000, v9;
	v8 =	vld.idx.msk [tilespmem:v8+s6+$0x0], $0xffff;
	[tilespmem:s4+$0x0] =	vst v1  }
0x148: {  	s9 =	simm.s32 $0x40;
	s22 =	rddreg [dreg:$0x19];
	s23 =	sadd.s32 s25, s20;
	v1 =	vld.idx.msk [tilespmem:v7+s6+$0x0], $0xffff;
	[tilespmem:s2+$0x0] =	vst v5;
	v5 =	vadd.s32 $0xA00, v0  }
0x149: {  	s24 =	sadd.s32 s25, s22;
	s14 =	sadd.s32 s28, s23;
	s4 =	sld [smem:$0x7EE];
	v7 =	vshll.u32 v6, $0x10  }
0x14a: {  	s29 =	sand.u32 $0x60, s9;
	s16 =	sadd.s32 s28, s24;
	v9 =	vld.idx.msk [tilespmem:v10+s6+$0x0], $0xffff;
	s11 =	sld [smem:$0x7EF];
	v6 =	vand.u32 $0xFFFF0000, v6;
	[tilespmem:s14+$0x0] =	vst v7  }
0x14b: {  	s13 =	rddreg [dreg:$0x15];
	s31 =	sor.u32 $0x10, s29;
	s10 =	simm.s32 $0x200;
	[tilespmem:s16+$0x0] =	vst v6;
	v6 =	vadd.s32 $0xE00, v3  }
0x14c: {  	s30 =	sand.u32 $0x400, s10;
	s2 =	sadd.s32 s26, s23;
	v7 =	vshll.u32 v8, $0x10;
	s14 =	sadd.s32 s15, s4  }
0x14d: {  	s18 =	sadd.s32 s30, s13;
	v10 =	vadd.s32 $0xD00, v2;
	s4 =	sadd.s32 s15, s11;
	[tilespmem:s2+$0x0] =	vst v7;
	v7 =	vshll.u32 v1, $0x10;
	s17 =	sadd.s32 s12, s14;
	v5 =	vld.idx.msk [tilespmem:v5+s6+$0x0], $0xffff  }
0x14e: {  	s13 =	sadd.s32 s31, s18;
	v1 =	vand.u32 $0xFFFF0000, v1;
	s19 =	sadd.s32 s12, s4;
	[tilespmem:s17+$0x0] =	vst v7;
	v7 =	vadd.s32 $0xA00, v4  }
0x14f: {  	s5 =	sadd.s32 s1, s5;
	s16 =	rddreg [dreg:$0x1a];
	v11 =	vshll.u32 v9, $0x10;
	[tilespmem:s19+$0x0] =	vst v1;
	v1 =	vld [tilespmem:s13+$0x0]  }
0x150: {  	s21 =	sadd.s32 s1, s7;
	s22 =	sadd.s32 s29, s18;
	s20 =	rddreg [dreg:$0x1b];
	v9 =	vand.u32 $0xFFFF0000, v9;
	[tilespmem:s5+$0x0] =	vst v11;
	v11 =	vadd.s32 $0xB00, v0;
	v6 =	vld.idx.msk [tilespmem:v6+s6+$0x0], $0xffff  }
0x151: {  	s8 =	sadd.s32 s26, s24;
	v14 =	vld [tilespmem:s22+$0x0];
	v8 =	vand.u32 $0xFFFF0000, v8;
	s16 =	sadd.s32 s25, s16;
	s23 =	sld [smem:$0x7F0];
	[tilespmem:s21+$0x0] =	vst v9  }
0x152: {  	[tilespmem:s8+$0x0] =	vst v8;
	s24 =	sadd.s32 s25, s20;
	s18 =	sadd.s32 s28, s16;
	v9 =	vld.idx.msk [tilespmem:v10+s6+$0x0], $0xffff;
	s5 =	sld [smem:$0x7F1];
	v8 =	vshll.u32 v5, $0x10  }
0x153: {  	v3 =	vadd.s32 $0xF00, v3;
	s19 =	sadd.s32 s28, s24;
	v5 =	vand.u32 $0xFFFF0000, v5;
	v7 =	vld.idx.msk [tilespmem:v7+s6+$0x0], $0xffff;
	[tilespmem:s18+$0x0] =	vst v8  }
0x154: {  	s0 =	sadd.s32 s15, s0;
	s3 =	sadd.s32 s25, s3;
	s7 =	sadd.s32 s15, s23;
	[tilespmem:s19+$0x0] =	vst v5;
	v5 =	vadd.s32 $0x800, v1  }
0x155: {  	s11 =	sadd.s32 s12, s0;
	s13 =	sadd.s32 s15, s5;
	s20 =	sadd.s32 s12, s7;
	v8 =	vld.idx.msk [tilespmem:v11+s6+$0x0], $0xffff;
	v10 =	vshll.u32 v6, $0x10  }
0x156: {  	s2 =	sadd.s32 s1, s0;
	s21 =	sld [smem:$0x7F2];
	v11 =	vadd.s32 $0x800, v14;
	v6 =	vand.u32 $0xFFFF0000, v6;
	s5 =	sadd.s32 s12, s13;
	[tilespmem:s20+$0x0] =	vst v10  }
0x157: {  	s0 =	sadd.s32 s26, s3;
	s14 =	sadd.s32 s1, s14;
	s17 =	rddreg [dreg:$0x1c];
	[tilespmem:s5+$0x0] =	vst v6;
	v6 =	vshll.u32 v9, $0x10  }
0x158: {  	v12 =	vadd.s32 $0xC00, v0;
	s4 =	sadd.s32 s1, s4;
	s16 =	sadd.s32 s26, s16;
	s18 =	rddreg [dreg:$0x1d];
	v10 =	vshll.u32 v7, $0x10;
	v15 =	vld.idx.msk [tilespmem:v3+s6+$0x0], $0xffff;
	[tilespmem:s14+$0x0] =	vst v6  }
0x159: {  	s8 =	sadd.s32 s26, s24;
	v6 =	vadd.s32 $0xB00, v4;
	v3 =	vand.u32 $0xFFFF0000, v7;
	s14 =	sadd.s32 s25, s17;
	[tilespmem:s16+$0x0] =	vst v10;
	v10 =	vld.idx.msk [tilespmem:v5+s6+$0x0], $0xffff;
	s22 =	sld [smem:$0x7F3]  }
0x15a: {  	v13 =	vadd.s32 $0xE00, v2;
	s24 =	rddreg [dreg:$0x16];
	s17 =	sadd.s32 s25, s18;
	s23 =	sadd.s32 s28, s14;
	[tilespmem:s8+$0x0] =	vst v3;
	v3 =	vshll.u32 v8, $0x10  }
0x15b: {  	s20 =	sadd.s32 s30, s24;
	s5 =	sadd.s32 s28, s3;
	s19 =	sadd.s32 s28, s17;
	v16 =	vld.idx.msk [tilespmem:v11+s6+$0x0], $0xffff;
	v5 =	vand.u32 $0xFFFF0000, v8;
	[tilespmem:s23+$0x0] =	vst v3  }
0x15c: {  	v20 =	vadd.s32 $0x900, v1;
	s3 =	sadd.s32 s30, s21;
	s21 =	rddreg [dreg:$0x17];
	v3 =	vadd.s32 $0xF00, v2;
	v2 =	vand.u32 $0xFFFF0000, v9;
	[tilespmem:s19+$0x0] =	vst v5;
	s22 =	sadd.s32 s15, s22  }
0x15d: {  	v7 =	vadd.s32 $0xD00, v4;
	s21 =	sadd.s32 s30, s21;
	s18 =	sadd.s32 s31, s3;
	v8 =	vadd.s32 $0xC00, v4;
	[tilespmem:s4+$0x0] =	vst v2;
	v18 =	vld.idx.msk [tilespmem:v12+s6+$0x0], $0xffff;
	v9 =	vand.u32 $0xFFFF0000, v15;
	s12 =	sadd.s32 s12, s22  }
0x15e: {  	s16 =	simm.s32 $0x4;
	s8 =	sadd.s32 s29, s3;
	s23 =	sadd.s32 s31, s20;
	v5 =	vadd.s32 $0xE00, v4;
	v2 =	vadd.s32 $0xF00, v4;
	v19 =	vld.idx.msk [tilespmem:v6+s6+$0x0], $0xffff;
	v4 =	vshll.u32 v10, $0x10;
	[tilespmem:s12+$0x0] =	vst v9  }
0x15f: {  	v21 =	vadd.s32 $0x900, v14;
	v11 =	vadd.s32 $0xB00, v14;
	s15 =	sadd.s32 s1, s13;
	s24 =	rddreg [dreg:$0x1e];
	v22 =	vld.idx.msk [tilespmem:v13+s6+$0x0], $0xffff;
	v6 =	vand.u32 $0xFFFF0000, v10;
	s12 =	sadd.s32 s31, s21;
	[tilespmem:s23+$0x0] =	vst v4  }
0x160: {  	s13 =	sadd.s32 s29, s20;
	v12 =	vadd.s32 $0xA00, v14;
	v13 =	vadd.s32 $0xC00, v14;
	s20 =	sadd.s32 s25, s24;
	s23 =	rddreg [dreg:$0x1f];
	v4 =	vshll.u32 v16, $0x10;
	[tilespmem:s12+$0x0] =	vst v6  }
0x161: {  	v10 =	vadd.s32 $0xD00, v14;
	v9 =	vadd.s32 $0xF00, v14;
	v16 =	vand.u32 $0xFFFF0000, v16;
	s12 =	sadd.s32 s1, s7;
	[tilespmem:s13+$0x0] =	vst v4;
	s7 =	sadd.s32 s26, s14;
	s14 =	sadd.s32 s29, s21  }
0x162: {  	s19 =	sadd.s32 s26, s17;
	v6 =	vadd.s32 $0xE00, v14;
	v4 =	vshll.u32 v15, $0x10;
	s21 =	sadd.s32 s25, s23;
	s23 =	sadd.s32 s28, s20;
	[tilespmem:s14+$0x0] =	vst v16;
	v14 =	vshll.u32 v18, $0x10  }
0x163: {  	s1 =	sadd.s32 s1, s22;
	s24 =	sadd.s32 s28, s21;
	v17 =	vshll.u32 v19, $0x10;
	v16 =	vand.u32 $0xFFFF0000, v19;
	v19 =	vld.idx.msk [tilespmem:v20+s6+$0x0], $0xffff;
	s14 =	rddreg [dreg:$0x18];
	v23 =	vand.u32 $0xFFFF0000, v18;
	[tilespmem:s23+$0x0] =	vst v14  }
0x164: {  	s13 =	sadd.s32 s26, s20;
	s3 =	sadd.s32 s26, s21;
	v18 =	vadd.s32 $0xD00, v0;
	v20 =	vld.idx.msk [tilespmem:v21+s6+$0x0], $0xffff;
	v15 =	vshll.u32 v22, $0x10;
	s21 =	rddreg [dreg:$0x19];
	v14 =	vand.u32 $0xFFFF0000, v22;
	[tilespmem:s24+$0x0] =	vst v23  }
.LBB2_11:
0x165: {  	_ =	sdelay $0x2  }
0x166: {  	[tilespmem:s7+$0x0] =	vst v17  }
0x167: {  	v21 =	vadd.s32 $0xA00, v1;
	v17 =	vld.idx.msk [tilespmem:v18+s6+$0x0], $0xffff;
	s17 =	smov.u32 s5;
	s5 =	smov.u32 s18;
	[tilespmem:s19+$0x0] =	vst v16;
	s19 =	sld [smem:$0x7EE]  }
0x168: {  	s4 =	sadd.s32 s30, s14;
	s18 =	sadd.s32 s30, s21;
	s24 =	sld [smem:$0x7EF];
	v18 =	vld.idx.msk [tilespmem:v8+s6+$0x0], $0xffff;
	[tilespmem:s12+$0x0] =	vst v15  }
0x169: {  	s20 =	rddreg [dreg:$0x15];
	s9 =	sadd.s32 $0x20, s9;
	s14 =	sadd.s32 s31, s4;
	[tilespmem:s15+$0x0] =	vst v14;
	v16 =	vshll.u32 v19, $0x10  }
0x16a: {  	s10 =	sadd.s32 $0x100, s10;
	v8 =	vmov v13;
	s21 =	sadd.s32 s31, s18;
	s23 =	sadd.s32 s29, s4;
	v13 =	vand.u32 $0xFFFF0000, v19;
	[tilespmem:s14+$0x0] =	vst v16  }
0x16b: {  	v15 =	vshll.u32 v20, $0x10;
	s7 =	sadd.s32 s25, s19;
	s14 =	sand.u32 $0x60, s9;
	[tilespmem:s21+$0x0] =	vst v13;
	v13 =	vadd.s32 $0xE00, v0;
	s21 =	sand.u32 $0x400, s10  }
0x16c: {  	[tilespmem:s23+$0x0] =	vst v15;
	s23 =	sadd.s32 s28, s7;
	s4 =	sor.u32 $0x10, s14;
	v15 =	vld.idx.msk [tilespmem:v21+s6+$0x0], $0xffff;
	s12 =	sadd.s32 s21, s20;
	v19 =	vshll.u32 v17, $0x10  }
0x16d: {  	s18 =	sadd.s32 s29, s18;
	s19 =	sadd.s32 s25, s24;
	v16 =	vand.u32 $0xFFFF0000, v20;
	v14 =	vand.u32 $0xFFFF0000, v17;
	v17 =	vld.idx.msk [tilespmem:v3+s6+$0x0], $0xffff;
	s24 =	sadd.s32 s4, s12;
	[tilespmem:s23+$0x0] =	vst v19  }
0x16e: {  	s22 =	sld [smem:$0x7F2];
	v3 =	vmov v2;
	v2 =	vmov v9;
	[tilespmem:s18+$0x0] =	vst v16;
	s23 =	sadd.s32 s28, s19;
	s12 =	sadd.s32 s14, s12;
	v9 =	vld [tilespmem:s24+$0x0]  }
0x16f: {  	s20 =	rddreg [dreg:$0x1a];
	v19 =	vshll.u32 v18, $0x10;
	[tilespmem:s23+$0x0] =	vst v14;
	v16 =	vld [tilespmem:s12+$0x0]  }
0x170: {  	v18 =	vand.u32 $0xFFFF0000, v18;
	s24 =	rddreg [dreg:$0x1b];
	v14 =	vadd.s32 $0xB00, v1;
	s12 =	sadd.s32 s30, s20;
	[tilespmem:s13+$0x0] =	vst v19;
	v13 =	vld.idx.msk [tilespmem:v13+s6+$0x0], $0xffff  }
0x171: {  	s13 =	sld [smem:$0x7F0];
	v19 =	vld.idx.msk [tilespmem:v12+s6+$0x0], $0xffff;
	s15 =	sadd.s32 s30, s24;
	s24 =	sadd.s32 s31, s12;
	[tilespmem:s3+$0x0] =	vst v18;
	v12 =	vshll.u32 v15, $0x10  }
0x172: {  	s20 =	sld [smem:$0x7F1];
	s3 =	sadd.s32 s31, s15;
	v15 =	vand.u32 $0xFFFF0000, v15;
	[tilespmem:s24+$0x0] =	vst v12  }
0x173: {  	s16 =	sadd.s32 $0x2, s16;
	s7 =	sadd.s32 s26, s7;
	v18 =	vld.idx.msk [tilespmem:v7+s6+$0x0], $0xffff;
	v7 =	vmovc v10;
	v10 =	vshll.u32 v17, $0x10;
	[tilespmem:s3+$0x0] =	vst v15;
	v15 =	vadd.s32 $0xF00, v0;
	v0 =	vmovc v1;
	v1 =	vmov v9  }
0x174: {  	s23 =	sadd.s32 s21, s22;
	s24 =	sadd.s32 s29, s15;
	v12 =	vand.u32 $0xFFFF0000, v17;
	s15 =	sadd.s32 s25, s13;
	[tilespmem:s2+$0x0] =	vst v10;
	v17 =	vadd.s32 $0x800, v1  }
0x175: {  	s22 =	sadd.s32 s26, s19;
	s20 =	sadd.s32 s25, s20;
	v14 =	vld.idx.msk [tilespmem:v14+s6+$0x0], $0xffff;
	v20 =	vadd.s32 $0x800, v16;
	s3 =	sadd.s32 s28, s15;
	[tilespmem:s1+$0x0] =	vst v12;
	v9 =	vshll.u32 v13, $0x10  }
0x176: {  	s19 =	sadd.s32 s14, s23;
	s18 =	sadd.s32 s4, s23;
	s13 =	sadd.s32 s28, s20;
	v21 =	vadd.s32 $0x900, v16;
	v12 =	vadd.s32 $0xA00, v16;
	v10 =	vand.u32 $0xFFFF0000, v13;
	[tilespmem:s3+$0x0] =	vst v9  }
0x177: {  	s23 =	sadd.s32 s29, s12;
	s2 =	smov.u32 s0;
	s0 =	smov.u32 s8;
	v22 =	vadd.s32 $0xB00, v16;
	v23 =	vadd.s32 $0xC00, v0;
	v9 =	vshll.u32 v19, $0x10;
	[tilespmem:s13+$0x0] =	vst v10  }
0x178: {  	s8 =	smov.u32 s19;
	s12 =	sadd.s32 s26, s15;
	s1 =	rddreg [dreg:$0x1c];
	v25 =	vadd.s32 $0xE00, v16;
	v13 =	vadd.s32 $0xC00, v16;
	v19 =	vand.u32 $0xFFFF0000, v19;
	[tilespmem:s23+$0x0] =	vst v9;
	v15 =	vld.idx.msk [tilespmem:v15+s6+$0x0], $0xffff  }
0x179: {  	s15 =	sadd.s32 s26, s20;
	s20 =	rddreg [dreg:$0x1d];
	s1 =	sadd.s32 s30, s1;
	v24 =	vshll.u32 v18, $0x10;
	v10 =	vadd.s32 $0xD00, v16;
	v9 =	vadd.s32 $0xF00, v16;
	[tilespmem:s24+$0x0] =	vst v19;
	v16 =	vld.idx.msk [tilespmem:v17+s6+$0x0], $0xffff  }
0x17a: {  	s19 =	sadd.s32 s31, s1;
	s3 =	sadd.s32 s30, s20;
	s20 =	sld [smem:$0x7F3];
	v19 =	vshll.u32 v14, $0x10;
	v17 =	vand.u32 $0xFFFF0000, v18;
	v18 =	vld.idx.msk [tilespmem:v20+s6+$0x0], $0xffff;
	[tilespmem:s7+$0x0] =	vst v24  }
0x17b: {  	p0 =	slt.u32 s16, $0xC;
	s13 =	rddreg [dreg:$0x17];
	s24 =	sadd.s32 s31, s3;
	v14 =	vand.u32 $0xFFFF0000, v14;
	[tilespmem:s19+$0x0] =	vst v19  }
0x17c: {  	s23 =	rddreg [dreg:$0x16];
	s7 =	sadd.s32 s29, s1;
	s19 =	sadd.s32 s29, s3;
	[tilespmem:s24+$0x0] =	vst v14  }
0x17d: {  	v20 =	vld.idx.msk [tilespmem:v11+s6+$0x0], $0xffff;
	[tilespmem:s22+$0x0] =	vst v17;
	s22 =	sadd.s32 s25, s20;
	s25 =	smov.u32 s30;
	s30 =	smov.u32 s21  }
0x17e: {  	v14 =	vadd.s32 $0x900, v1;
	v11 =	vmov v22;
	v22 =	vld.idx.msk [tilespmem:v23+s6+$0x0], $0xffff;
	[tilespmem:s11+$0x0] =	vst v4;
	s21 =	rddreg [dreg:$0x1e];
	s24 =	sadd.s32 s30, s23;
	s3 =	sadd.s32 s28, s22;
	v17 =	vand.u32 $0xFFFF0000, v15  }
0x17f: {  	s1 =	sadd.s32 s26, s22;
	s11 =	sadd.s32 s30, s13;
	v4 =	vshll.u32 v15, $0x10;
	s26 =	sadd.s32 s4, s24;
	[tilespmem:s3+$0x0] =	vst v17;
	v15 =	vshll.u32 v16, $0x10  }
0x180: {  	v23 =	vld.idx.msk [tilespmem:v5+s6+$0x0], $0xffff;
	s28 =	smov.u32 s31;
	s22 =	sadd.s32 s14, s24;
	s23 =	sadd.s32 s4, s11;
	v16 =	vand.u32 $0xFFFF0000, v16;
	[tilespmem:s26+$0x0] =	vst v15  }
.Ltmp4:
0x181: {  	s24 =	rddreg [dreg:$0x1f];
	s11 =	sadd.s32 s14, s11;
	v19 =	vshll.u32 v18, $0x10;
	[tilespmem:s23+$0x0] =	vst v16;
	(pc) =	sbr.rel @p0 .LBB2_11-.Ltmp4, $4  }
0x182: {  	v63 =	vand.u32 $0xFFFF0000, v18;
	s26 =	smov.u32 s29;
	[tilespmem:s22+$0x0] =	vst v19;
	s22 =	sadd.s32 s25, s21;
	s29 =	smov.u32 s14  }
0x183: {  	[tilespmem:s11+$0x0] =	vst v63;
	s23 =	sadd.s32 s25, s24;
	s14 =	rddreg [dreg:$0x18];
	v19 =	vld.idx.msk [tilespmem:v14+s6+$0x0], $0xffff;
	v14 =	vshll.u32 v22, $0x10;
	s24 =	sadd.s32 s28, s22  }
0x184: {  	s31 =	smov.u32 s4;
	v17 =	vshll.u32 v20, $0x10;
	v16 =	vand.u32 $0xFFFF0000, v20;
	s21 =	rddreg [dreg:$0x19];
	v20 =	vld.idx.msk [tilespmem:v21+s6+$0x0], $0xffff;
	v21 =	vand.u32 $0xFFFF0000, v22;
	s11 =	sadd.s32 s28, s23;
	[tilespmem:s24+$0x0] =	vst v14  }
0x185: {  	v5 =	vmovc v6;
	v6 =	vmovc v25;
	v18 =	vadd.s32 $0xD00, v0;
	s13 =	sadd.s32 s26, s22;
	s3 =	sadd.s32 s26, s23;
	v15 =	vshll.u32 v23, $0x10;
	v14 =	vand.u32 $0xFFFF0000, v23;
	[tilespmem:s11+$0x0] =	vst v21;
	s11 =	smov.u32 s17  }
0x186: {  	v21 =	vadd.s32 $0xA00, v1  }
0x187: {  	s4 =	sadd.s32 s30, s14  }
0x188: {  	s9 =	sadd.s32 s30, s21;
	s10 =	sadd.s32 s31, s4;
	v22 =	vshll.u32 v19, $0x10  }
0x189: {  	s23 =	sadd.s32 s31, s9;
	v60 =	vand.u32 $0xFFFF0000, v19;
	[tilespmem:s10+$0x0] =	vst v22  }
0x18a: {  	[tilespmem:s23+$0x0] =	vst v60  }
0x18b: {  	v62 =	vld.idx.msk [tilespmem:v21+s6+$0x0], $0xffff  }
0x18c: {  	s4 =	sadd.s32 s29, s4;
	v61 =	vshll.u32 v20, $0x10  }
0x18d: {  	[tilespmem:s4+$0x0] =	vst v61  }
0x18e: {  	v63 =	vadd.s32 $0xB00, v1;
	s4 =	rddreg [dreg:$0x1a]  }
0x18f: {  	s9 =	sadd.s32 s29, s9;
	v24 =	vand.u32 $0xFFFF0000, v20;
	s10 =	rddreg [dreg:$0x1b];
	s4 =	sadd.s32 s30, s4  }
0x190: {  	[tilespmem:s9+$0x0] =	vst v24;
	s24 =	sadd.s32 s30, s10;
	s16 =	sadd.s32 s31, s4;
	v25 =	vshll.u32 v62, $0x10  }
0x191: {  	v12 =	vld.idx.msk [tilespmem:v12+s6+$0x0], $0xffff;
	s17 =	sadd.s32 s31, s24;
	v19 =	vand.u32 $0xFFFF0000, v62;
	[tilespmem:s16+$0x0] =	vst v25  }
0x192: {  	[tilespmem:s17+$0x0] =	vst v19  }
0x193: {  	v19 =	vld.idx.msk [tilespmem:v63+s6+$0x0], $0xffff;
	_ =	sdelay $0x1  }
0x194: {  	[tilespmem:s7+$0x0] =	vst v17  }
0x195: {  	v26 =	vadd.s32 $0xC00, v1;
	[tilespmem:s19+$0x0] =	vst v16;
	s4 =	sadd.s32 s29, s4;
	v27 =	vshll.u32 v12, $0x10;
	s10 =	rddreg [dreg:$0x1c]  }
0x196: {  	s9 =	sadd.s32 s29, s24;
	v12 =	vand.u32 $0xFFFF0000, v12;
	s20 =	rddreg [dreg:$0x1d];
	[tilespmem:s4+$0x0] =	vst v27;
	s10 =	sadd.s32 s30, s10  }
0x197: {  	s21 =	sadd.s32 s30, s20;
	[tilespmem:s9+$0x0] =	vst v12;
	s22 =	sadd.s32 s31, s10;
	v28 =	vshll.u32 v19, $0x10  }
0x198: {  	v8 =	vld.idx.msk [tilespmem:v8+s6+$0x0], $0xffff;
	s23 =	sadd.s32 s31, s21;
	v19 =	vand.u32 $0xFFFF0000, v19;
	[tilespmem:s22+$0x0] =	vst v28  }
0x199: {  	v11 =	vld.idx.msk [tilespmem:v11+s6+$0x0], $0xffff;
	[tilespmem:s23+$0x0] =	vst v19  }
0x19a: {  	v29 =	vld.idx.msk [tilespmem:v26+s6+$0x0], $0xffff  }
0x19b: {  	s24 =	sld [smem:$0x7EE]  }
0x19c: {  	s17 =	sld [smem:$0x7EF]  }
0x19d: {  	v30 =	vld.idx.msk [tilespmem:v18+s6+$0x0], $0xffff;
	v31 =	vadd.s32 $0xD00, v1;
	v37 =	vshll.u32 v8, $0x10;
	s9 =	rddreg [dreg:$0x1e]  }
0x19e: {  	[tilespmem:s13+$0x0] =	vst v37;
	s10 =	sadd.s32 s29, s10;
	v34 =	vshll.u32 v11, $0x10;
	s14 =	rddreg [dreg:$0x1f];
	s7 =	sadd.s32 s30, s9  }
0x19f: {  	[tilespmem:s10+$0x0] =	vst v34;
	s14 =	sadd.s32 s30, s14;
	s16 =	sadd.s32 s31, s7;
	v32 =	vshll.u32 v29, $0x10  }
0x1a0: {  	s19 =	sadd.s32 s31, s14;
	v12 =	vand.u32 $0xFFFF0000, v29;
	[tilespmem:s16+$0x0] =	vst v32  }
0x1a1: {  	s4 =	sadd.s32 s29, s21;
	v11 =	vand.u32 $0xFFFF0000, v11;
	s9 =	sadd.s32 s25, s24;
	[tilespmem:s19+$0x0] =	vst v12  }
0x1a2: {  	v33 =	vadd.s32 $0xE00, v0;
	v35 =	vshll.u32 v30, $0x10;
	s10 =	sadd.s32 s25, s17;
	[tilespmem:s4+$0x0] =	vst v11;
	s20 =	sadd.s32 s28, s9;
	v16 =	vld.idx.msk [tilespmem:v31+s6+$0x0], $0xffff  }
0x1a3: {  	v36 =	vand.u32 $0xFFFF0000, v30;
	s21 =	sadd.s32 s28, s10;
	[tilespmem:s20+$0x0] =	vst v35;
	s22 =	sld [smem:$0x7EE]  }
0x1a4: {  	v8 =	vand.u32 $0xFFFF0000, v8;
	v38 =	vld.idx.msk [tilespmem:v13+s6+$0x0], $0xffff;
	[tilespmem:s21+$0x0] =	vst v36;
	s23 =	sld [smem:$0x7EF]  }
0x1a5: {  	v39 =	vadd.s32 $0xE00, v1;
	s24 =	sld [smem:$0x7F0];
	[tilespmem:s3+$0x0] =	vst v8  }
0x1a6: {  	[tilespmem:s12+$0x0] =	vst v15;
	v7 =	vld.idx.msk [tilespmem:v7+s6+$0x0], $0xffff;
	s13 =	sadd.s32 s30, s22  }
0x1a7: {  	[tilespmem:s15+$0x0] =	vst v14;
	v12 =	vld.idx.msk [tilespmem:v33+s6+$0x0], $0xffff;
	s3 =	sadd.s32 s30, s23;
	s16 =	sadd.s32 s31, s13;
	v40 =	vshll.u32 v16, $0x10  }
0x1a8: {  	s19 =	sadd.s32 s31, s3;
	v41 =	vand.u32 $0xFFFF0000, v16;
	[tilespmem:s16+$0x0] =	vst v40  }
0x1a9: {  	s7 =	sadd.s32 s29, s7;
	s17 =	sld [smem:$0x7F1];
	v42 =	vshll.u32 v38, $0x10;
	[tilespmem:s19+$0x0] =	vst v41  }
0x1aa: {  	s21 =	sadd.s32 s29, s14;
	v44 =	vand.u32 $0xFFFF0000, v38;
	[tilespmem:s7+$0x0] =	vst v42;
	v45 =	vld.idx.msk [tilespmem:v39+s6+$0x0], $0xffff  }
0x1ab: {  	s9 =	sadd.s32 s26, s9;
	s4 =	sadd.s32 s25, s24;
	v46 =	vshll.u32 v7, $0x10;
	s22 =	sld [smem:$0x7F0];
	[tilespmem:s21+$0x0] =	vst v44  }
0x1ac: {  	s20 =	sadd.s32 s28, s4;
	s12 =	sadd.s32 s25, s17;
	v43 =	vshll.u32 v12, $0x10;
	[tilespmem:s9+$0x0] =	vst v46;
	v10 =	vld.idx.msk [tilespmem:v10+s6+$0x0], $0xffff;
	s24 =	sld [smem:$0x7F1]  }
0x1ad: {  	s23 =	sadd.s32 s28, s12;
	v12 =	vand.u32 $0xFFFF0000, v12;
	[tilespmem:s20+$0x0] =	vst v43  }
0x1ae: {  	v7 =	vand.u32 $0xFFFF0000, v7;
	[tilespmem:s23+$0x0] =	vst v12;
	s16 =	sadd.s32 s26, s10;
	s14 =	sadd.s32 s30, s22  }
0x1af: {  	s17 =	sld [smem:$0x7F3];
	[tilespmem:s16+$0x0] =	vst v7;
	s7 =	sadd.s32 s30, s24;
	s19 =	sadd.s32 s31, s14;
	v47 =	vshll.u32 v45, $0x10  }
0x1b0: {  	v48 =	vand.u32 $0xFFFF0000, v45;
	s20 =	sadd.s32 s31, s7;
	[tilespmem:s19+$0x0] =	vst v47  }
0x1b1: {  	s13 =	sadd.s32 s29, s13;
	v5 =	vld.idx.msk [tilespmem:v5+s6+$0x0], $0xffff;
	v49 =	vshll.u32 v10, $0x10;
	[tilespmem:s20+$0x0] =	vst v48  }
0x1b2: {  	v50 =	vadd.s32 $0xF00, v0;
	s3 =	sadd.s32 s29, s3;
	v51 =	vand.u32 $0xFFFF0000, v10;
	[tilespmem:s13+$0x0] =	vst v49  }
0x1b3: {  	v3 =	vld.idx.msk [tilespmem:v3+s6+$0x0], $0xffff;
	s9 =	sld [smem:$0x7F3];
	[tilespmem:s3+$0x0] =	vst v51  }
0x1b4: {  	v6 =	vld.idx.msk [tilespmem:v6+s6+$0x0], $0xffff  }
0x1b5: {  	v53 =	vadd.s32 $0xF00, v1  }
0x1b6: {  	[tilespmem:s11+$0x0] =	vst v4;
	s21 =	sadd.s32 s26, s4;
	v52 =	vshll.u32 v5, $0x10  }
0x1b7: {  	v0 =	vld.idx.msk [tilespmem:v50+s6+$0x0], $0xffff;
	s22 =	sadd.s32 s26, s12;
	v5 =	vand.u32 $0xFFFF0000, v5;
	[tilespmem:s21+$0x0] =	vst v52  }
0x1b8: {  	v54 =	vshll.u32 v3, $0x10;
	[tilespmem:s22+$0x0] =	vst v5  }
0x1b9: {  	[tilespmem:s2+$0x0] =	vst v54;
	s23 =	sadd.s32 s29, s14;
	v2 =	vld.idx.msk [tilespmem:v2+s6+$0x0], $0xffff;
	v55 =	vshll.u32 v6, $0x10  }
0x1ba: {  	s24 =	sadd.s32 s29, s7;
	v1 =	vld.idx.msk [tilespmem:v53+s6+$0x0], $0xffff;
	v56 =	vand.u32 $0xFFFF0000, v6;
	[tilespmem:s23+$0x0] =	vst v55  }
0x1bb: {  	v3 =	vand.u32 $0xFFFF0000, v3;
	s25 =	sadd.s32 s25, s17;
	[tilespmem:s24+$0x0] =	vst v56  }
0x1bc: {  	[tilespmem:s1+$0x0] =	vst v3;
	s28 =	sadd.s32 s28, s25;
	v57 =	vand.u32 $0xFFFF0000, v0;
	v58 =	vld.idx.msk [tilespmem:v9+s6+$0x0], $0xffff  }
0x1bd: {  	v0 =	vshll.u32 v0, $0x10;
	[tilespmem:s28+$0x0] =	vst v57  }
0x1be: {  	[tilespmem:s5+$0x0] =	vst v0;
	s30 =	sadd.s32 s30, s9;
	v59 =	vshll.u32 v2, $0x10  }
0x1bf: {  	s31 =	sadd.s32 s31, s30;
	v60 =	vand.u32 $0xFFFF0000, v1;
	[tilespmem:s0+$0x0] =	vst v59  }
0x1c0: {  	s1 =	sadd.s32 s26, s25;
	v2 =	vand.u32 $0xFFFF0000, v2;
	[tilespmem:s31+$0x0] =	vst v60  }
0x1c1: {  	[tilespmem:s1+$0x0] =	vst v2;
	v61 =	vshll.u32 v58, $0x10  }
0x1c2: {  	[tilespmem:s8+$0x0] =	vst v61  }
0x1c3: {  	s1 =	sld [smem:$0x7ED];
	_ =	sdelay $0x2  }
0x1c4: {  	s1 =	sadd.s32 $0x1, s1  }
0x1c5: {  	p0 =	sne.s32 s1, $0x8  }
.Ltmp5:
0x1c6: {  	_ = 	snop;
	(pc) =	sbr.rel @p0 .LBB2_10-.Ltmp5, $4  }
0x1c7: {  	_ = 	snop  }
0x1c8: {  	s0 =	sadd.s32 s29, s30;
	v62 =	vand.u32 $0xFFFF0000, v58  }
0x1c9: {  	v63 =	vshll.u32 v1, $0x10;
	[tilespmem:s0+$0x0] =	vst v62  }
0x1ca: {  	[tilespmem:s18+$0x0] =	vst v63  }
0x1cb: {  	s0 =	sld [smem:$0x7F4]  }
0x1cc: {  	s1 =	sld [smem:$0x7F5];
	_ =	sdelay $0x2  }
0x1cd: {  	s29 =	rddreg [dreg:$0x2];
	s5 =	sadd.s32 s0, s1  }
0x1ce: {  	s2 =	simm.s32 $0x800;
	s3 =	simm.s32 $0xE000;
	s0 =	sadd.s32 $0xE0000, s5  }
0x1cf: {  	s4 =	simm.s32 $0xB000;
	s31 =	simm.s32 $0x1;
	s0 =	sshrl.u32 s0, $0x3  }
0x1d0: {  	[smem:$0x7EB] =	sst s5;
	s30 =	sadd.s32 $0x1C0000, s5;
	s0 =	sadd.s32 s29, s0  }
0x1d1: {  	[hbm4b:s0+s2] =	stream.strided.scatter [tilespmem:s4], [sflag:$0x2], $0x8000, s3, s2, $0x38;
	[tilespmem:$0x13000] =	vst v63  }
0x1d2: {  	s0 =	sshrl.u32 s30, $0x3;
	_ =	swait.ge [sflag:s31], $0x8000  }
0x1d3: {  	s0 =	sadd.s32 s29, s0;
	[sflag:s31] =	ssyncset.done $0x0  }
0x1d4: {  	s1 =	simm.s32 $0x0;
	[smem:$0x7EC] =	sst s0;
	[sflag:s31] =	ssyncadd.s32 $0xFFFF8000  }
.LBB2_14:
0x1d5: {  	[smem:$0x7D9] =	sst s1;
	s0 =	sshll.u32 s1, $0x7  }
0x1d6: {  	s14 =	sld [smem:$0x7F8];
	s15 =	sadd.s32 $0x3000, s0  }
0x1d7: {  	s16 =	sadd.s32 $0x3800, s0;
	[smem:$0x7E5] =	sst s15  }
0x1d8: {  	s17 =	sadd.s32 $0x4000, s0;
	[smem:$0x7E6] =	sst s16  }
0x1d9: {  	s18 =	sadd.s32 $0x4800, s0;
	[smem:$0x7E9] =	sst s17  }
0x1da: {  	s19 =	sadd.s32 $0x5000, s0;
	[smem:$0x7EA] =	sst s18  }
0x1db: {  	s20 =	sadd.s32 $0x5800, s0;
	[smem:$0x7DD] =	sst s19  }
0x1dc: {  	s21 =	sadd.s32 $0x6000, s0;
	[smem:$0x7DE] =	sst s20  }
0x1dd: {  	s22 =	sadd.s32 $0x6800, s0;
	[smem:$0x7E1] =	sst s21  }
0x1de: {  	s23 =	sadd.s32 $0x7000, s0;
	[smem:$0x7E2] =	sst s22  }
0x1df: {  	s24 =	sadd.s32 $0x7800, s0;
	[smem:$0x7E7] =	sst s23  }
0x1e0: {  	s25 =	sadd.s32 $0x8000, s0;
	[smem:$0x7E8] =	sst s24  }
0x1e1: {  	s26 =	sadd.s32 $0x8800, s0;
	[smem:$0x7DA] =	sst s25  }
0x1e2: {  	s2 =	sadd.s32 $0x9000, s0;
	[smem:$0x7DB] =	sst s26  }
0x1e3: {  	[smem:$0x7DF] =	sst s2;
	s1 =	sadd.s32 s0, s14  }
0x1e4: {  	[smem:$0x7DC] =	sst s1  }
0x1e5: {  	s3 =	sadd.s32 $0x9800, s0;
	s2 =	sld [smem:$0x7DC]  }
0x1e6: {  	s4 =	sadd.s32 $0xA000, s0;
	[smem:$0x7E0] =	sst s3;
	s3 =	simm.s32 $0x0  }
0x1e7: {  	[smem:$0x7E3] =	sst s4;
	s15 =	sand.u32 $0x400, s3;
	s1 =	sand.u32 $0x60, s3  }
0x1e8: {  	s0 =	sadd.s32 $0xA800, s0;
	s12 =	sor.u32 $0x10, s1;
	s2 =	sadd.s32 s15, s2  }
0x1e9: {  	[smem:$0x7E4] =	sst s0;
	s5 =	sadd.s32 s12, s2  }
0x1ea: {  	v3 =	vld [tilespmem:s5+$0x0]  }
0x1eb: {  	s7 =	sadd.s32 s1, s2  }
0x1ec: {  	v2 =	vld [tilespmem:s7+$0x0];
	_ =	sdelay $0x2  }
0x1ed: {  	v0 =	vadd.s32 $0x1000, v3;
	_ =	sdelay $0x1  }
0x1ee: {  	v1 =	vadd.s32 $0x1000, v2;
	_ =	sdelay $0x2  }
0x1ef: {  	v0 =	vld.idx.msk [tilespmem:v0+s6+$0x0], $0xffff  }
0x1f0: {  	s8 =	sld [smem:$0x7E5]  }
0x1f1: {  	s9 =	sld [smem:$0x7E6];
	v1 =	vld.idx.msk [tilespmem:v1+s6+$0x0], $0xffff;
	_ =	sdelay $0x1  }
0x1f2: {  	s3 =	sadd.s32 s15, s8;
	v4 =	vadd.s32 $0x1100, v3  }
0x1f3: {  	s4 =	sadd.s32 s12, s3;
	s2 =	sadd.s32 s15, s9;
	v5 =	vshll.u32 v0, $0x10  }
0x1f4: {  	s0 =	sld [smem:$0x7E3];
	s10 =	sadd.s32 s12, s2;
	v6 =	vadd.s32 $0x1100, v2;
	v0 =	vand.u32 $0xFFFF0000, v0;
	[tilespmem:s4+$0x0] =	vst v5  }
0x1f5: {  	s3 =	sadd.s32 s1, s3;
	v5 =	vshll.u32 v1, $0x10;
	[tilespmem:s10+$0x0] =	vst v0  }
0x1f6: {  	s2 =	sadd.s32 s1, s2;
	v0 =	vand.u32 $0xFFFF0000, v1;
	[tilespmem:s3+$0x0] =	vst v5  }
0x1f7: {  	v1 =	vld.idx.msk [tilespmem:v4+s6+$0x0], $0xffff;
	[tilespmem:s2+$0x0] =	vst v0  }
0x1f8: {  	s2 =	sld [smem:$0x7E9]  }
0x1f9: {  	v4 =	vld.idx.msk [tilespmem:v6+s6+$0x0], $0xffff;
	s3 =	sld [smem:$0x7EA]  }
0x1fa: {  	v0 =	vadd.s32 $0x1200, v3  }
0x1fb: {  	s2 =	sadd.s32 s15, s2  }
0x1fc: {  	s5 =	sld [smem:$0x7DC];
	s3 =	sadd.s32 s15, s3;
	v5 =	vshll.u32 v1, $0x10;
	s11 =	sadd.s32 s12, s2  }
0x1fd: {  	s8 =	simm.s32 $0x100;
	v1 =	vand.u32 $0xFFFF0000, v1;
	s13 =	sadd.s32 s12, s3;
	[tilespmem:s11+$0x0] =	vst v5  }
0x1fe: {  	s25 =	sand.u32 $0x400, s8;
	s7 =	simm.s32 $0x20;
	s2 =	sadd.s32 s1, s2;
	v5 =	vshll.u32 v4, $0x10;
	[tilespmem:s13+$0x0] =	vst v1  }
0x1ff: {  	s26 =	sand.u32 $0x60, s7;
	s14 =	sadd.s32 s25, s5;
	[tilespmem:s2+$0x0] =	vst v5;
	v1 =	vld.idx.msk [tilespmem:v0+s6+$0x0], $0xffff  }
0x200: {  	s28 =	sor.u32 $0x10, s26;
	s2 =	sadd.s32 s26, s14;
	s17 =	sld [smem:$0x7DD]  }
0x201: {  	s16 =	sadd.s32 s28, s14;
	v7 =	vand.u32 $0xFFFF0000, v4;
	v5 =	vadd.s32 $0x1200, v2;
	s18 =	sld [smem:$0x7DE];
	v4 =	vld [tilespmem:s2+$0x0]  }
0x202: {  	v6 =	vadd.s32 $0x1300, v3;
	v0 =	vld [tilespmem:s16+$0x0]  }
0x203: {  	s3 =	sadd.s32 s1, s3;
	s19 =	sadd.s32 s15, s17  }
0x204: {  	[tilespmem:s3+$0x0] =	vst v7;
	s20 =	sadd.s32 s15, s18;
	s21 =	sadd.s32 s12, s19;
	v7 =	vshll.u32 v1, $0x10  }
0x205: {  	s22 =	sadd.s32 s12, s20;
	v1 =	vand.u32 $0xFFFF0000, v1;
	[tilespmem:s21+$0x0] =	vst v7  }
0x206: {  	v5 =	vld.idx.msk [tilespmem:v5+s6+$0x0], $0xffff;
	v7 =	vadd.s32 $0x1000, v4;
	[tilespmem:s22+$0x0] =	vst v1  }
0x207: {  	v1 =	vadd.s32 $0x1000, v0;
	v6 =	vld.idx.msk [tilespmem:v6+s6+$0x0], $0xffff  }
0x208: {  	s4 =	sld [smem:$0x7E1]  }
0x209: {  	s23 =	sld [smem:$0x7E2]  }
0x20a: {  	v8 =	vadd.s32 $0x1400, v3  }
0x20b: {  	v10 =	vadd.s32 $0x1300, v2;
	s2 =	sadd.s32 s1, s19;
	v9 =	vshll.u32 v5, $0x10;
	s4 =	sadd.s32 s15, s4;
	v7 =	vld.idx.msk [tilespmem:v7+s6+$0x0], $0xffff  }
0x20c: {  	s10 =	sld [smem:$0x7E5];
	[tilespmem:s2+$0x0] =	vst v9;
	s24 =	sadd.s32 s15, s23;
	v1 =	vld.idx.msk [tilespmem:v1+s6+$0x0], $0xffff;
	s9 =	sadd.s32 s12, s4;
	v9 =	vshll.u32 v6, $0x10  }
0x20d: {  	s11 =	sadd.s32 s12, s24;
	v6 =	vand.u32 $0xFFFF0000, v6;
	[tilespmem:s9+$0x0] =	vst v9  }
0x20e: {  	s13 =	sld [smem:$0x7E6];
	v5 =	vand.u32 $0xFFFF0000, v5;
	s9 =	sadd.s32 s1, s20;
	[tilespmem:s11+$0x0] =	vst v6  }
0x20f: {  	s14 =	sadd.s32 s25, s10;
	s3 =	sld [smem:$0x7E3];
	[tilespmem:s9+$0x0] =	vst v5;
	v6 =	vadd.s32 $0x1100, v0;
	v5 =	vld.idx.msk [tilespmem:v8+s6+$0x0], $0xffff  }
0x210: {  	s5 =	sadd.s32 s26, s14;
	s9 =	sld [smem:$0x7E7];
	v9 =	vld.idx.msk [tilespmem:v10+s6+$0x0], $0xffff;
	v10 =	vshll.u32 v7, $0x10  }
0x211: {  	s16 =	sadd.s32 s25, s13;
	s17 =	sadd.s32 s28, s14;
	s10 =	sld [smem:$0x7E8];
	v8 =	vshll.u32 v1, $0x10;
	[tilespmem:s5+$0x0] =	vst v10  }
0x212: {  	s18 =	sadd.s32 s28, s16;
	v1 =	vand.u32 $0xFFFF0000, v1;
	[tilespmem:s17+$0x0] =	vst v8;
	v8 =	vadd.s32 $0x1100, v4  }
0x213: {  	s7 =	sadd.s32 s26, s16;
	[tilespmem:s18+$0x0] =	vst v1;
	v1 =	vand.u32 $0xFFFF0000, v7;
	v7 =	vadd.s32 $0x1500, v3;
	s5 =	sadd.s32 s15, s9  }
0x214: {  	[tilespmem:s7+$0x0] =	vst v1;
	s7 =	sadd.s32 s15, s10;
	s19 =	sadd.s32 s12, s5;
	v6 =	vld.idx.msk [tilespmem:v6+s6+$0x0], $0xffff;
	v1 =	vshll.u32 v5, $0x10  }
0x215: {  	v10 =	vadd.s32 $0x1400, v2;
	s20 =	sld [smem:$0x7E9];
	v5 =	vand.u32 $0xFFFF0000, v5;
	s21 =	sadd.s32 s12, s7;
	[tilespmem:s19+$0x0] =	vst v1  }
0x216: {  	s4 =	sadd.s32 s1, s4;
	s22 =	sld [smem:$0x7EA];
	v1 =	vshll.u32 v9, $0x10;
	[tilespmem:s21+$0x0] =	vst v5  }
0x217: {  	s2 =	sadd.s32 s1, s24;
	v5 =	vand.u32 $0xFFFF0000, v9;
	v8 =	vld.idx.msk [tilespmem:v8+s6+$0x0], $0xffff;
	[tilespmem:s4+$0x0] =	vst v1  }
0x218: {  	s13 =	sld [smem:$0x7DC];
	s9 =	simm.s32 $0x40;
	v1 =	vld.idx.msk [tilespmem:v7+s6+$0x0], $0xffff;
	[tilespmem:s2+$0x0] =	vst v5;
	v5 =	vadd.s32 $0x1200, v0;
	s23 =	sadd.s32 s25, s20  }
0x219: {  	s24 =	sadd.s32 s25, s22;
	s4 =	sld [smem:$0x7DA];
	v7 =	vshll.u32 v6, $0x10;
	s14 =	sadd.s32 s28, s23  }
0x21a: {  	s10 =	simm.s32 $0x200;
	v9 =	vld.idx.msk [tilespmem:v10+s6+$0x0], $0xffff;
	s11 =	sld [smem:$0x7DB];
	v6 =	vand.u32 $0xFFFF0000, v6;
	s16 =	sadd.s32 s28, s24;
	[tilespmem:s14+$0x0] =	vst v7  }
0x21b: {  	s29 =	sand.u32 $0x60, s9;
	s30 =	sand.u32 $0x400, s10;
	[tilespmem:s16+$0x0] =	vst v6;
	v6 =	vadd.s32 $0x1600, v3  }
0x21c: {  	s31 =	sor.u32 $0x10, s29;
	s2 =	sadd.s32 s26, s23;
	v7 =	vshll.u32 v8, $0x10;
	s14 =	sadd.s32 s15, s4  }
0x21d: {  	s18 =	sadd.s32 s30, s13;
	v10 =	vadd.s32 $0x1500, v2;
	s4 =	sadd.s32 s15, s11;
	[tilespmem:s2+$0x0] =	vst v7;
	v7 =	vshll.u32 v1, $0x10;
	s17 =	sadd.s32 s12, s14;
	v5 =	vld.idx.msk [tilespmem:v5+s6+$0x0], $0xffff  }
0x21e: {  	s13 =	sadd.s32 s31, s18;
	v1 =	vand.u32 $0xFFFF0000, v1;
	s19 =	sadd.s32 s12, s4;
	[tilespmem:s17+$0x0] =	vst v7;
	v7 =	vadd.s32 $0x1200, v4;
	s16 =	sld [smem:$0x7DD]  }
0x21f: {  	s5 =	sadd.s32 s1, s5;
	v11 =	vshll.u32 v9, $0x10;
	s20 =	sld [smem:$0x7DE];
	[tilespmem:s19+$0x0] =	vst v1;
	v1 =	vld [tilespmem:s13+$0x0]  }
0x220: {  	s21 =	sadd.s32 s1, s7;
	s22 =	sadd.s32 s29, s18;
	v9 =	vand.u32 $0xFFFF0000, v9;
	[tilespmem:s5+$0x0] =	vst v11;
	v11 =	vadd.s32 $0x1300, v0;
	v6 =	vld.idx.msk [tilespmem:v6+s6+$0x0], $0xffff  }
0x221: {  	s8 =	sadd.s32 s26, s24;
	v14 =	vld [tilespmem:s22+$0x0];
	v8 =	vand.u32 $0xFFFF0000, v8;
	s23 =	sld [smem:$0x7DF];
	[tilespmem:s21+$0x0] =	vst v9;
	s16 =	sadd.s32 s25, s16  }
0x222: {  	[tilespmem:s8+$0x0] =	vst v8;
	s24 =	sadd.s32 s25, s20;
	v9 =	vld.idx.msk [tilespmem:v10+s6+$0x0], $0xffff;
	s5 =	sld [smem:$0x7E0];
	v8 =	vshll.u32 v5, $0x10;
	s18 =	sadd.s32 s28, s16  }
0x223: {  	v5 =	vand.u32 $0xFFFF0000, v5;
	s19 =	sadd.s32 s28, s24;
	v7 =	vld.idx.msk [tilespmem:v7+s6+$0x0], $0xffff;
	[tilespmem:s18+$0x0] =	vst v8  }
0x224: {  	v3 =	vadd.s32 $0x1700, v3;
	s7 =	sadd.s32 s15, s23;
	[tilespmem:s19+$0x0] =	vst v5  }
0x225: {  	v5 =	vadd.s32 $0x1000, v1;
	s13 =	sadd.s32 s15, s5;
	s20 =	sadd.s32 s12, s7;
	v8 =	vld.idx.msk [tilespmem:v11+s6+$0x0], $0xffff;
	v10 =	vshll.u32 v6, $0x10  }
0x226: {  	s17 =	sld [smem:$0x7E1];
	v6 =	vand.u32 $0xFFFF0000, v6;
	s5 =	sadd.s32 s12, s13;
	[tilespmem:s20+$0x0] =	vst v10  }
0x227: {  	s0 =	sadd.s32 s15, s0;
	s14 =	sadd.s32 s1, s14;
	v11 =	vadd.s32 $0x1000, v14;
	s18 =	sld [smem:$0x7E2];
	[tilespmem:s5+$0x0] =	vst v6;
	v6 =	vshll.u32 v9, $0x10  }
0x228: {  	s3 =	sadd.s32 s25, s3;
	v12 =	vadd.s32 $0x1400, v0;
	s11 =	sadd.s32 s12, s0;
	s16 =	sadd.s32 s26, s16;
	v10 =	vshll.u32 v7, $0x10;
	[tilespmem:s14+$0x0] =	vst v6  }
0x229: {  	s21 =	sld [smem:$0x7E3];
	s8 =	sadd.s32 s26, s24;
	v15 =	vld.idx.msk [tilespmem:v3+s6+$0x0], $0xffff;
	v3 =	vand.u32 $0xFFFF0000, v7;
	s14 =	sadd.s32 s25, s17;
	[tilespmem:s16+$0x0] =	vst v10  }
0x22a: {  	v6 =	vadd.s32 $0x1300, v4;
	s17 =	sadd.s32 s25, s18;
	v10 =	vld.idx.msk [tilespmem:v5+s6+$0x0], $0xffff;
	s22 =	sld [smem:$0x7E4];
	s23 =	sadd.s32 s28, s14;
	[tilespmem:s8+$0x0] =	vst v3;
	v3 =	vshll.u32 v8, $0x10  }
0x22b: {  	v13 =	vadd.s32 $0x1600, v2;
	s2 =	sadd.s32 s1, s0;
	s24 =	sld [smem:$0x7E5];
	s19 =	sadd.s32 s28, s17;
	v5 =	vand.u32 $0xFFFF0000, v8;
	[tilespmem:s23+$0x0] =	vst v3  }
0x22c: {  	s0 =	sadd.s32 s26, s3;
	s4 =	sadd.s32 s1, s4;
	v21 =	vadd.s32 $0x1100, v14;
	v20 =	vadd.s32 $0x1100, v1;
	s20 =	sld [smem:$0x7E6];
	v7 =	vadd.s32 $0x1500, v4;
	v16 =	vld.idx.msk [tilespmem:v11+s6+$0x0], $0xffff;
	[tilespmem:s19+$0x0] =	vst v5  }
0x22d: {  	s5 =	sadd.s32 s28, s3;
	s3 =	sadd.s32 s30, s21;
	v8 =	vadd.s32 $0x1400, v4;
	v3 =	vadd.s32 $0x1700, v2;
	v2 =	vand.u32 $0xFFFF0000, v9;
	s21 =	sadd.s32 s15, s22;
	v18 =	vld.idx.msk [tilespmem:v12+s6+$0x0], $0xffff  }
0x22e: {  	v11 =	vadd.s32 $0x1300, v14;
	v5 =	vadd.s32 $0x1600, v4;
	[tilespmem:s4+$0x0] =	vst v2;
	s19 =	sadd.s32 s30, s24;
	v9 =	vand.u32 $0xFFFF0000, v15;
	s12 =	sadd.s32 s12, s21  }
0x22f: {  	s20 =	sadd.s32 s30, s20;
	v2 =	vadd.s32 $0x1700, v4;
	v19 =	vld.idx.msk [tilespmem:v6+s6+$0x0], $0xffff;
	s23 =	sadd.s32 s31, s19;
	v12 =	vadd.s32 $0x1200, v14;
	v4 =	vshll.u32 v10, $0x10;
	[tilespmem:s12+$0x0] =	vst v9  }
0x230: {  	s18 =	sadd.s32 s31, s3;
	s24 =	sld [smem:$0x7E7];
	v22 =	vld.idx.msk [tilespmem:v13+s6+$0x0], $0xffff;
	v13 =	vadd.s32 $0x1400, v14;
	v6 =	vand.u32 $0xFFFF0000, v10;
	s12 =	sadd.s32 s31, s20;
	v10 =	vadd.s32 $0x1500, v14;
	[tilespmem:s23+$0x0] =	vst v4  }
0x231: {  	s16 =	simm.s32 $0x4;
	s8 =	sadd.s32 s29, s3;
	s22 =	sld [smem:$0x7E8];
	v9 =	vadd.s32 $0x1700, v14;
	v4 =	vshll.u32 v16, $0x10;
	[tilespmem:s12+$0x0] =	vst v6;
	v6 =	vadd.s32 $0x1600, v14  }
0x232: {  	s15 =	sadd.s32 s1, s13;
	s13 =	sadd.s32 s29, s19;
	s12 =	sadd.s32 s1, s7;
	v14 =	vshll.u32 v18, $0x10;
	v23 =	vand.u32 $0xFFFF0000, v18;
	v18 =	vadd.s32 $0x1500, v0  }
0x233: {  	v16 =	vand.u32 $0xFFFF0000, v16;
	[tilespmem:s13+$0x0] =	vst v4;
	s7 =	sadd.s32 s26, s14;
	s14 =	sadd.s32 s29, s20;
	s20 =	sadd.s32 s25, s24  }
0x234: {  	s19 =	sadd.s32 s26, s17;
	s22 =	sadd.s32 s25, s22;
	[tilespmem:s14+$0x0] =	vst v16;
	s23 =	sadd.s32 s28, s20;
	v17 =	vshll.u32 v19, $0x10;
	v16 =	vand.u32 $0xFFFF0000, v19;
	v19 =	vld.idx.msk [tilespmem:v20+s6+$0x0], $0xffff  }
0x235: {  	s1 =	sadd.s32 s1, s21;
	s24 =	sadd.s32 s28, s22;
	s14 =	sld [smem:$0x7E9];
	[tilespmem:s23+$0x0] =	vst v14  }
0x236: {  	v4 =	vshll.u32 v15, $0x10;
	s13 =	sadd.s32 s26, s20;
	s3 =	sadd.s32 s26, s22;
	v20 =	vld.idx.msk [tilespmem:v21+s6+$0x0], $0xffff;
	v15 =	vshll.u32 v22, $0x10;
	s21 =	sld [smem:$0x7EA];
	v14 =	vand.u32 $0xFFFF0000, v22;
	[tilespmem:s24+$0x0] =	vst v23  }
.LBB2_15:
0x237: {  	s20 =	sld [smem:$0x7E3];
	v21 =	vadd.s32 $0x1200, v1;
	[tilespmem:s7+$0x0] =	vst v17;
	v17 =	vld.idx.msk [tilespmem:v18+s6+$0x0], $0xffff;
	s17 =	smov.u32 s5;
	s5 =	smov.u32 s18  }
0x238: {  	s4 =	sadd.s32 s30, s14;
	[tilespmem:s19+$0x0] =	vst v16;
	s7 =	sld [smem:$0x7DA]  }
0x239: {  	v16 =	vshll.u32 v19, $0x10;
	s18 =	sadd.s32 s30, s21;
	s14 =	sadd.s32 s31, s4;
	v18 =	vld.idx.msk [tilespmem:v8+s6+$0x0], $0xffff;
	s19 =	sld [smem:$0x7DB];
	[tilespmem:s12+$0x0] =	vst v15;
	v8 =	vmov v13  }
0x23a: {  	s9 =	sadd.s32 $0x20, s9;
	v13 =	vand.u32 $0xFFFF0000, v19;
	s12 =	sld [smem:$0x7DC];
	[tilespmem:s14+$0x0] =	vst v16;
	s21 =	sadd.s32 s31, s18  }
0x23b: {  	s10 =	sadd.s32 $0x100, s10;
	s23 =	sadd.s32 s29, s4;
	s14 =	sand.u32 $0x60, s9;
	v15 =	vshll.u32 v20, $0x10;
	v16 =	vand.u32 $0xFFFF0000, v20;
	[tilespmem:s21+$0x0] =	vst v13;
	v13 =	vadd.s32 $0x1600, v0  }
0x23c: {  	s22 =	sand.u32 $0x400, s10;
	s4 =	sor.u32 $0x10, s14;
	s7 =	sadd.s32 s25, s7;
	[tilespmem:s23+$0x0] =	vst v15;
	v15 =	vld.idx.msk [tilespmem:v21+s6+$0x0], $0xffff  }
0x23d: {  	s19 =	sadd.s32 s25, s19;
	v19 =	vshll.u32 v17, $0x10;
	s21 =	sadd.s32 s28, s7;
	s12 =	sadd.s32 s22, s12;
	[tilespmem:s15+$0x0] =	vst v14  }
0x23e: {  	v14 =	vand.u32 $0xFFFF0000, v17;
	s15 =	sadd.s32 s4, s12;
	s23 =	sld [smem:$0x7DD];
	[tilespmem:s21+$0x0] =	vst v19;
	s21 =	sadd.s32 s28, s19;
	v17 =	vld.idx.msk [tilespmem:v3+s6+$0x0], $0xffff;
	v3 =	vmov v2;
	v2 =	vmov v9  }
0x23f: {  	s12 =	sadd.s32 s14, s12;
	v19 =	vshll.u32 v18, $0x10;
	v18 =	vand.u32 $0xFFFF0000, v18;
	v9 =	vld [tilespmem:s15+$0x0];
	s15 =	sadd.s32 s29, s18;
	s18 =	sld [smem:$0x7DE];
	[tilespmem:s21+$0x0] =	vst v14  }
0x240: {  	s20 =	sadd.s32 s22, s20;
	s7 =	sadd.s32 s26, s7;
	v14 =	vadd.s32 $0x1300, v1;
	s21 =	sadd.s32 s26, s19;
	[tilespmem:s15+$0x0] =	vst v16;
	v13 =	vld.idx.msk [tilespmem:v13+s6+$0x0], $0xffff  }
0x241: {  	s19 =	sadd.s32 s14, s20;
	v16 =	vld [tilespmem:s12+$0x0];
	s12 =	sadd.s32 s30, s23;
	[tilespmem:s13+$0x0] =	vst v19;
	s13 =	sld [smem:$0x7DF]  }
0x242: {  	s16 =	sadd.s32 $0x2, s16;
	v19 =	vld.idx.msk [tilespmem:v12+s6+$0x0], $0xffff;
	s15 =	sadd.s32 s30, s18;
	v12 =	vshll.u32 v15, $0x10;
	s18 =	sadd.s32 s31, s12;
	[tilespmem:s3+$0x0] =	vst v18  }
0x243: {  	p0 =	slt.u32 s16, $0xC;
	v15 =	vand.u32 $0xFFFF0000, v15;
	[tilespmem:s18+$0x0] =	vst v12;
	s3 =	sadd.s32 s31, s15;
	v18 =	vld.idx.msk [tilespmem:v7+s6+$0x0], $0xffff;
	s23 =	sld [smem:$0x7E0];
	v7 =	vmov v10  }
0x244: {  	s18 =	sadd.s32 s4, s20;
	s20 =	sadd.s32 s29, s12;
	s24 =	sadd.s32 s29, s15;
	v10 =	vshll.u32 v17, $0x10;
	v12 =	vand.u32 $0xFFFF0000, v17;
	[tilespmem:s3+$0x0] =	vst v15;
	v15 =	vadd.s32 $0x1700, v0;
	v0 =	vmovc v1;
	v1 =	vmovc v9  }
0x245: {  	s3 =	sadd.s32 s25, s13;
	v17 =	vadd.s32 $0x1000, v1;
	v14 =	vld.idx.msk [tilespmem:v14+s6+$0x0], $0xffff;
	[tilespmem:s2+$0x0] =	vst v10;
	s2 =	smov.u32 s0;
	s0 =	smov.u32 s8  }
0x246: {  	s12 =	sadd.s32 s26, s3;
	v9 =	vshll.u32 v13, $0x10;
	s3 =	sadd.s32 s28, s3;
	v20 =	vadd.s32 $0x1000, v16;
	v21 =	vadd.s32 $0x1100, v16;
	s8 =	sadd.s32 s25, s23;
	[tilespmem:s1+$0x0] =	vst v12  }
0x247: {  	v10 =	vand.u32 $0xFFFF0000, v13;
	v12 =	vadd.s32 $0x1200, v16;
	v22 =	vadd.s32 $0x1300, v16;
	s1 =	sld [smem:$0x7E1];
	s15 =	sadd.s32 s26, s8;
	[tilespmem:s3+$0x0] =	vst v9;
	s3 =	sadd.s32 s28, s8  }
0x248: {  	v13 =	vadd.s32 $0x1400, v16;
	v9 =	vshll.u32 v19, $0x10;
	v19 =	vand.u32 $0xFFFF0000, v19;
	s8 =	smov.u32 s19;
	s13 =	sld [smem:$0x7E2];
	[tilespmem:s3+$0x0] =	vst v10  }
0x249: {  	v23 =	vadd.s32 $0x1400, v0;
	v10 =	vadd.s32 $0x1500, v16;
	v24 =	vshll.u32 v18, $0x10;
	[tilespmem:s20+$0x0] =	vst v9;
	v15 =	vld.idx.msk [tilespmem:v15+s6+$0x0], $0xffff  }
0x24a: {  	v25 =	vadd.s32 $0x1600, v16;
	v9 =	vadd.s32 $0x1700, v16;
	v16 =	vld.idx.msk [tilespmem:v17+s6+$0x0], $0xffff;
	[tilespmem:s24+$0x0] =	vst v19;
	s1 =	sadd.s32 s30, s1;
	v17 =	vand.u32 $0xFFFF0000, v18  }
0x24b: {  	v19 =	vshll.u32 v14, $0x10;
	v18 =	vld.idx.msk [tilespmem:v20+s6+$0x0], $0xffff;
	s3 =	sadd.s32 s30, s13;
	s13 =	sadd.s32 s31, s1;
	[tilespmem:s7+$0x0] =	vst v24;
	s20 =	sld [smem:$0x7E4]  }
0x24c: {  	v14 =	vand.u32 $0xFFFF0000, v14;
	s7 =	sadd.s32 s29, s1;
	s23 =	sld [smem:$0x7E5];
	v20 =	vld.idx.msk [tilespmem:v11+s6+$0x0], $0xffff;
	[tilespmem:s13+$0x0] =	vst v19;
	s1 =	sadd.s32 s31, s3;
	v11 =	vmov v22  }
0x24d: {  	s19 =	sadd.s32 s29, s3;
	s13 =	sld [smem:$0x7E6];
	[tilespmem:s1+$0x0] =	vst v14  }
0x24e: {  	v14 =	vadd.s32 $0x1100, v1;
	v22 =	vld.idx.msk [tilespmem:v23+s6+$0x0], $0xffff;
	[tilespmem:s21+$0x0] =	vst v17;
	s3 =	sadd.s32 s25, s20;
	s25 =	smov.u32 s30;
	s30 =	smov.u32 s22  }
0x24f: {  	v17 =	vand.u32 $0xFFFF0000, v15;
	s20 =	sadd.s32 s30, s23;
	v23 =	vld.idx.msk [tilespmem:v5+s6+$0x0], $0xffff;
	s1 =	sadd.s32 s26, s3;
	s3 =	sadd.s32 s28, s3;
	[tilespmem:s11+$0x0] =	vst v4;
	v4 =	vshll.u32 v15, $0x10;
	v5 =	vmovc v6;
	v6 =	vmov v25  }
0x250: {  	v15 =	vshll.u32 v16, $0x10;
	s11 =	sadd.s32 s30, s13;
	s13 =	sadd.s32 s4, s20;
	s21 =	sld [smem:$0x7E7];
	[tilespmem:s3+$0x0] =	vst v17  }
0x251: {  	v16 =	vand.u32 $0xFFFF0000, v16;
	v19 =	vshll.u32 v18, $0x10;
	v24 =	vand.u32 $0xFFFF0000, v18;
	s3 =	sadd.s32 s14, s20;
	[tilespmem:s13+$0x0] =	vst v15;
	s13 =	sadd.s32 s4, s11;
	s20 =	sld [smem:$0x7E8]  }
.Ltmp6:
0x252: {  	s26 =	smov.u32 s29;
	v18 =	vadd.s32 $0x1500, v0;
	s11 =	sadd.s32 s14, s11;
	v17 =	vshll.u32 v20, $0x10;
	[tilespmem:s13+$0x0] =	vst v16;
	v16 =	vand.u32 $0xFFFF0000, v20;
	(pc) =	sbr.rel @p0 .LBB2_15-.Ltmp6, $4  }
0x253: {  	s29 =	smov.u32 s14;
	s28 =	smov.u32 s31;
	[tilespmem:s3+$0x0] =	vst v19;
	v19 =	vld.idx.msk [tilespmem:v14+s6+$0x0], $0xffff;
	s3 =	sadd.s32 s25, s21  }
0x254: {  	v14 =	vshll.u32 v22, $0x10;
	[tilespmem:s11+$0x0] =	vst v24;
	s13 =	sadd.s32 s26, s3;
	s11 =	sadd.s32 s25, s20;
	s20 =	sadd.s32 s28, s3  }
0x255: {  	v15 =	vshll.u32 v23, $0x10;
	v20 =	vld.idx.msk [tilespmem:v21+s6+$0x0], $0xffff;
	s14 =	sld [smem:$0x7E9];
	s3 =	sadd.s32 s26, s11;
	v21 =	vand.u32 $0xFFFF0000, v22;
	[tilespmem:s20+$0x0] =	vst v14;
	s11 =	sadd.s32 s28, s11;
	v14 =	vand.u32 $0xFFFF0000, v23  }
0x256: {  	s31 =	smov.u32 s4;
	s21 =	sld [smem:$0x7EA];
	[tilespmem:s11+$0x0] =	vst v21;
	s11 =	smov.u32 s17  }
0x257: {  	v21 =	vadd.s32 $0x1200, v1  }
0x258: {  	s4 =	sadd.s32 s30, s14  }
0x259: {  	v22 =	vshll.u32 v19, $0x10;
	s9 =	sadd.s32 s30, s21;
	s10 =	sadd.s32 s31, s4  }
0x25a: {  	v60 =	vand.u32 $0xFFFF0000, v19;
	[tilespmem:s10+$0x0] =	vst v22;
	s23 =	sadd.s32 s31, s9  }
0x25b: {  	s4 =	sadd.s32 s29, s4;
	v61 =	vshll.u32 v20, $0x10;
	[tilespmem:s23+$0x0] =	vst v60  }
0x25c: {  	[tilespmem:s4+$0x0] =	vst v61;
	v62 =	vld.idx.msk [tilespmem:v21+s6+$0x0], $0xffff  }
0x25d: {  	s4 =	sld [smem:$0x7DD]  }
0x25e: {  	s10 =	sld [smem:$0x7DE]  }
0x25f: {  	v63 =	vadd.s32 $0x1300, v1  }
0x260: {  	v24 =	vand.u32 $0xFFFF0000, v20;
	s9 =	sadd.s32 s29, s9;
	s4 =	sadd.s32 s30, s4  }
0x261: {  	[tilespmem:s9+$0x0] =	vst v24;
	s24 =	sadd.s32 s30, s10;
	s16 =	sadd.s32 s31, s4;
	v25 =	vshll.u32 v62, $0x10  }
0x262: {  	v12 =	vld.idx.msk [tilespmem:v12+s6+$0x0], $0xffff;
	s17 =	sadd.s32 s31, s24;
	v19 =	vand.u32 $0xFFFF0000, v62;
	[tilespmem:s16+$0x0] =	vst v25  }
0x263: {  	[tilespmem:s17+$0x0] =	vst v19  }
0x264: {  	v19 =	vld.idx.msk [tilespmem:v63+s6+$0x0], $0xffff  }
0x265: {  	s10 =	sld [smem:$0x7E1]  }
0x266: {  	s20 =	sld [smem:$0x7E2]  }
0x267: {  	v26 =	vadd.s32 $0x1400, v1;
	s4 =	sadd.s32 s29, s4;
	v27 =	vshll.u32 v12, $0x10  }
0x268: {  	s9 =	sadd.s32 s29, s24;
	v12 =	vand.u32 $0xFFFF0000, v12;
	[tilespmem:s4+$0x0] =	vst v27;
	s10 =	sadd.s32 s30, s10  }
0x269: {  	[tilespmem:s9+$0x0] =	vst v12;
	s21 =	sadd.s32 s30, s20;
	s22 =	sadd.s32 s31, s10;
	v28 =	vshll.u32 v19, $0x10  }
0x26a: {  	s23 =	sadd.s32 s31, s21;
	v19 =	vand.u32 $0xFFFF0000, v19;
	[tilespmem:s22+$0x0] =	vst v28  }
0x26b: {  	v11 =	vld.idx.msk [tilespmem:v11+s6+$0x0], $0xffff;
	[tilespmem:s23+$0x0] =	vst v19  }
0x26c: {  	v29 =	vld.idx.msk [tilespmem:v26+s6+$0x0], $0xffff  }
0x26d: {  	s9 =	sld [smem:$0x7E7]  }
0x26e: {  	[tilespmem:s7+$0x0] =	vst v17;
	s14 =	sld [smem:$0x7E8]  }
0x26f: {  	v31 =	vadd.s32 $0x1500, v1;
	[tilespmem:s12+$0x0] =	vst v15  }
0x270: {  	v30 =	vld.idx.msk [tilespmem:v18+s6+$0x0], $0xffff;
	[tilespmem:s19+$0x0] =	vst v16;
	s10 =	sadd.s32 s29, s10;
	v34 =	vshll.u32 v11, $0x10;
	s7 =	sadd.s32 s30, s9  }
0x271: {  	s24 =	sld [smem:$0x7DA];
	[tilespmem:s10+$0x0] =	vst v34;
	s14 =	sadd.s32 s30, s14;
	s16 =	sadd.s32 s31, s7;
	v32 =	vshll.u32 v29, $0x10  }
0x272: {  	v8 =	vld.idx.msk [tilespmem:v8+s6+$0x0], $0xffff;
	s17 =	sld [smem:$0x7DB];
	s19 =	sadd.s32 s31, s14;
	v12 =	vand.u32 $0xFFFF0000, v29;
	[tilespmem:s16+$0x0] =	vst v32  }
0x273: {  	v33 =	vadd.s32 $0x1600, v0;
	s4 =	sadd.s32 s29, s21;
	v11 =	vand.u32 $0xFFFF0000, v11;
	[tilespmem:s19+$0x0] =	vst v12  }
0x274: {  	[tilespmem:s4+$0x0] =	vst v11;
	s9 =	sadd.s32 s25, s24;
	v16 =	vld.idx.msk [tilespmem:v31+s6+$0x0], $0xffff  }
0x275: {  	[tilespmem:s15+$0x0] =	vst v14;
	v35 =	vshll.u32 v30, $0x10;
	s10 =	sadd.s32 s25, s17;
	s20 =	sadd.s32 s28, s9;
	s22 =	sld [smem:$0x7DA]  }
0x276: {  	v36 =	vand.u32 $0xFFFF0000, v30;
	s21 =	sadd.s32 s28, s10;
	v38 =	vld.idx.msk [tilespmem:v13+s6+$0x0], $0xffff;
	[tilespmem:s20+$0x0] =	vst v35;
	s23 =	sld [smem:$0x7DB]  }
0x277: {  	v39 =	vadd.s32 $0x1600, v1;
	v37 =	vshll.u32 v8, $0x10;
	[tilespmem:s21+$0x0] =	vst v36  }
0x278: {  	v8 =	vand.u32 $0xFFFF0000, v8;
	[tilespmem:s13+$0x0] =	vst v37;
	v12 =	vld.idx.msk [tilespmem:v33+s6+$0x0], $0xffff;
	s13 =	sadd.s32 s30, s22  }
0x279: {  	s24 =	sld [smem:$0x7DF];
	[tilespmem:s3+$0x0] =	vst v8;
	s3 =	sadd.s32 s30, s23;
	s16 =	sadd.s32 s31, s13;
	v40 =	vshll.u32 v16, $0x10  }
0x27a: {  	v7 =	vld.idx.msk [tilespmem:v7+s6+$0x0], $0xffff;
	s17 =	sld [smem:$0x7E0];
	s19 =	sadd.s32 s31, s3;
	v41 =	vand.u32 $0xFFFF0000, v16;
	[tilespmem:s16+$0x0] =	vst v40  }
0x27b: {  	s7 =	sadd.s32 s29, s7;
	v42 =	vshll.u32 v38, $0x10;
	[tilespmem:s19+$0x0] =	vst v41  }
0x27c: {  	s21 =	sadd.s32 s29, s14;
	v44 =	vand.u32 $0xFFFF0000, v38;
	[tilespmem:s7+$0x0] =	vst v42;
	s4 =	sadd.s32 s25, s24;
	v45 =	vld.idx.msk [tilespmem:v39+s6+$0x0], $0xffff  }
0x27d: {  	s20 =	sadd.s32 s28, s4;
	s12 =	sadd.s32 s25, s17;
	v43 =	vshll.u32 v12, $0x10;
	s22 =	sld [smem:$0x7DF];
	[tilespmem:s21+$0x0] =	vst v44  }
0x27e: {  	v12 =	vand.u32 $0xFFFF0000, v12;
	s23 =	sadd.s32 s28, s12;
	[tilespmem:s20+$0x0] =	vst v43;
	v10 =	vld.idx.msk [tilespmem:v10+s6+$0x0], $0xffff;
	s24 =	sld [smem:$0x7E0]  }
0x27f: {  	s9 =	sadd.s32 s26, s9;
	v46 =	vshll.u32 v7, $0x10;
	[tilespmem:s23+$0x0] =	vst v12  }
0x280: {  	v7 =	vand.u32 $0xFFFF0000, v7;
	[tilespmem:s9+$0x0] =	vst v46;
	s16 =	sadd.s32 s26, s10;
	s14 =	sadd.s32 s30, s22  }
0x281: {  	s17 =	sld [smem:$0x7E4];
	[tilespmem:s16+$0x0] =	vst v7;
	s7 =	sadd.s32 s30, s24;
	s19 =	sadd.s32 s31, s14;
	v47 =	vshll.u32 v45, $0x10  }
0x282: {  	v48 =	vand.u32 $0xFFFF0000, v45;
	s20 =	sadd.s32 s31, s7;
	[tilespmem:s19+$0x0] =	vst v47  }
0x283: {  	s13 =	sadd.s32 s29, s13;
	v5 =	vld.idx.msk [tilespmem:v5+s6+$0x0], $0xffff;
	v49 =	vshll.u32 v10, $0x10;
	[tilespmem:s20+$0x0] =	vst v48  }
0x284: {  	v50 =	vadd.s32 $0x1700, v0;
	s3 =	sadd.s32 s29, s3;
	v51 =	vand.u32 $0xFFFF0000, v10;
	[tilespmem:s13+$0x0] =	vst v49  }
0x285: {  	v3 =	vld.idx.msk [tilespmem:v3+s6+$0x0], $0xffff;
	s9 =	sld [smem:$0x7E4];
	[tilespmem:s3+$0x0] =	vst v51  }
0x286: {  	v6 =	vld.idx.msk [tilespmem:v6+s6+$0x0], $0xffff  }
0x287: {  	v53 =	vadd.s32 $0x1700, v1  }
0x288: {  	[tilespmem:s11+$0x0] =	vst v4;
	s21 =	sadd.s32 s26, s4;
	v52 =	vshll.u32 v5, $0x10  }
0x289: {  	v0 =	vld.idx.msk [tilespmem:v50+s6+$0x0], $0xffff;
	s22 =	sadd.s32 s26, s12;
	v5 =	vand.u32 $0xFFFF0000, v5;
	[tilespmem:s21+$0x0] =	vst v52  }
0x28a: {  	v54 =	vshll.u32 v3, $0x10;
	[tilespmem:s22+$0x0] =	vst v5  }
0x28b: {  	[tilespmem:s2+$0x0] =	vst v54;
	s23 =	sadd.s32 s29, s14;
	v2 =	vld.idx.msk [tilespmem:v2+s6+$0x0], $0xffff;
	v55 =	vshll.u32 v6, $0x10  }
0x28c: {  	s24 =	sadd.s32 s29, s7;
	v1 =	vld.idx.msk [tilespmem:v53+s6+$0x0], $0xffff;
	v56 =	vand.u32 $0xFFFF0000, v6;
	[tilespmem:s23+$0x0] =	vst v55  }
0x28d: {  	v3 =	vand.u32 $0xFFFF0000, v3;
	s25 =	sadd.s32 s25, s17;
	[tilespmem:s24+$0x0] =	vst v56  }
0x28e: {  	[tilespmem:s1+$0x0] =	vst v3;
	s28 =	sadd.s32 s28, s25;
	v57 =	vand.u32 $0xFFFF0000, v0;
	v58 =	vld.idx.msk [tilespmem:v9+s6+$0x0], $0xffff  }
0x28f: {  	v0 =	vshll.u32 v0, $0x10;
	[tilespmem:s28+$0x0] =	vst v57  }
0x290: {  	[tilespmem:s5+$0x0] =	vst v0;
	s30 =	sadd.s32 s30, s9;
	v59 =	vshll.u32 v2, $0x10  }
0x291: {  	s31 =	sadd.s32 s31, s30;
	v60 =	vand.u32 $0xFFFF0000, v1;
	[tilespmem:s0+$0x0] =	vst v59  }
0x292: {  	s1 =	sadd.s32 s26, s25;
	v2 =	vand.u32 $0xFFFF0000, v2;
	[tilespmem:s31+$0x0] =	vst v60  }
0x293: {  	[tilespmem:s1+$0x0] =	vst v2;
	v61 =	vshll.u32 v58, $0x10  }
0x294: {  	[tilespmem:s8+$0x0] =	vst v61  }
0x295: {  	s1 =	sld [smem:$0x7D9];
	_ =	sdelay $0x2  }
0x296: {  	s1 =	sadd.s32 $0x1, s1  }
0x297: {  	p0 =	sne.s32 s1, $0x8  }
.Ltmp7:
0x298: {  	_ = 	snop;
	(pc) =	sbr.rel @p0 .LBB2_14-.Ltmp7, $4  }
0x299: {  	_ = 	snop  }
0x29a: {  	s0 =	sadd.s32 s29, s30;
	v62 =	vand.u32 $0xFFFF0000, v58  }
0x29b: {  	v63 =	vshll.u32 v1, $0x10;
	[tilespmem:s0+$0x0] =	vst v62  }
0x29c: {  	[tilespmem:s18+$0x0] =	vst v63  }
0x29d: {  	s3 =	sld [smem:$0x7EC]  }
0x29e: {  	s0 =	simm.s32 $0x800;
	s29 =	sld [smem:$0x7EB]  }
0x29f: {  	s1 =	simm.s32 $0xE000;
	s2 =	simm.s32 $0x3000;
	s30 =	simm.s32 $0x2  }
0x2a0: {  	[hbm4b:s3+s0] =	stream.strided.scatter [tilespmem:s2], [sflag:$0x1], $0x8000, s1, s0, $0x38;
	[tilespmem:$0x13000] =	vst v63  }
0x2a1: {  	s0 =	sadd.s32 $0x2A0000, s29;
	_ =	swait.ge [sflag:s30], $0x8000  }
0x2a2: {  	s0 =	sshrl.u32 s0, $0x3;
	s31 =	rddreg [dreg:$0x2]  }
0x2a3: {  	[sflag:s30] =	ssyncset.done $0x0;
	s0 =	sadd.s32 s31, s0  }
0x2a4: {  	s1 =	simm.s32 $0x0;
	[sflag:s30] =	ssyncadd.s32 $0xFFFF8000;
	[smem:$0x7D8] =	sst s0  }
.LBB2_18:
0x2a5: {  	[smem:$0x7C6] =	sst s1;
	s0 =	sshll.u32 s1, $0x7  }
0x2a6: {  	s15 =	sld [smem:$0x7F8];
	s16 =	sadd.s32 $0xB000, s0  }
0x2a7: {  	s17 =	sadd.s32 $0xB800, s0;
	[smem:$0x7D2] =	sst s16  }
0x2a8: {  	s18 =	sadd.s32 $0xC000, s0;
	[smem:$0x7D3] =	sst s17  }
0x2a9: {  	s19 =	sadd.s32 $0xC800, s0;
	[smem:$0x7D6] =	sst s18  }
0x2aa: {  	s20 =	sadd.s32 $0xD000, s0;
	[smem:$0x7D7] =	sst s19  }
0x2ab: {  	s21 =	sadd.s32 $0xD800, s0;
	[smem:$0x7CA] =	sst s20  }
0x2ac: {  	s22 =	sadd.s32 $0xE000, s0;
	[smem:$0x7CB] =	sst s21  }
0x2ad: {  	s23 =	sadd.s32 $0xE800, s0;
	[smem:$0x7CE] =	sst s22  }
0x2ae: {  	s24 =	sadd.s32 $0xF000, s0;
	[smem:$0x7CF] =	sst s23  }
0x2af: {  	s25 =	sadd.s32 $0xF800, s0;
	[smem:$0x7D4] =	sst s24  }
0x2b0: {  	s26 =	sadd.s32 $0x10000, s0;
	[smem:$0x7D5] =	sst s25  }
0x2b1: {  	s31 =	sadd.s32 $0x10800, s0;
	[smem:$0x7C7] =	sst s26  }
0x2b2: {  	s2 =	sadd.s32 $0x11000, s0;
	[smem:$0x7C8] =	sst s31  }
0x2b3: {  	[smem:$0x7CC] =	sst s2;
	s1 =	sadd.s32 s0, s15  }
0x2b4: {  	[smem:$0x7C9] =	sst s1  }
0x2b5: {  	s3 =	sadd.s32 $0x11800, s0;
	s2 =	sld [smem:$0x7C9]  }
0x2b6: {  	s4 =	sadd.s32 $0x12000, s0;
	[smem:$0x7CD] =	sst s3;
	s3 =	simm.s32 $0x0  }
0x2b7: {  	[smem:$0x7D0] =	sst s4;
	s15 =	sand.u32 $0x400, s3;
	s1 =	sand.u32 $0x60, s3  }
0x2b8: {  	s0 =	sadd.s32 $0x12800, s0;
	s12 =	sor.u32 $0x10, s1;
	s2 =	sadd.s32 s15, s2  }
0x2b9: {  	[smem:$0x7D1] =	sst s0;
	s5 =	sadd.s32 s12, s2  }
0x2ba: {  	v3 =	vld [tilespmem:s5+$0x0]  }
0x2bb: {  	s7 =	sadd.s32 s1, s2  }
0x2bc: {  	v2 =	vld [tilespmem:s7+$0x0];
	_ =	sdelay $0x2  }
0x2bd: {  	v0 =	vadd.s32 $0x1800, v3;
	_ =	sdelay $0x1  }
0x2be: {  	v1 =	vadd.s32 $0x1800, v2;
	_ =	sdelay $0x2  }
0x2bf: {  	v0 =	vld.idx.msk [tilespmem:v0+s6+$0x0], $0xffff  }
0x2c0: {  	s8 =	sld [smem:$0x7D2]  }
0x2c1: {  	s9 =	sld [smem:$0x7D3];
	v1 =	vld.idx.msk [tilespmem:v1+s6+$0x0], $0xffff;
	_ =	sdelay $0x1  }
0x2c2: {  	s3 =	sadd.s32 s15, s8;
	v4 =	vadd.s32 $0x1900, v3  }
0x2c3: {  	s4 =	sadd.s32 s12, s3;
	s2 =	sadd.s32 s15, s9;
	v5 =	vshll.u32 v0, $0x10  }
0x2c4: {  	s0 =	sld [smem:$0x7D0];
	s10 =	sadd.s32 s12, s2;
	v6 =	vadd.s32 $0x1900, v2;
	v0 =	vand.u32 $0xFFFF0000, v0;
	[tilespmem:s4+$0x0] =	vst v5  }
0x2c5: {  	s3 =	sadd.s32 s1, s3;
	v5 =	vshll.u32 v1, $0x10;
	[tilespmem:s10+$0x0] =	vst v0  }
0x2c6: {  	s2 =	sadd.s32 s1, s2;
	v0 =	vand.u32 $0xFFFF0000, v1;
	[tilespmem:s3+$0x0] =	vst v5  }
0x2c7: {  	v1 =	vld.idx.msk [tilespmem:v4+s6+$0x0], $0xffff;
	[tilespmem:s2+$0x0] =	vst v0  }
0x2c8: {  	s2 =	sld [smem:$0x7D6]  }
0x2c9: {  	v4 =	vld.idx.msk [tilespmem:v6+s6+$0x0], $0xffff;
	s3 =	sld [smem:$0x7D7]  }
0x2ca: {  	v0 =	vadd.s32 $0x1A00, v3  }
0x2cb: {  	s2 =	sadd.s32 s15, s2  }
0x2cc: {  	s5 =	sld [smem:$0x7C9];
	s3 =	sadd.s32 s15, s3;
	v5 =	vshll.u32 v1, $0x10;
	s11 =	sadd.s32 s12, s2  }
0x2cd: {  	s8 =	simm.s32 $0x100;
	v1 =	vand.u32 $0xFFFF0000, v1;
	s13 =	sadd.s32 s12, s3;
	[tilespmem:s11+$0x0] =	vst v5  }
0x2ce: {  	s24 =	sand.u32 $0x400, s8;
	s7 =	simm.s32 $0x20;
	s2 =	sadd.s32 s1, s2;
	v5 =	vshll.u32 v4, $0x10;
	[tilespmem:s13+$0x0] =	vst v1  }
0x2cf: {  	s25 =	sand.u32 $0x60, s7;
	s14 =	sadd.s32 s24, s5;
	[tilespmem:s2+$0x0] =	vst v5;
	v1 =	vld.idx.msk [tilespmem:v0+s6+$0x0], $0xffff  }
0x2d0: {  	s26 =	sor.u32 $0x10, s25;
	s2 =	sadd.s32 s25, s14;
	s17 =	sld [smem:$0x7CA]  }
0x2d1: {  	s16 =	sadd.s32 s26, s14;
	v7 =	vand.u32 $0xFFFF0000, v4;
	v5 =	vadd.s32 $0x1A00, v2;
	s18 =	sld [smem:$0x7CB];
	v4 =	vld [tilespmem:s2+$0x0]  }
0x2d2: {  	v6 =	vadd.s32 $0x1B00, v3;
	v0 =	vld [tilespmem:s16+$0x0]  }
0x2d3: {  	s3 =	sadd.s32 s1, s3;
	s19 =	sadd.s32 s15, s17  }
0x2d4: {  	[tilespmem:s3+$0x0] =	vst v7;
	s20 =	sadd.s32 s15, s18;
	s21 =	sadd.s32 s12, s19;
	v7 =	vshll.u32 v1, $0x10  }
0x2d5: {  	s22 =	sadd.s32 s12, s20;
	v1 =	vand.u32 $0xFFFF0000, v1;
	[tilespmem:s21+$0x0] =	vst v7  }
0x2d6: {  	v5 =	vld.idx.msk [tilespmem:v5+s6+$0x0], $0xffff;
	v7 =	vadd.s32 $0x1800, v4;
	[tilespmem:s22+$0x0] =	vst v1  }
0x2d7: {  	v1 =	vadd.s32 $0x1800, v0;
	v6 =	vld.idx.msk [tilespmem:v6+s6+$0x0], $0xffff  }
0x2d8: {  	s4 =	sld [smem:$0x7CE]  }
0x2d9: {  	s23 =	sld [smem:$0x7CF]  }
0x2da: {  	v8 =	vadd.s32 $0x1C00, v3  }
0x2db: {  	v10 =	vadd.s32 $0x1B00, v2;
	s2 =	sadd.s32 s1, s19;
	v9 =	vshll.u32 v5, $0x10;
	s4 =	sadd.s32 s15, s4;
	v7 =	vld.idx.msk [tilespmem:v7+s6+$0x0], $0xffff  }
0x2dc: {  	s10 =	sld [smem:$0x7D2];
	[tilespmem:s2+$0x0] =	vst v9;
	s31 =	sadd.s32 s15, s23;
	v1 =	vld.idx.msk [tilespmem:v1+s6+$0x0], $0xffff;
	s9 =	sadd.s32 s12, s4;
	v9 =	vshll.u32 v6, $0x10  }
0x2dd: {  	s11 =	sadd.s32 s12, s31;
	v6 =	vand.u32 $0xFFFF0000, v6;
	[tilespmem:s9+$0x0] =	vst v9  }
0x2de: {  	s13 =	sld [smem:$0x7D3];
	v5 =	vand.u32 $0xFFFF0000, v5;
	s9 =	sadd.s32 s1, s20;
	[tilespmem:s11+$0x0] =	vst v6  }
0x2df: {  	s14 =	sadd.s32 s24, s10;
	s3 =	sld [smem:$0x7D0];
	[tilespmem:s9+$0x0] =	vst v5;
	v6 =	vadd.s32 $0x1900, v0;
	v5 =	vld.idx.msk [tilespmem:v8+s6+$0x0], $0xffff  }
0x2e0: {  	s5 =	sadd.s32 s25, s14;
	s9 =	sld [smem:$0x7D4];
	v9 =	vld.idx.msk [tilespmem:v10+s6+$0x0], $0xffff;
	v10 =	vshll.u32 v7, $0x10  }
0x2e1: {  	s16 =	sadd.s32 s24, s13;
	s17 =	sadd.s32 s26, s14;
	s10 =	sld [smem:$0x7D5];
	v8 =	vshll.u32 v1, $0x10;
	[tilespmem:s5+$0x0] =	vst v10  }
0x2e2: {  	s18 =	sadd.s32 s26, s16;
	v1 =	vand.u32 $0xFFFF0000, v1;
	[tilespmem:s17+$0x0] =	vst v8;
	v8 =	vadd.s32 $0x1900, v4  }
0x2e3: {  	s7 =	sadd.s32 s25, s16;
	[tilespmem:s18+$0x0] =	vst v1;
	v1 =	vand.u32 $0xFFFF0000, v7;
	v7 =	vadd.s32 $0x1D00, v3;
	s5 =	sadd.s32 s15, s9  }
0x2e4: {  	[tilespmem:s7+$0x0] =	vst v1;
	s7 =	sadd.s32 s15, s10;
	s19 =	sadd.s32 s12, s5;
	v6 =	vld.idx.msk [tilespmem:v6+s6+$0x0], $0xffff;
	v1 =	vshll.u32 v5, $0x10  }
0x2e5: {  	v10 =	vadd.s32 $0x1C00, v2;
	s20 =	sld [smem:$0x7D6];
	v5 =	vand.u32 $0xFFFF0000, v5;
	s21 =	sadd.s32 s12, s7;
	[tilespmem:s19+$0x0] =	vst v1  }
0x2e6: {  	s4 =	sadd.s32 s1, s4;
	s22 =	sld [smem:$0x7D7];
	v1 =	vshll.u32 v9, $0x10;
	[tilespmem:s21+$0x0] =	vst v5  }
0x2e7: {  	s2 =	sadd.s32 s1, s31;
	v5 =	vand.u32 $0xFFFF0000, v9;
	v8 =	vld.idx.msk [tilespmem:v8+s6+$0x0], $0xffff;
	[tilespmem:s4+$0x0] =	vst v1  }
0x2e8: {  	s13 =	sld [smem:$0x7C9];
	s9 =	simm.s32 $0x40;
	v1 =	vld.idx.msk [tilespmem:v7+s6+$0x0], $0xffff;
	[tilespmem:s2+$0x0] =	vst v5;
	v5 =	vadd.s32 $0x1A00, v0;
	s23 =	sadd.s32 s24, s20  }
0x2e9: {  	s31 =	sadd.s32 s24, s22;
	s4 =	sld [smem:$0x7C7];
	v7 =	vshll.u32 v6, $0x10;
	s14 =	sadd.s32 s26, s23  }
0x2ea: {  	s10 =	simm.s32 $0x200;
	v9 =	vld.idx.msk [tilespmem:v10+s6+$0x0], $0xffff;
	s11 =	sld [smem:$0x7C8];
	v6 =	vand.u32 $0xFFFF0000, v6;
	s16 =	sadd.s32 s26, s31;
	[tilespmem:s14+$0x0] =	vst v7  }
0x2eb: {  	s28 =	sand.u32 $0x60, s9;
	s29 =	sand.u32 $0x400, s10;
	[tilespmem:s16+$0x0] =	vst v6;
	v6 =	vadd.s32 $0x1E00, v3  }
0x2ec: {  	s30 =	sor.u32 $0x10, s28;
	s2 =	sadd.s32 s25, s23;
	v7 =	vshll.u32 v8, $0x10;
	s14 =	sadd.s32 s15, s4  }
0x2ed: {  	s18 =	sadd.s32 s29, s13;
	v10 =	vadd.s32 $0x1D00, v2;
	s4 =	sadd.s32 s15, s11;
	[tilespmem:s2+$0x0] =	vst v7;
	v7 =	vshll.u32 v1, $0x10;
	s17 =	sadd.s32 s12, s14;
	v5 =	vld.idx.msk [tilespmem:v5+s6+$0x0], $0xffff  }
0x2ee: {  	s13 =	sadd.s32 s30, s18;
	v1 =	vand.u32 $0xFFFF0000, v1;
	s19 =	sadd.s32 s12, s4;
	[tilespmem:s17+$0x0] =	vst v7;
	v7 =	vadd.s32 $0x1A00, v4;
	s16 =	sld [smem:$0x7CA]  }
0x2ef: {  	s5 =	sadd.s32 s1, s5;
	v11 =	vshll.u32 v9, $0x10;
	s20 =	sld [smem:$0x7CB];
	[tilespmem:s19+$0x0] =	vst v1;
	v1 =	vld [tilespmem:s13+$0x0]  }
0x2f0: {  	s21 =	sadd.s32 s1, s7;
	s22 =	sadd.s32 s28, s18;
	v9 =	vand.u32 $0xFFFF0000, v9;
	[tilespmem:s5+$0x0] =	vst v11;
	v11 =	vadd.s32 $0x1B00, v0;
	v6 =	vld.idx.msk [tilespmem:v6+s6+$0x0], $0xffff  }
0x2f1: {  	s8 =	sadd.s32 s25, s31;
	v14 =	vld [tilespmem:s22+$0x0];
	v8 =	vand.u32 $0xFFFF0000, v8;
	s23 =	sld [smem:$0x7CC];
	[tilespmem:s21+$0x0] =	vst v9;
	s16 =	sadd.s32 s24, s16  }
0x2f2: {  	[tilespmem:s8+$0x0] =	vst v8;
	s31 =	sadd.s32 s24, s20;
	v9 =	vld.idx.msk [tilespmem:v10+s6+$0x0], $0xffff;
	s5 =	sld [smem:$0x7CD];
	v8 =	vshll.u32 v5, $0x10;
	s18 =	sadd.s32 s26, s16  }
0x2f3: {  	v5 =	vand.u32 $0xFFFF0000, v5;
	s19 =	sadd.s32 s26, s31;
	v7 =	vld.idx.msk [tilespmem:v7+s6+$0x0], $0xffff;
	[tilespmem:s18+$0x0] =	vst v8  }
0x2f4: {  	v3 =	vadd.s32 $0x1F00, v3;
	s7 =	sadd.s32 s15, s23;
	[tilespmem:s19+$0x0] =	vst v5  }
0x2f5: {  	v5 =	vadd.s32 $0x1800, v1;
	s13 =	sadd.s32 s15, s5;
	s20 =	sadd.s32 s12, s7;
	v8 =	vld.idx.msk [tilespmem:v11+s6+$0x0], $0xffff;
	v10 =	vshll.u32 v6, $0x10  }
0x2f6: {  	s17 =	sld [smem:$0x7CE];
	v6 =	vand.u32 $0xFFFF0000, v6;
	s5 =	sadd.s32 s12, s13;
	[tilespmem:s20+$0x0] =	vst v10  }
0x2f7: {  	s0 =	sadd.s32 s15, s0;
	s14 =	sadd.s32 s1, s14;
	v11 =	vadd.s32 $0x1800, v14;
	s18 =	sld [smem:$0x7CF];
	[tilespmem:s5+$0x0] =	vst v6;
	v6 =	vshll.u32 v9, $0x10  }
0x2f8: {  	s3 =	sadd.s32 s24, s3;
	v12 =	vadd.s32 $0x1C00, v0;
	s11 =	sadd.s32 s12, s0;
	s16 =	sadd.s32 s25, s16;
	v10 =	vshll.u32 v7, $0x10;
	[tilespmem:s14+$0x0] =	vst v6  }
0x2f9: {  	s21 =	sld [smem:$0x7D0];
	s8 =	sadd.s32 s25, s31;
	v15 =	vld.idx.msk [tilespmem:v3+s6+$0x0], $0xffff;
	v3 =	vand.u32 $0xFFFF0000, v7;
	s14 =	sadd.s32 s24, s17;
	[tilespmem:s16+$0x0] =	vst v10  }
0x2fa: {  	v6 =	vadd.s32 $0x1B00, v4;
	s17 =	sadd.s32 s24, s18;
	v10 =	vld.idx.msk [tilespmem:v5+s6+$0x0], $0xffff;
	s22 =	sld [smem:$0x7D1];
	s23 =	sadd.s32 s26, s14;
	[tilespmem:s8+$0x0] =	vst v3;
	v3 =	vshll.u32 v8, $0x10  }
0x2fb: {  	v13 =	vadd.s32 $0x1E00, v2;
	s2 =	sadd.s32 s1, s0;
	s31 =	sld [smem:$0x7D2];
	s19 =	sadd.s32 s26, s17;
	v5 =	vand.u32 $0xFFFF0000, v8;
	[tilespmem:s23+$0x0] =	vst v3  }
0x2fc: {  	s0 =	sadd.s32 s25, s3;
	s4 =	sadd.s32 s1, s4;
	v21 =	vadd.s32 $0x1900, v14;
	v20 =	vadd.s32 $0x1900, v1;
	s20 =	sld [smem:$0x7D3];
	v7 =	vadd.s32 $0x1D00, v4;
	v16 =	vld.idx.msk [tilespmem:v11+s6+$0x0], $0xffff;
	[tilespmem:s19+$0x0] =	vst v5  }
0x2fd: {  	s5 =	sadd.s32 s26, s3;
	s3 =	sadd.s32 s29, s21;
	v8 =	vadd.s32 $0x1C00, v4;
	v3 =	vadd.s32 $0x1F00, v2;
	v2 =	vand.u32 $0xFFFF0000, v9;
	s21 =	sadd.s32 s15, s22;
	v18 =	vld.idx.msk [tilespmem:v12+s6+$0x0], $0xffff  }
0x2fe: {  	v11 =	vadd.s32 $0x1B00, v14;
	v5 =	vadd.s32 $0x1E00, v4;
	[tilespmem:s4+$0x0] =	vst v2;
	s19 =	sadd.s32 s29, s31;
	v9 =	vand.u32 $0xFFFF0000, v15;
	s12 =	sadd.s32 s12, s21  }
0x2ff: {  	s20 =	sadd.s32 s29, s20;
	v2 =	vadd.s32 $0x1F00, v4;
	v19 =	vld.idx.msk [tilespmem:v6+s6+$0x0], $0xffff;
	s22 =	sadd.s32 s30, s19;
	v12 =	vadd.s32 $0x1A00, v14;
	v4 =	vshll.u32 v10, $0x10;
	[tilespmem:s12+$0x0] =	vst v9  }
0x300: {  	s18 =	sadd.s32 s30, s3;
	s23 =	sld [smem:$0x7D4];
	v22 =	vld.idx.msk [tilespmem:v13+s6+$0x0], $0xffff;
	v13 =	vadd.s32 $0x1C00, v14;
	v6 =	vand.u32 $0xFFFF0000, v10;
	s12 =	sadd.s32 s30, s20;
	v10 =	vadd.s32 $0x1D00, v14;
	[tilespmem:s22+$0x0] =	vst v4  }
0x301: {  	s16 =	simm.s32 $0x4;
	s8 =	sadd.s32 s28, s3;
	s31 =	sld [smem:$0x7D5];
	v9 =	vadd.s32 $0x1F00, v14;
	v4 =	vshll.u32 v16, $0x10;
	[tilespmem:s12+$0x0] =	vst v6;
	v6 =	vadd.s32 $0x1E00, v14  }
0x302: {  	s15 =	sadd.s32 s1, s13;
	s13 =	sadd.s32 s28, s19;
	s12 =	sadd.s32 s1, s7;
	v14 =	vshll.u32 v18, $0x10;
	v23 =	vand.u32 $0xFFFF0000, v18;
	v18 =	vadd.s32 $0x1D00, v0  }
0x303: {  	v16 =	vand.u32 $0xFFFF0000, v16;
	[tilespmem:s13+$0x0] =	vst v4;
	s7 =	sadd.s32 s25, s14;
	s14 =	sadd.s32 s28, s20;
	s20 =	sadd.s32 s24, s23  }
0x304: {  	s19 =	sadd.s32 s25, s17;
	s22 =	sadd.s32 s24, s31;
	[tilespmem:s14+$0x0] =	vst v16;
	s23 =	sadd.s32 s26, s20;
	v17 =	vshll.u32 v19, $0x10;
	v16 =	vand.u32 $0xFFFF0000, v19;
	v19 =	vld.idx.msk [tilespmem:v20+s6+$0x0], $0xffff  }
0x305: {  	s1 =	sadd.s32 s1, s21;
	s31 =	sadd.s32 s26, s22;
	s14 =	sld [smem:$0x7D6];
	[tilespmem:s23+$0x0] =	vst v14  }
0x306: {  	v4 =	vshll.u32 v15, $0x10;
	s13 =	sadd.s32 s25, s20;
	s3 =	sadd.s32 s25, s22;
	v20 =	vld.idx.msk [tilespmem:v21+s6+$0x0], $0xffff;
	v15 =	vshll.u32 v22, $0x10;
	s21 =	sld [smem:$0x7D7];
	v14 =	vand.u32 $0xFFFF0000, v22;
	[tilespmem:s31+$0x0] =	vst v23  }
.LBB2_19:
0x307: {  	s20 =	sld [smem:$0x7D0];
	v21 =	vadd.s32 $0x1A00, v1;
	[tilespmem:s7+$0x0] =	vst v17;
	v17 =	vld.idx.msk [tilespmem:v18+s6+$0x0], $0xffff;
	s17 =	smov.u32 s5;
	s5 =	smov.u32 s18  }
0x308: {  	s4 =	sadd.s32 s29, s14;
	[tilespmem:s19+$0x0] =	vst v16;
	s7 =	sld [smem:$0x7C7]  }
0x309: {  	v16 =	vshll.u32 v19, $0x10;
	s18 =	sadd.s32 s29, s21;
	s14 =	sadd.s32 s30, s4;
	v18 =	vld.idx.msk [tilespmem:v8+s6+$0x0], $0xffff;
	s19 =	sld [smem:$0x7C8];
	[tilespmem:s12+$0x0] =	vst v15;
	v8 =	vmov v13  }
0x30a: {  	s9 =	sadd.s32 $0x20, s9;
	v13 =	vand.u32 $0xFFFF0000, v19;
	s12 =	sld [smem:$0x7C9];
	[tilespmem:s14+$0x0] =	vst v16;
	s21 =	sadd.s32 s30, s18  }
0x30b: {  	s10 =	sadd.s32 $0x100, s10;
	s22 =	sadd.s32 s28, s4;
	s14 =	sand.u32 $0x60, s9;
	v15 =	vshll.u32 v20, $0x10;
	v16 =	vand.u32 $0xFFFF0000, v20;
	[tilespmem:s21+$0x0] =	vst v13;
	v13 =	vadd.s32 $0x1E00, v0  }
0x30c: {  	s31 =	sand.u32 $0x400, s10;
	s4 =	sor.u32 $0x10, s14;
	s7 =	sadd.s32 s24, s7;
	[tilespmem:s22+$0x0] =	vst v15;
	v15 =	vld.idx.msk [tilespmem:v21+s6+$0x0], $0xffff  }
0x30d: {  	s19 =	sadd.s32 s24, s19;
	v19 =	vshll.u32 v17, $0x10;
	s21 =	sadd.s32 s26, s7;
	s12 =	sadd.s32 s31, s12;
	[tilespmem:s15+$0x0] =	vst v14  }
0x30e: {  	v14 =	vand.u32 $0xFFFF0000, v17;
	s15 =	sadd.s32 s4, s12;
	s22 =	sld [smem:$0x7CA];
	[tilespmem:s21+$0x0] =	vst v19;
	s21 =	sadd.s32 s26, s19;
	v17 =	vld.idx.msk [tilespmem:v3+s6+$0x0], $0xffff;
	v3 =	vmov v2;
	v2 =	vmov v9  }
0x30f: {  	s12 =	sadd.s32 s14, s12;
	v19 =	vshll.u32 v18, $0x10;
	v18 =	vand.u32 $0xFFFF0000, v18;
	v9 =	vld [tilespmem:s15+$0x0];
	s15 =	sadd.s32 s28, s18;
	s18 =	sld [smem:$0x7CB];
	[tilespmem:s21+$0x0] =	vst v14  }
0x310: {  	s20 =	sadd.s32 s31, s20;
	s7 =	sadd.s32 s25, s7;
	v14 =	vadd.s32 $0x1B00, v1;
	s21 =	sadd.s32 s25, s19;
	[tilespmem:s15+$0x0] =	vst v16;
	v13 =	vld.idx.msk [tilespmem:v13+s6+$0x0], $0xffff  }
0x311: {  	s19 =	sadd.s32 s14, s20;
	v16 =	vld [tilespmem:s12+$0x0];
	s12 =	sadd.s32 s29, s22;
	[tilespmem:s13+$0x0] =	vst v19;
	s13 =	sld [smem:$0x7CC]  }
0x312: {  	s16 =	sadd.s32 $0x2, s16;
	v19 =	vld.idx.msk [tilespmem:v12+s6+$0x0], $0xffff;
	s15 =	sadd.s32 s29, s18;
	v12 =	vshll.u32 v15, $0x10;
	s18 =	sadd.s32 s30, s12;
	[tilespmem:s3+$0x0] =	vst v18  }
0x313: {  	p0 =	slt.u32 s16, $0xC;
	v15 =	vand.u32 $0xFFFF0000, v15;
	[tilespmem:s18+$0x0] =	vst v12;
	s3 =	sadd.s32 s30, s15;
	v18 =	vld.idx.msk [tilespmem:v7+s6+$0x0], $0xffff;
	s22 =	sld [smem:$0x7CD];
	v7 =	vmov v10  }
0x314: {  	s18 =	sadd.s32 s4, s20;
	s20 =	sadd.s32 s28, s12;
	s23 =	sadd.s32 s28, s15;
	v10 =	vshll.u32 v17, $0x10;
	v12 =	vand.u32 $0xFFFF0000, v17;
	[tilespmem:s3+$0x0] =	vst v15;
	v15 =	vadd.s32 $0x1F00, v0;
	v0 =	vmovc v1;
	v1 =	vmovc v9  }
0x315: {  	s3 =	sadd.s32 s24, s13;
	v17 =	vadd.s32 $0x1800, v1;
	v14 =	vld.idx.msk [tilespmem:v14+s6+$0x0], $0xffff;
	[tilespmem:s2+$0x0] =	vst v10;
	s2 =	smov.u32 s0;
	s0 =	smov.u32 s8  }
0x316: {  	s12 =	sadd.s32 s25, s3;
	v9 =	vshll.u32 v13, $0x10;
	s3 =	sadd.s32 s26, s3;
	v20 =	vadd.s32 $0x1800, v16;
	v21 =	vadd.s32 $0x1900, v16;
	s8 =	sadd.s32 s24, s22;
	[tilespmem:s1+$0x0] =	vst v12  }
0x317: {  	v10 =	vand.u32 $0xFFFF0000, v13;
	v12 =	vadd.s32 $0x1A00, v16;
	v22 =	vadd.s32 $0x1B00, v16;
	s1 =	sld [smem:$0x7CE];
	s15 =	sadd.s32 s25, s8;
	[tilespmem:s3+$0x0] =	vst v9;
	s3 =	sadd.s32 s26, s8  }
0x318: {  	v13 =	vadd.s32 $0x1C00, v16;
	v9 =	vshll.u32 v19, $0x10;
	v19 =	vand.u32 $0xFFFF0000, v19;
	s8 =	smov.u32 s19;
	s13 =	sld [smem:$0x7CF];
	[tilespmem:s3+$0x0] =	vst v10  }
0x319: {  	v23 =	vadd.s32 $0x1C00, v0;
	v10 =	vadd.s32 $0x1D00, v16;
	v24 =	vshll.u32 v18, $0x10;
	[tilespmem:s20+$0x0] =	vst v9;
	v15 =	vld.idx.msk [tilespmem:v15+s6+$0x0], $0xffff  }
0x31a: {  	v25 =	vadd.s32 $0x1E00, v16;
	v9 =	vadd.s32 $0x1F00, v16;
	v16 =	vld.idx.msk [tilespmem:v17+s6+$0x0], $0xffff;
	[tilespmem:s23+$0x0] =	vst v19;
	s1 =	sadd.s32 s29, s1;
	v17 =	vand.u32 $0xFFFF0000, v18  }
0x31b: {  	v19 =	vshll.u32 v14, $0x10;
	v18 =	vld.idx.msk [tilespmem:v20+s6+$0x0], $0xffff;
	s3 =	sadd.s32 s29, s13;
	s13 =	sadd.s32 s30, s1;
	[tilespmem:s7+$0x0] =	vst v24;
	s20 =	sld [smem:$0x7D1]  }
0x31c: {  	v14 =	vand.u32 $0xFFFF0000, v14;
	s7 =	sadd.s32 s28, s1;
	s22 =	sld [smem:$0x7D2];
	v20 =	vld.idx.msk [tilespmem:v11+s6+$0x0], $0xffff;
	[tilespmem:s13+$0x0] =	vst v19;
	s1 =	sadd.s32 s30, s3;
	v11 =	vmov v22  }
0x31d: {  	s19 =	sadd.s32 s28, s3;
	s13 =	sld [smem:$0x7D3];
	[tilespmem:s1+$0x0] =	vst v14  }
0x31e: {  	v14 =	vadd.s32 $0x1900, v1;
	v22 =	vld.idx.msk [tilespmem:v23+s6+$0x0], $0xffff;
	[tilespmem:s21+$0x0] =	vst v17;
	s3 =	sadd.s32 s24, s20;
	s24 =	smov.u32 s29;
	s29 =	smov.u32 s31  }
0x31f: {  	v17 =	vand.u32 $0xFFFF0000, v15;
	s20 =	sadd.s32 s29, s22;
	v23 =	vld.idx.msk [tilespmem:v5+s6+$0x0], $0xffff;
	s1 =	sadd.s32 s25, s3;
	s3 =	sadd.s32 s26, s3;
	[tilespmem:s11+$0x0] =	vst v4;
	v4 =	vshll.u32 v15, $0x10;
	v5 =	vmovc v6;
	v6 =	vmov v25  }
0x320: {  	v15 =	vshll.u32 v16, $0x10;
	s11 =	sadd.s32 s29, s13;
	s13 =	sadd.s32 s4, s20;
	s21 =	sld [smem:$0x7D4];
	[tilespmem:s3+$0x0] =	vst v17  }
0x321: {  	v16 =	vand.u32 $0xFFFF0000, v16;
	v19 =	vshll.u32 v18, $0x10;
	v24 =	vand.u32 $0xFFFF0000, v18;
	s3 =	sadd.s32 s14, s20;
	[tilespmem:s13+$0x0] =	vst v15;
	s13 =	sadd.s32 s4, s11;
	s20 =	sld [smem:$0x7D5]  }
.Ltmp8:
0x322: {  	s25 =	smov.u32 s28;
	v18 =	vadd.s32 $0x1D00, v0;
	s11 =	sadd.s32 s14, s11;
	v17 =	vshll.u32 v20, $0x10;
	[tilespmem:s13+$0x0] =	vst v16;
	v16 =	vand.u32 $0xFFFF0000, v20;
	(pc) =	sbr.rel @p0 .LBB2_19-.Ltmp8, $4  }
0x323: {  	s28 =	smov.u32 s14;
	s26 =	smov.u32 s30;
	[tilespmem:s3+$0x0] =	vst v19;
	v19 =	vld.idx.msk [tilespmem:v14+s6+$0x0], $0xffff;
	s3 =	sadd.s32 s24, s21  }
0x324: {  	v14 =	vshll.u32 v22, $0x10;
	[tilespmem:s11+$0x0] =	vst v24;
	s13 =	sadd.s32 s25, s3;
	s11 =	sadd.s32 s24, s20;
	s20 =	sadd.s32 s26, s3  }
0x325: {  	v15 =	vshll.u32 v23, $0x10;
	v20 =	vld.idx.msk [tilespmem:v21+s6+$0x0], $0xffff;
	s14 =	sld [smem:$0x7D6];
	s3 =	sadd.s32 s25, s11;
	v21 =	vand.u32 $0xFFFF0000, v22;
	[tilespmem:s20+$0x0] =	vst v14;
	s11 =	sadd.s32 s26, s11;
	v14 =	vand.u32 $0xFFFF0000, v23  }
0x326: {  	s30 =	smov.u32 s4;
	s21 =	sld [smem:$0x7D7];
	[tilespmem:s11+$0x0] =	vst v21;
	s11 =	smov.u32 s17  }
0x327: {  	v21 =	vadd.s32 $0x1A00, v1  }
0x328: {  	s4 =	sadd.s32 s29, s14  }
0x329: {  	v22 =	vshll.u32 v19, $0x10;
	s9 =	sadd.s32 s29, s21;
	s10 =	sadd.s32 s30, s4  }
0x32a: {  	v60 =	vand.u32 $0xFFFF0000, v19;
	[tilespmem:s10+$0x0] =	vst v22;
	s23 =	sadd.s32 s30, s9  }
0x32b: {  	s4 =	sadd.s32 s28, s4;
	v61 =	vshll.u32 v20, $0x10;
	[tilespmem:s23+$0x0] =	vst v60  }
0x32c: {  	[tilespmem:s4+$0x0] =	vst v61;
	v62 =	vld.idx.msk [tilespmem:v21+s6+$0x0], $0xffff  }
0x32d: {  	s4 =	sld [smem:$0x7CA]  }
0x32e: {  	s10 =	sld [smem:$0x7CB]  }
0x32f: {  	v63 =	vadd.s32 $0x1B00, v1  }
0x330: {  	v24 =	vand.u32 $0xFFFF0000, v20;
	s9 =	sadd.s32 s28, s9;
	s4 =	sadd.s32 s29, s4  }
0x331: {  	[tilespmem:s9+$0x0] =	vst v24;
	s31 =	sadd.s32 s29, s10;
	s16 =	sadd.s32 s30, s4;
	v25 =	vshll.u32 v62, $0x10  }
0x332: {  	v12 =	vld.idx.msk [tilespmem:v12+s6+$0x0], $0xffff;
	s17 =	sadd.s32 s30, s31;
	v19 =	vand.u32 $0xFFFF0000, v62;
	[tilespmem:s16+$0x0] =	vst v25  }
0x333: {  	[tilespmem:s17+$0x0] =	vst v19  }
0x334: {  	v19 =	vld.idx.msk [tilespmem:v63+s6+$0x0], $0xffff  }
0x335: {  	s10 =	sld [smem:$0x7CE]  }
0x336: {  	s20 =	sld [smem:$0x7CF]  }
0x337: {  	v26 =	vadd.s32 $0x1C00, v1;
	s4 =	sadd.s32 s28, s4;
	v27 =	vshll.u32 v12, $0x10  }
0x338: {  	s9 =	sadd.s32 s28, s31;
	v12 =	vand.u32 $0xFFFF0000, v12;
	[tilespmem:s4+$0x0] =	vst v27;
	s10 =	sadd.s32 s29, s10  }
0x339: {  	[tilespmem:s9+$0x0] =	vst v12;
	s21 =	sadd.s32 s29, s20;
	s22 =	sadd.s32 s30, s10;
	v28 =	vshll.u32 v19, $0x10  }
0x33a: {  	s23 =	sadd.s32 s30, s21;
	v19 =	vand.u32 $0xFFFF0000, v19;
	[tilespmem:s22+$0x0] =	vst v28  }
0x33b: {  	v11 =	vld.idx.msk [tilespmem:v11+s6+$0x0], $0xffff;
	[tilespmem:s23+$0x0] =	vst v19  }
0x33c: {  	v29 =	vld.idx.msk [tilespmem:v26+s6+$0x0], $0xffff  }
0x33d: {  	s9 =	sld [smem:$0x7D4]  }
0x33e: {  	[tilespmem:s7+$0x0] =	vst v17;
	s14 =	sld [smem:$0x7D5]  }
0x33f: {  	v31 =	vadd.s32 $0x1D00, v1;
	[tilespmem:s12+$0x0] =	vst v15  }
0x340: {  	v30 =	vld.idx.msk [tilespmem:v18+s6+$0x0], $0xffff;
	[tilespmem:s19+$0x0] =	vst v16;
	s10 =	sadd.s32 s28, s10;
	v34 =	vshll.u32 v11, $0x10;
	s7 =	sadd.s32 s29, s9  }
0x341: {  	s31 =	sld [smem:$0x7C7];
	[tilespmem:s10+$0x0] =	vst v34;
	s14 =	sadd.s32 s29, s14;
	s16 =	sadd.s32 s30, s7;
	v32 =	vshll.u32 v29, $0x10  }
0x342: {  	v8 =	vld.idx.msk [tilespmem:v8+s6+$0x0], $0xffff;
	s17 =	sld [smem:$0x7C8];
	s19 =	sadd.s32 s30, s14;
	v12 =	vand.u32 $0xFFFF0000, v29;
	[tilespmem:s16+$0x0] =	vst v32  }
0x343: {  	v33 =	vadd.s32 $0x1E00, v0;
	s4 =	sadd.s32 s28, s21;
	v11 =	vand.u32 $0xFFFF0000, v11;
	[tilespmem:s19+$0x0] =	vst v12  }
0x344: {  	[tilespmem:s4+$0x0] =	vst v11;
	s9 =	sadd.s32 s24, s31;
	v16 =	vld.idx.msk [tilespmem:v31+s6+$0x0], $0xffff  }
0x345: {  	[tilespmem:s15+$0x0] =	vst v14;
	v35 =	vshll.u32 v30, $0x10;
	s10 =	sadd.s32 s24, s17;
	s20 =	sadd.s32 s26, s9;
	s22 =	sld [smem:$0x7C7]  }
0x346: {  	v36 =	vand.u32 $0xFFFF0000, v30;
	s21 =	sadd.s32 s26, s10;
	v38 =	vld.idx.msk [tilespmem:v13+s6+$0x0], $0xffff;
	[tilespmem:s20+$0x0] =	vst v35;
	s23 =	sld [smem:$0x7C8]  }
0x347: {  	v39 =	vadd.s32 $0x1E00, v1;
	v37 =	vshll.u32 v8, $0x10;
	[tilespmem:s21+$0x0] =	vst v36  }
0x348: {  	v8 =	vand.u32 $0xFFFF0000, v8;
	[tilespmem:s13+$0x0] =	vst v37;
	v12 =	vld.idx.msk [tilespmem:v33+s6+$0x0], $0xffff;
	s13 =	sadd.s32 s29, s22  }
0x349: {  	s31 =	sld [smem:$0x7CC];
	[tilespmem:s3+$0x0] =	vst v8;
	s3 =	sadd.s32 s29, s23;
	s16 =	sadd.s32 s30, s13;
	v40 =	vshll.u32 v16, $0x10  }
0x34a: {  	v7 =	vld.idx.msk [tilespmem:v7+s6+$0x0], $0xffff;
	s17 =	sld [smem:$0x7CD];
	s19 =	sadd.s32 s30, s3;
	v41 =	vand.u32 $0xFFFF0000, v16;
	[tilespmem:s16+$0x0] =	vst v40  }
0x34b: {  	s7 =	sadd.s32 s28, s7;
	v42 =	vshll.u32 v38, $0x10;
	[tilespmem:s19+$0x0] =	vst v41  }
0x34c: {  	s21 =	sadd.s32 s28, s14;
	v44 =	vand.u32 $0xFFFF0000, v38;
	[tilespmem:s7+$0x0] =	vst v42;
	s4 =	sadd.s32 s24, s31;
	v45 =	vld.idx.msk [tilespmem:v39+s6+$0x0], $0xffff  }
0x34d: {  	s20 =	sadd.s32 s26, s4;
	s12 =	sadd.s32 s24, s17;
	v43 =	vshll.u32 v12, $0x10;
	s22 =	sld [smem:$0x7CC];
	[tilespmem:s21+$0x0] =	vst v44  }
0x34e: {  	v12 =	vand.u32 $0xFFFF0000, v12;
	s23 =	sadd.s32 s26, s12;
	[tilespmem:s20+$0x0] =	vst v43;
	v10 =	vld.idx.msk [tilespmem:v10+s6+$0x0], $0xffff;
	s31 =	sld [smem:$0x7CD]  }
0x34f: {  	s9 =	sadd.s32 s25, s9;
	v46 =	vshll.u32 v7, $0x10;
	[tilespmem:s23+$0x0] =	vst v12  }
0x350: {  	s15 =	sadd.s32 s25, s10;
	v7 =	vand.u32 $0xFFFF0000, v7;
	[tilespmem:s9+$0x0] =	vst v46;
	s14 =	sadd.s32 s29, s22  }
0x351: {  	s16 =	sld [smem:$0x7D1];
	[tilespmem:s15+$0x0] =	vst v7;
	s7 =	sadd.s32 s29, s31;
	s17 =	sadd.s32 s30, s14;
	v47 =	vshll.u32 v45, $0x10  }
0x352: {  	v48 =	vand.u32 $0xFFFF0000, v45;
	s19 =	sadd.s32 s30, s7;
	[tilespmem:s17+$0x0] =	vst v47  }
0x353: {  	s13 =	sadd.s32 s28, s13;
	v5 =	vld.idx.msk [tilespmem:v5+s6+$0x0], $0xffff;
	v49 =	vshll.u32 v10, $0x10;
	[tilespmem:s19+$0x0] =	vst v48  }
0x354: {  	v50 =	vadd.s32 $0x1F00, v0;
	s3 =	sadd.s32 s28, s3;
	v51 =	vand.u32 $0xFFFF0000, v10;
	[tilespmem:s13+$0x0] =	vst v49  }
0x355: {  	v3 =	vld.idx.msk [tilespmem:v3+s6+$0x0], $0xffff;
	s9 =	sld [smem:$0x7D1];
	[tilespmem:s3+$0x0] =	vst v51  }
0x356: {  	v6 =	vld.idx.msk [tilespmem:v6+s6+$0x0], $0xffff  }
0x357: {  	v53 =	vadd.s32 $0x1F00, v1  }
0x358: {  	[tilespmem:s11+$0x0] =	vst v4;
	s20 =	sadd.s32 s25, s4;
	v52 =	vshll.u32 v5, $0x10  }
0x359: {  	v0 =	vld.idx.msk [tilespmem:v50+s6+$0x0], $0xffff;
	s21 =	sadd.s32 s25, s12;
	v5 =	vand.u32 $0xFFFF0000, v5;
	[tilespmem:s20+$0x0] =	vst v52  }
0x35a: {  	v54 =	vshll.u32 v3, $0x10;
	[tilespmem:s21+$0x0] =	vst v5  }
0x35b: {  	[tilespmem:s2+$0x0] =	vst v54;
	s22 =	sadd.s32 s28, s14;
	v2 =	vld.idx.msk [tilespmem:v2+s6+$0x0], $0xffff;
	v55 =	vshll.u32 v6, $0x10  }
0x35c: {  	s23 =	sadd.s32 s28, s7;
	v1 =	vld.idx.msk [tilespmem:v53+s6+$0x0], $0xffff;
	v56 =	vand.u32 $0xFFFF0000, v6;
	[tilespmem:s22+$0x0] =	vst v55  }
0x35d: {  	v3 =	vand.u32 $0xFFFF0000, v3;
	s24 =	sadd.s32 s24, s16;
	[tilespmem:s23+$0x0] =	vst v56  }
0x35e: {  	[tilespmem:s1+$0x0] =	vst v3;
	s26 =	sadd.s32 s26, s24;
	v57 =	vand.u32 $0xFFFF0000, v0;
	v58 =	vld.idx.msk [tilespmem:v9+s6+$0x0], $0xffff  }
0x35f: {  	v0 =	vshll.u32 v0, $0x10;
	[tilespmem:s26+$0x0] =	vst v57  }
0x360: {  	[tilespmem:s5+$0x0] =	vst v0;
	s29 =	sadd.s32 s29, s9;
	v59 =	vshll.u32 v2, $0x10  }
0x361: {  	s31 =	sadd.s32 s30, s29;
	v60 =	vand.u32 $0xFFFF0000, v1;
	[tilespmem:s0+$0x0] =	vst v59  }
0x362: {  	s1 =	sadd.s32 s25, s24;
	v2 =	vand.u32 $0xFFFF0000, v2;
	[tilespmem:s31+$0x0] =	vst v60  }
0x363: {  	[tilespmem:s1+$0x0] =	vst v2;
	v61 =	vshll.u32 v58, $0x10  }
0x364: {  	[tilespmem:s8+$0x0] =	vst v61  }
0x365: {  	s1 =	sld [smem:$0x7C6];
	_ =	sdelay $0x2  }
0x366: {  	s1 =	sadd.s32 $0x1, s1  }
0x367: {  	p0 =	sne.s32 s1, $0x8  }
.Ltmp9:
0x368: {  	_ = 	snop;
	(pc) =	sbr.rel @p0 .LBB2_18-.Ltmp9, $4  }
0x369: {  	_ = 	snop  }
0x36a: {  	s0 =	sadd.s32 s28, s29;
	v62 =	vand.u32 $0xFFFF0000, v58  }
0x36b: {  	v63 =	vshll.u32 v1, $0x10;
	[tilespmem:s0+$0x0] =	vst v62  }
0x36c: {  	[tilespmem:s18+$0x0] =	vst v63  }
0x36d: {  	s3 =	sld [smem:$0x7D8];
	_ =	sdelay $0x1  }
0x36e: {  	s0 =	simm.s32 $0x800;
	s1 =	simm.s32 $0xE000;
	s2 =	simm.s32 $0xB000  }
0x36f: {  	[hbm4b:s3+s0] =	stream.strided.scatter [tilespmem:s2], [sflag:$0x2], $0x8000, s1, s0, $0x38;
	[tilespmem:$0x13000] =	vst v63  }
0x370: {  	s0 =	sld [smem:$0x7F9];
	_ =	sdelay $0x2  }
0x371: {  	p0 =	sne.s32 s0, $0x15  }
.Ltmp10:
0x372: {  	_ = 	snop;
	(pc) =	sbr.rel @p0 .LBB2_2-.Ltmp10, $2  }
0x373: {  	_ =	sdelay $0x1  }
0x374: {  	s7 =	sld [smem:$0x7FD];
	_ =	sdelay $0x1  }
0x375: {  	s0 =	simm.s32 $0x1  }
0x376: {  	_ =	swait.ge [sflag:s0], $0x8000  }
0x377: {  	[sflag:s0] =	ssyncset.done $0x0  }
0x378: {  	s1 =	simm.s32 $0x2;
	[sflag:s0] =	ssyncadd.s32 $0xFFFF8000  }
0x379: {  	_ =	swait.ge [sflag:s1], $0x8000  }
0x37a: {  	s2 =	sld [smem:$0x7FA]  }
0x37b: {  	s31 =	sld [smem:$0x7FC];
	_ =	sdelay $0x1  }
0x37c: {  	s2 =	sadd.s32 $0x1, s2  }
0x37d: {  	p0 =	sne.s32 s2, s31  }
.Ltmp11:
0x37e: {  	_ = 	snop;
	(pc) =	sbr.rel @p0 .LBB2_1-.Ltmp11, $3  }
0x37f: {  	_ =	sdelay $0x1  }
0x380: {  	[sflag:s1] =	ssyncset.done $0x0  }
0x381: {  	[sflag:s1] =	ssyncadd.s32 $0xFFFF8000  }
0x382: {  	_ =	sfence.sel $0x180000  }
0x383: {  	[bflag:$0x0] =	sbarrier.arrive $0xFFFF  }
0x384: {  	_ =	strace $0x90000047  }
0x385: {  	s0 =	stileid.u32;
	[bflag:$0x2] =	sbarrier.arrive $0xFFFF  }
0x386: {  	p0 =	sne.s32 s0, $0x0;
	s0 =	rddreg [dreg:$0x3]  }
0x387: {  	s0 =	sadd.s32 @!p0 $0x100000, s0  }
0x388: {  	[sflag:s0] =	ssyncadd.tile.s32 @!p0 $0x1;
	_ =	shalt  }
.Lfunc_end2:
_tile_overlayer_lowered:
.L_overlay_start_2:
0x389: {  	(tag) =	ssettag $0x2  }
0x38a: {  	s0 =	rddreg [dreg:$0x0];
	s2 =	stileid.u32  }
0x38b: {  	s1 =	rddreg [dreg:$0x1];
	p0 =	sne.s32 s2, $0x0  }
0x38c: {  	s3 =	rddreg [dreg:$0x2];
	[bflag:$0x3] =	sbarrier.arrive $0xFFFF;
	s2 =	simm.s32 @!p0 $0x1C04  }
0x38d: {  	[timem:s3], [sflag:s2] =	dma.local @!p0 [hbm:s0], s1  }
0x38e: {  	s0 =	simm.s32 @!p0 $0x4  }
0x38f: {  	_ =	swait.ge @!p0 [sflag:s0], s1  }
0x390: {  	s1 =	ssub.s32 @!p0 $0x0, s1;
	[sflag:s0] =	ssyncset.done @!p0 $0x0  }
0x391: {  	[sflag:s0] =	ssyncadd.s32 @!p0 s1  }
0x392: {  	[bflag:$0x3] =	sbarrier.arrive $0xFFFF  }
0x393: {  	_ =	shalt  }

</sc_bundles>
